<compile_context>
chip_gen: v7x
topology: tpu7x:2x2x1
jax: 0.10.2.dev20260603
libtpu: 0.0.44.dev20260713+nightly
codegen_flags: <defaults>
</compile_context>

<pallas_src>
import jax
import jax.numpy as jnp
from jax import lax
from jax.experimental import pallas as pl
from jax.experimental.pallas import tpu as pltpu
from jax.experimental.pallas import tpu_sc as plsc

N_NODES = 10000
D = 128
D_OUT = 64
NC, NS = 2, 16
NW = NC * NS
CHUNK = 128
N_ACC = 10240
EPT = 10240
E_PAD = EPT * NW
NB = EPT // CHUNK
RPT = N_ACC // NS


def _flush_acc(acc_sh, out_hbm, c, s, rows0, rows1, fsem0, fsem1):
    bufs = (rows0, rows1)
    sems = (fsem0, fsem1)
    nk = RPT // CHUNK
    for k in range(nk):
        slot = k % 2
        sl = pl.ds(s * RPT + k * CHUNK, CHUNK)
        osl = pl.ds(c * N_ACC + s * RPT + k * CHUNK, CHUNK)
        if k >= 2:
            psl = pl.ds(c * N_ACC + s * RPT + (k - 2) * CHUNK, CHUNK)
            pltpu.make_async_copy(bufs[slot], out_hbm.at[psl], sems[slot]).wait()
        pltpu.sync_copy(acc_sh.at[sl], bufs[slot])
        pltpu.async_copy(bufs[slot], out_hbm.at[osl], sems[slot])
    for k in range(max(nk - 2, 0), nk):
        slot = k % 2
        osl = pl.ds(c * N_ACC + s * RPT + k * CHUNK, CHUNK)
        pltpu.make_async_copy(bufs[slot], out_hbm.at[osl], sems[slot]).wait()


NB2 = NB // 2


def _sc_agg_body(x_hbm, src_hbm, dst_hbm, zf_hbm, out_hbm,
                 sidx_h, didx_h, rows0, rows1, acc_sh,
                 gsem0, gsem1, ssem0, ssem1):
    c = lax.axis_index("c")
    s = lax.axis_index("s")
    tile = s * NC + c

    pltpu.sync_copy(zf_hbm, rows0)
    for k in range(RPT // CHUNK):
        pltpu.sync_copy(rows0, acc_sh.at[pl.ds(s * RPT + k * CHUNK, CHUNK)])
    plsc.subcore_barrier()

    rows = (rows0, rows1)
    gsems = (gsem0, gsem1)
    ssems = (ssem0, ssem1)

    def g_start(b, slot):
        pltpu.async_copy(x_hbm.at[sidx_h.at[b]], rows[slot], gsems[slot])

    def g_wait(b, slot):
        pltpu.make_async_copy(
            x_hbm.at[sidx_h.at[b]], rows[slot], gsems[slot]).wait()

    def s_start(b, slot):
        pltpu.async_copy(
            rows[slot], acc_sh.at[didx_h.at[b]], ssems[slot], add=True)

    def s_wait(b, slot):
        pltpu.make_async_copy(
            rows[slot], acc_sh.at[didx_h.at[b]], ssems[slot]).wait()

    for half in range(2):
        pltpu.sync_copy(
            src_hbm.at[pl.ds(tile * NB + half * NB2, NB2)], sidx_h)
        pltpu.sync_copy(
            dst_hbm.at[pl.ds(tile * NB + half * NB2, NB2)], didx_h)

        g_start(0, 0)
        g_start(1, 1)

        def step(i, carry):
            for slot in (0, 1):
                b = 2 * i + slot
                g_wait(b, slot)
                s_start(b, slot)
                s_wait(b, slot)
                g_start(b + 2, slot)
            return carry

        lax.fori_loop(0, NB2 // 2 - 1, step, 0)
        for slot in (0, 1):
            b = NB2 - 2 + slot
            g_wait(b, slot)
            s_start(b, slot)
            s_wait(b, slot)

    plsc.subcore_barrier()

    _flush_acc(acc_sh, out_hbm, c, s, rows0, rows1, gsem0, gsem1)


_DEG_DEPTH = 8


def _sc_deg_body(dst_hbm, zf_hbm, ones_hbm, out_hbm,
                 didx_h, rows0, rows1, acc_sh, ssem, fsem0, fsem1):
    c = lax.axis_index("c")
    s = lax.axis_index("s")
    tile = s * NC + c

    pltpu.sync_copy(zf_hbm, rows0)
    for k in range(RPT // CHUNK):
        pltpu.sync_copy(rows0, acc_sh.at[pl.ds(s * RPT + k * CHUNK, CHUNK)])
    pltpu.sync_copy(ones_hbm, rows0)
    plsc.subcore_barrier()

    for half in range(2):
        pltpu.sync_copy(
            dst_hbm.at[pl.ds(tile * NB + half * NB2, NB2)], didx_h)

        def step(b, carry):
            pltpu.async_copy(rows0, acc_sh.at[didx_h.at[b]], ssem, add=True)

            @pl.when(b >= _DEG_DEPTH)
            def _():
                pltpu.make_async_copy(
                    rows0, acc_sh.at[didx_h.at[b - _DEG_DEPTH]], ssem).wait()
            return carry

        lax.fori_loop(0, NB2, step, 0)
        for k in range(_DEG_DEPTH):
            pltpu.make_async_copy(
                rows0, acc_sh.at[didx_h.at[NB2 - _DEG_DEPTH + k]],
                ssem).wait()

    plsc.subcore_barrier()

    _flush_acc(acc_sh, out_hbm, c, s, rows0, rows1, fsem0, fsem1)


_SC_MESH = plsc.VectorSubcoreMesh(core_axis_name="c", subcore_axis_name="s")

_sc_agg = pl.kernel(
    _sc_agg_body,
    out_type=[jax.ShapeDtypeStruct((NC * N_ACC, D), jnp.float32)],
    mesh=_SC_MESH,
    scratch_types=[
        pltpu.VMEM((NB2, CHUNK), jnp.int32),
        pltpu.VMEM((NB2, CHUNK), jnp.int32),
        pltpu.VMEM((CHUNK, D), jnp.float32),
        pltpu.VMEM((CHUNK, D), jnp.float32),
        pltpu.VMEM_SHARED((N_ACC, D), jnp.float32),
        pltpu.SemaphoreType.DMA,
        pltpu.SemaphoreType.DMA,
        pltpu.SemaphoreType.DMA,
        pltpu.SemaphoreType.DMA,
    ],
)

_sc_deg = pl.kernel(
    _sc_deg_body,
    out_type=[jax.ShapeDtypeStruct((NC * N_ACC, D), jnp.float32)],
    mesh=_SC_MESH,
    scratch_types=[
        pltpu.VMEM((NB2, CHUNK), jnp.int32),
        pltpu.VMEM((CHUNK, D), jnp.float32),
        pltpu.VMEM((CHUNK, D), jnp.float32),
        pltpu.VMEM_SHARED((N_ACC, D), jnp.float32),
        pltpu.SemaphoreType.DMA,
        pltpu.SemaphoreType.DMA,
        pltpu.SemaphoreType.DMA,
    ],
)


def _tc_layer1(aggx, degf, x, w1l, b1l, w1r, h_ref, invd_ref):
    deg = degf[0:N_NODES, 0:1] + degf[N_ACC:N_ACC + N_NODES, 0:1]
    invd = 1.0 / jnp.maximum(deg, 1.0)
    invd_ref[...] = invd
    agg = aggx[0:N_NODES, :] + aggx[N_ACC:N_ACC + N_NODES, :]
    h = (jnp.dot(agg, w1l[...], preferred_element_type=jnp.float32) * invd
         + b1l[...][None, :]
         + jnp.dot(x[...], w1r[...], preferred_element_type=jnp.float32))
    h_ref[...] = jnp.maximum(h, 0.0)


def _tc_layer2(aggh, invd_ref, h, w2l, b2l, w2r, wc, bc, h2_ref, logits_ref):
    invd = invd_ref[...]
    agg = aggh[0:N_NODES, :] + aggh[N_ACC:N_ACC + N_NODES, :]
    h2 = (jnp.dot(agg, w2l[...], preferred_element_type=jnp.float32) * invd
          + b2l[...][None, :]
          + jnp.dot(h[...], w2r[...], preferred_element_type=jnp.float32))
    h2 = jnp.maximum(h2, 0.0)
    h2_ref[...] = h2
    logits_ref[...] = (jnp.dot(h2, wc[...], preferred_element_type=jnp.float32)
                       + bc[...][None, :])


def kernel(x, edge_index, W1l, b1l, W1r, W2l, b2l, W2r, Wc, bc):
    E = edge_index.shape[1]
    src = edge_index[0]
    dst = edge_index[1]
    pad = E_PAD - E
    pidx = jnp.arange(pad, dtype=jnp.int32)
    src_p = jnp.concatenate([src, pidx % 16]).reshape(NW * NB, CHUNK)
    dst_p = jnp.concatenate(
        [dst, N_NODES + pidx % (N_ACC - N_NODES)]).reshape(NW * NB, CHUNK)

    zf = jnp.zeros((CHUNK, D), jnp.float32)
    ones = jnp.ones((CHUNK, D), jnp.float32)

    (degf,) = _sc_deg(dst_p, zf, ones)
    (aggx,) = _sc_agg(x, src_p, dst_p, zf)

    h, invd = pl.pallas_call(
        _tc_layer1,
        out_shape=(jax.ShapeDtypeStruct((N_NODES, D), jnp.float32),
                   jax.ShapeDtypeStruct((N_NODES, 1), jnp.float32)),
    )(aggx, degf, x, W1l, b1l, W1r)

    (aggh,) = _sc_agg(h, src_p, dst_p, zf)

    h2, logits = pl.pallas_call(
        _tc_layer2,
        out_shape=(jax.ShapeDtypeStruct((N_NODES, D), jnp.float32),
                   jax.ShapeDtypeStruct((N_NODES, D_OUT), jnp.float32)),
    )(aggh, invd, h, W2l, b2l, W2r, Wc, bc)

    return (logits, h2)

# --- scband reference (transcript-rebuilt; emitter-appended) ---
"""Pipeline reference for scband-graph-sage-72361609003660 (READ-ONLY COPY).

The authoritative reference and input builder live on the scoring server;
editing this copy changes nothing except your own understanding.
"""

import jax, jax.numpy as jnp
import numpy as np

N = 10000
E = 320000
D_IN = 128
D_HID = 128
D_OUT = 64


def setup_inputs(seed: int = 0) -> dict:
    key = jax.random.key(seed)
    ks = jax.random.split(key, 12)
    x = jax.random.normal(ks[0], (N, D_IN), dtype=jnp.float32)
    edge_index = jax.random.randint(ks[1], (2, E), 0, N, dtype=jnp.int32)
    # SAGEConv params (PyG style: lin_l on aggregated neighbors with bias, lin_r on root without bias)
    s1 = 1.0 / np.sqrt(D_IN)
    s2 = 1.0 / np.sqrt(D_HID)
    W1l = jax.random.normal(ks[2], (D_IN, D_HID), dtype=jnp.float32) * s1
    b1l = jnp.zeros((D_HID,), dtype=jnp.float32)
    W1r = jax.random.normal(ks[3], (D_IN, D_HID), dtype=jnp.float32) * s1
    W2l = jax.random.normal(ks[4], (D_HID, D_HID), dtype=jnp.float32) * s2
    b2l = jnp.zeros((D_HID,), dtype=jnp.float32)
    W2r = jax.random.normal(ks[5], (D_HID, D_HID), dtype=jnp.float32) * s2
    Wc = jax.random.normal(ks[6], (D_HID, D_OUT), dtype=jnp.float32) * s2
    bc = jnp.zeros((D_OUT,), dtype=jnp.float32)
    return {"x": x, "edge_index": edge_index, "W1l": W1l, "b1l": b1l, "W1r": W1r,
            "W2l": W2l, "b2l": b2l, "W2r": W2r, "Wc": Wc, "bc": bc}


def _sage_conv(x, edge_index, Wl, bl, Wr):
    # mean aggregation of source features at destination nodes
    src = edge_index[0]
    dst = edge_index[1]
    msgs = jnp.take(x, src, axis=0)                               # gather
    agg = jax.ops.segment_sum(msgs, dst, num_segments=N)          # scatter-add
    deg = jax.ops.segment_sum(jnp.ones((edge_index.shape[1],), dtype=x.dtype), dst, num_segments=N)
    mean = agg / jnp.clip(deg, 1.0)[:, None]
    return mean @ Wl + bl + x @ Wr


def reference(x, edge_index, W1l, b1l, W1r, W2l, b2l, W2r, Wc, bc):
    h = _sage_conv(x, edge_index, W1l, b1l, W1r)
    h = jax.nn.relu(h)
    # dropout(p=0.3, training=False) -> identity in eval mode
    h = _sage_conv(h, edge_index, W2l, b2l, W2r)
    h = jax.nn.relu(h)
    logits = h @ Wc + bc
    return (logits, h)

if __name__ == "__main__":
    import jax
    _d = setup_inputs()
    print(jax.jit(kernel)(*tuple(_d.values())))

</pallas_src>

<mosaic_0001>
#map = affine_map<(d0, d1) -> (0, 0)>
module attributes {stable_mosaic.version = 14 : i64} {
  func.func @_sc_agg_body(%arg0: i32, %arg1: i32, %arg2: memref<10000x128xf32, #tpu.memory_space<hbm>>, %arg3: memref<2560x128xi32, #tpu.memory_space<hbm>>, %arg4: memref<2560x128xi32, #tpu.memory_space<hbm>>, %arg5: memref<128x128xf32, #tpu.memory_space<hbm>>, %arg6: memref<20480x128xf32, #tpu.memory_space<hbm>>, %arg7: memref<40x128xi32, #tpu.memory_space<vmem>>, %arg8: memref<40x128xi32, #tpu.memory_space<vmem>>, %arg9: memref<128x128xf32, #tpu.memory_space<vmem>>, %arg10: memref<128x128xf32, #tpu.memory_space<vmem>>, %arg11: memref<10240x128xf32, #tpu.memory_space<vmem_shared>>, %arg12: memref<!tpu.dma_semaphore, #tpu.memory_space<semaphore_mem>>, %arg13: memref<!tpu.dma_semaphore, #tpu.memory_space<semaphore_mem>>, %arg14: memref<!tpu.dma_semaphore, #tpu.memory_space<semaphore_mem>>, %arg15: memref<!tpu.dma_semaphore, #tpu.memory_space<semaphore_mem>>) attributes {dimension_semantics = [#tpu.dimension_semantics<core_parallel>, #tpu.dimension_semantics<subcore_parallel>], iteration_bounds = array<i64: 2, 16>, scalar_prefetch = 0 : i64, scratch_operands = 9 : i64, tpu.core_type = #tpu.core_type<sc_vector_subcore>, window_params = [{transform_indices = #map}, {transform_indices = #map}, {transform_indices = #map}, {transform_indices = #map}, {transform_indices = #map}]} {
    %mul3A = arith.constant 2 : i32
    %mul3A_0 = arith.muli %arg1, %mul3A : i32
    %add3A = arith.addi %mul3A_0, %arg0 : i32
    "tpu.region"() ({
      %run_scoped3A = tpu.sem_alloc : memref<!tpu.dma_semaphore, #tpu.memory_space<semaphore_mem>>
      tpu.enqueue_dma source(%arg5 : memref<128x128xf32, #tpu.memory_space<hbm>>) target(%arg9 : memref<128x128xf32, #tpu.memory_space<vmem>>) target_semaphore(%run_scoped3A : memref<!tpu.dma_semaphore, #tpu.memory_space<semaphore_mem>>)
      tpu.wait_dma2 semaphore(%run_scoped3A : memref<!tpu.dma_semaphore, #tpu.memory_space<semaphore_mem>>) src(%arg5 : memref<128x128xf32, #tpu.memory_space<hbm>>) dst(%arg9 : memref<128x128xf32, #tpu.memory_space<vmem>>)
      tpu.yield
    }) : () -> ()
    %mul3A_1 = arith.constant 640 : i32
    %mul3A_2 = arith.muli %arg1, %mul3A_1 : i32
    %add3A_3 = arith.constant 0 : i32
    %add3A_4 = arith.addi %mul3A_2, %add3A_3 : i32
    "tpu.region"() ({
      %run_scoped3A = tpu.sem_alloc : memref<!tpu.dma_semaphore, #tpu.memory_space<semaphore_mem>>
      %dma_start3A_289 = arith.constant 0 : i32
      %dma_start3A_290 = tpu.memref_slice %arg11[%add3A_4, %dma_start3A_289] : memref<10240x128xf32, #tpu.memory_space<vmem_shared>> -> memref<128x128xf32, #tpu.memory_space<vmem_shared>>
      %dma_start3A_291 = arith.constant 0 : i32
      %dma_start3A_292 = tpu.memref_slice %arg11[%add3A_4, %dma_start3A_291] : memref<10240x128xf32, #tpu.memory_space<vmem_shared>> -> memref<128x128xf32, #tpu.memory_space<vmem_shared>>
      tpu.enqueue_dma source(%arg9 : memref<128x128xf32, #tpu.memory_space<vmem>>) target(%dma_start3A_292 : memref<128x128xf32, #tpu.memory_space<vmem_shared>>) target_semaphore(%run_scoped3A : memref<!tpu.dma_semaphore, #tpu.memory_space<semaphore_mem>>)
      %dma_wait3A_293 = arith.constant 0 : i32
      %dma_wait3A_294 = tpu.memref_slice %arg11[%add3A_4, %dma_wait3A_293] : memref<10240x128xf32, #tpu.memory_space<vmem_shared>> -> memref<128x128xf32, #tpu.memory_space<vmem_shared>>
      %dma_wait3A_295 = arith.constant 0 : i32
      %dma_wait3A_296 = tpu.memref_slice %arg11[%add3A_4, %dma_wait3A_295] : memref<10240x128xf32, #tpu.memory_space<vmem_shared>> -> memref<128x128xf32, #tpu.memory_space<vmem_shared>>
      tpu.wait_dma2 semaphore(%run_scoped3A : memref<!tpu.dma_semaphore, #tpu.memory_space<semaphore_mem>>) src(%arg9 : memref<128x128xf32, #tpu.memory_space<vmem>>) dst(%dma_wait3A_296 : memref<128x128xf32, #tpu.memory_space<vmem_shared>>)
      tpu.yield
    }) : () -> ()
    %mul3A_5 = arith.constant 640 : i32
    %mul3A_6 = arith.muli %arg1, %mul3A_5 : i32
    %add3A_7 = arith.constant 128 : i32
    %add3A_8 = arith.addi %mul3A_6, %add3A_7 : i32
    "tpu.region"() ({
      %run_scoped3A = tpu.sem_alloc : memref<!tpu.dma_semaphore, #tpu.memory_space<semaphore_mem>>
      %dma_start3A_289 = arith.constant 0 : i32
      %dma_start3A_290 = tpu.memref_slice %arg11[%add3A_8, %dma_start3A_289] : memref<10240x128xf32, #tpu.memory_space<vmem_shared>> -> memref<128x128xf32, #tpu.memory_space<vmem_shared>>
      %dma_start3A_291 = arith.constant 0 : i32
      %dma_start3A_292 = tpu.memref_slice %arg11[%add3A_8, %dma_start3A_291] : memref<10240x128xf32, #tpu.memory_space<vmem_shared>> -> memref<128x128xf32, #tpu.memory_space<vmem_shared>>
      tpu.enqueue_dma source(%arg9 : memref<128x128xf32, #tpu.memory_space<vmem>>) target(%dma_start3A_292 : memref<128x128xf32, #tpu.memory_space<vmem_shared>>) target_semaphore(%run_scoped3A : memref<!tpu.dma_semaphore, #tpu.memory_space<semaphore_mem>>)
      %dma_wait3A_293 = arith.constant 0 : i32
      %dma_wait3A_294 = tpu.memref_slice %arg11[%add3A_8, %dma_wait3A_293] : memref<10240x128xf32, #tpu.memory_space<vmem_shared>> -> memref<128x128xf32, #tpu.memory_space<vmem_shared>>
      %dma_wait3A_295 = arith.constant 0 : i32
      %dma_wait3A_296 = tpu.memref_slice %arg11[%add3A_8, %dma_wait3A_295] : memref<10240x128xf32, #tpu.memory_space<vmem_shared>> -> memref<128x128xf32, #tpu.memory_space<vmem_shared>>
      tpu.wait_dma2 semaphore(%run_scoped3A : memref<!tpu.dma_semaphore, #tpu.memory_space<semaphore_mem>>) src(%arg9 : memref<128x128xf32, #tpu.memory_space<vmem>>) dst(%dma_wait3A_296 : memref<128x128xf32, #tpu.memory_space<vmem_shared>>)
      tpu.yield
    }) : () -> ()
    %mul3A_9 = arith.constant 640 : i32
    %mul3A_10 = arith.muli %arg1, %mul3A_9 : i32
    %add3A_11 = arith.constant 256 : i32
    %add3A_12 = arith.addi %mul3A_10, %add3A_11 : i32
    "tpu.region"() ({
      %run_scoped3A = tpu.sem_alloc : memref<!tpu.dma_semaphore, #tpu.memory_space<semaphore_mem>>
      %dma_start3A_289 = arith.constant 0 : i32
      %dma_start3A_290 = tpu.memref_slice %arg11[%add3A_12, %dma_start3A_289] : memref<10240x128xf32, #tpu.memory_space<vmem_shared>> -> memref<128x128xf32, #tpu.memory_space<vmem_shared>>
      %dma_start3A_291 = arith.constant 0 : i32
      %dma_start3A_292 = tpu.memref_slice %arg11[%add3A_12, %dma_start3A_291] : memref<10240x128xf32, #tpu.memory_space<vmem_shared>> -> memref<128x128xf32, #tpu.memory_space<vmem_shared>>
      tpu.enqueue_dma source(%arg9 : memref<128x128xf32, #tpu.memory_space<vmem>>) target(%dma_start3A_292 : memref<128x128xf32, #tpu.memory_space<vmem_shared>>) target_semaphore(%run_scoped3A : memref<!tpu.dma_semaphore, #tpu.memory_space<semaphore_mem>>)
      %dma_wait3A_293 = arith.constant 0 : i32
      %dma_wait3A_294 = tpu.memref_slice %arg11[%add3A_12, %dma_wait3A_293] : memref<10240x128xf32, #tpu.memory_space<vmem_shared>> -> memref<128x128xf32, #tpu.memory_space<vmem_shared>>
      %dma_wait3A_295 = arith.constant 0 : i32
      %dma_wait3A_296 = tpu.memref_slice %arg11[%add3A_12, %dma_wait3A_295] : memref<10240x128xf32, #tpu.memory_space<vmem_shared>> -> memref<128x128xf32, #tpu.memory_space<vmem_shared>>
      tpu.wait_dma2 semaphore(%run_scoped3A : memref<!tpu.dma_semaphore, #tpu.memory_space<semaphore_mem>>) src(%arg9 : memref<128x128xf32, #tpu.memory_space<vmem>>) dst(%dma_wait3A_296 : memref<128x128xf32, #tpu.memory_space<vmem_shared>>)
      tpu.yield
    }) : () -> ()
    %mul3A_13 = arith.constant 640 : i32
    %mul3A_14 = arith.muli %arg1, %mul3A_13 : i32
    %add3A_15 = arith.constant 384 : i32
    %add3A_16 = arith.addi %mul3A_14, %add3A_15 : i32
    "tpu.region"() ({
      %run_scoped3A = tpu.sem_alloc : memref<!tpu.dma_semaphore, #tpu.memory_space<semaphore_mem>>
      %dma_start3A_289 = arith.constant 0 : i32
      %dma_start3A_290 = tpu.memref_slice %arg11[%add3A_16, %dma_start3A_289] : memref<10240x128xf32, #tpu.memory_space<vmem_shared>> -> memref<128x128xf32, #tpu.memory_space<vmem_shared>>
      %dma_start3A_291 = arith.constant 0 : i32
      %dma_start3A_292 = tpu.memref_slice %arg11[%add3A_16, %dma_start3A_291] : memref<10240x128xf32, #tpu.memory_space<vmem_shared>> -> memref<128x128xf32, #tpu.memory_space<vmem_shared>>
      tpu.enqueue_dma source(%arg9 : memref<128x128xf32, #tpu.memory_space<vmem>>) target(%dma_start3A_292 : memref<128x128xf32, #tpu.memory_space<vmem_shared>>) target_semaphore(%run_scoped3A : memref<!tpu.dma_semaphore, #tpu.memory_space<semaphore_mem>>)
      %dma_wait3A_293 = arith.constant 0 : i32
      %dma_wait3A_294 = tpu.memref_slice %arg11[%add3A_16, %dma_wait3A_293] : memref<10240x128xf32, #tpu.memory_space<vmem_shared>> -> memref<128x128xf32, #tpu.memory_space<vmem_shared>>
      %dma_wait3A_295 = arith.constant 0 : i32
      %dma_wait3A_296 = tpu.memref_slice %arg11[%add3A_16, %dma_wait3A_295] : memref<10240x128xf32, #tpu.memory_space<vmem_shared>> -> memref<128x128xf32, #tpu.memory_space<vmem_shared>>
      tpu.wait_dma2 semaphore(%run_scoped3A : memref<!tpu.dma_semaphore, #tpu.memory_space<semaphore_mem>>) src(%arg9 : memref<128x128xf32, #tpu.memory_space<vmem>>) dst(%dma_wait3A_296 : memref<128x128xf32, #tpu.memory_space<vmem_shared>>)
      tpu.yield
    }) : () -> ()
    %mul3A_17 = arith.constant 640 : i32
    %mul3A_18 = arith.muli %arg1, %mul3A_17 : i32
    %add3A_19 = arith.constant 512 : i32
    %add3A_20 = arith.addi %mul3A_18, %add3A_19 : i32
    "tpu.region"() ({
      %run_scoped3A = tpu.sem_alloc : memref<!tpu.dma_semaphore, #tpu.memory_space<semaphore_mem>>
      %dma_start3A_289 = arith.constant 0 : i32
      %dma_start3A_290 = tpu.memref_slice %arg11[%add3A_20, %dma_start3A_289] : memref<10240x128xf32, #tpu.memory_space<vmem_shared>> -> memref<128x128xf32, #tpu.memory_space<vmem_shared>>
      %dma_start3A_291 = arith.constant 0 : i32
      %dma_start3A_292 = tpu.memref_slice %arg11[%add3A_20, %dma_start3A_291] : memref<10240x128xf32, #tpu.memory_space<vmem_shared>> -> memref<128x128xf32, #tpu.memory_space<vmem_shared>>
      tpu.enqueue_dma source(%arg9 : memref<128x128xf32, #tpu.memory_space<vmem>>) target(%dma_start3A_292 : memref<128x128xf32, #tpu.memory_space<vmem_shared>>) target_semaphore(%run_scoped3A : memref<!tpu.dma_semaphore, #tpu.memory_space<semaphore_mem>>)
      %dma_wait3A_293 = arith.constant 0 : i32
      %dma_wait3A_294 = tpu.memref_slice %arg11[%add3A_20, %dma_wait3A_293] : memref<10240x128xf32, #tpu.memory_space<vmem_shared>> -> memref<128x128xf32, #tpu.memory_space<vmem_shared>>
      %dma_wait3A_295 = arith.constant 0 : i32
      %dma_wait3A_296 = tpu.memref_slice %arg11[%add3A_20, %dma_wait3A_295] : memref<10240x128xf32, #tpu.memory_space<vmem_shared>> -> memref<128x128xf32, #tpu.memory_space<vmem_shared>>
      tpu.wait_dma2 semaphore(%run_scoped3A : memref<!tpu.dma_semaphore, #tpu.memory_space<semaphore_mem>>) src(%arg9 : memref<128x128xf32, #tpu.memory_space<vmem>>) dst(%dma_wait3A_296 : memref<128x128xf32, #tpu.memory_space<vmem_shared>>)
      tpu.yield
    }) : () -> ()
    %barrier3A = arith.constant 0 : index
    tpu.barrier barrier_id(%barrier3A)
    %mul3A_21 = arith.constant 80 : i32
    %mul3A_22 = arith.muli %add3A, %mul3A_21 : i32
    %add3A_23 = arith.constant 0 : i32
    %add3A_24 = arith.addi %mul3A_22, %add3A_23 : i32
    "tpu.region"() ({
      %run_scoped3A = tpu.sem_alloc : memref<!tpu.dma_semaphore, #tpu.memory_space<semaphore_mem>>
      %dma_start3A_289 = arith.constant 0 : i32
      %dma_start3A_290 = tpu.memref_slice %arg3[%add3A_24, %dma_start3A_289] : memref<2560x128xi32, #tpu.memory_space<hbm>> -> memref<40x128xi32, #tpu.memory_space<hbm>>
      %dma_start3A_291 = arith.constant 0 : i32
      %dma_start3A_292 = tpu.memref_slice %arg3[%add3A_24, %dma_start3A_291] : memref<2560x128xi32, #tpu.memory_space<hbm>> -> memref<40x128xi32, #tpu.memory_space<hbm>>
      tpu.enqueue_dma source(%dma_start3A_292 : memref<40x128xi32, #tpu.memory_space<hbm>>) target(%arg7 : memref<40x128xi32, #tpu.memory_space<vmem>>) target_semaphore(%run_scoped3A : memref<!tpu.dma_semaphore, #tpu.memory_space<semaphore_mem>>)
      %dma_wait3A_293 = arith.constant 0 : i32
      %dma_wait3A_294 = tpu.memref_slice %arg3[%add3A_24, %dma_wait3A_293] : memref<2560x128xi32, #tpu.memory_space<hbm>> -> memref<40x128xi32, #tpu.memory_space<hbm>>
      %dma_wait3A_295 = arith.constant 0 : i32
      %dma_wait3A_296 = tpu.memref_slice %arg3[%add3A_24, %dma_wait3A_295] : memref<2560x128xi32, #tpu.memory_space<hbm>> -> memref<40x128xi32, #tpu.memory_space<hbm>>
      tpu.wait_dma2 semaphore(%run_scoped3A : memref<!tpu.dma_semaphore, #tpu.memory_space<semaphore_mem>>) src(%dma_wait3A_296 : memref<40x128xi32, #tpu.memory_space<hbm>>) dst(%arg7 : memref<40x128xi32, #tpu.memory_space<vmem>>)
      tpu.yield
    }) : () -> ()
    %mul3A_25 = arith.constant 80 : i32
    %mul3A_26 = arith.muli %add3A, %mul3A_25 : i32
    %add3A_27 = arith.constant 0 : i32
    %add3A_28 = arith.addi %mul3A_26, %add3A_27 : i32
    "tpu.region"() ({
      %run_scoped3A = tpu.sem_alloc : memref<!tpu.dma_semaphore, #tpu.memory_space<semaphore_mem>>
      %dma_start3A_289 = arith.constant 0 : i32
      %dma_start3A_290 = tpu.memref_slice %arg4[%add3A_28, %dma_start3A_289] : memref<2560x128xi32, #tpu.memory_space<hbm>> -> memref<40x128xi32, #tpu.memory_space<hbm>>
      %dma_start3A_291 = arith.constant 0 : i32
      %dma_start3A_292 = tpu.memref_slice %arg4[%add3A_28, %dma_start3A_291] : memref<2560x128xi32, #tpu.memory_space<hbm>> -> memref<40x128xi32, #tpu.memory_space<hbm>>
      tpu.enqueue_dma source(%dma_start3A_292 : memref<40x128xi32, #tpu.memory_space<hbm>>) target(%arg8 : memref<40x128xi32, #tpu.memory_space<vmem>>) target_semaphore(%run_scoped3A : memref<!tpu.dma_semaphore, #tpu.memory_space<semaphore_mem>>)
      %dma_wait3A_293 = arith.constant 0 : i32
      %dma_wait3A_294 = tpu.memref_slice %arg4[%add3A_28, %dma_wait3A_293] : memref<2560x128xi32, #tpu.memory_space<hbm>> -> memref<40x128xi32, #tpu.memory_space<hbm>>
      %dma_wait3A_295 = arith.constant 0 : i32
      %dma_wait3A_296 = tpu.memref_slice %arg4[%add3A_28, %dma_wait3A_295] : memref<2560x128xi32, #tpu.memory_space<hbm>> -> memref<40x128xi32, #tpu.memory_space<hbm>>
      tpu.wait_dma2 semaphore(%run_scoped3A : memref<!tpu.dma_semaphore, #tpu.memory_space<semaphore_mem>>) src(%dma_wait3A_296 : memref<40x128xi32, #tpu.memory_space<hbm>>) dst(%arg8 : memref<40x128xi32, #tpu.memory_space<vmem>>)
      tpu.yield
    }) : () -> ()
    %dma_start3A = arith.constant 0 : i32
    %dma_start3A_29 = arith.constant 0 : i32
    %dma_start3A_30 = tpu.memref_slice %arg7[%dma_start3A, %dma_start3A_29] : memref<40x128xi32, #tpu.memory_space<vmem>> -> memref<1x128xi32, #tpu.memory_space<vmem>>
    %dma_start3A_31 = tpu.memref_squeeze %dma_start3A_30 : memref<1x128xi32, #tpu.memory_space<vmem>> -> memref<128xi32, #tpu.memory_space<vmem>>
    %dma_start3A_32 = arith.constant 0 : i32
    %dma_start3A_33 = arith.constant 0 : i32
    %dma_start3A_34 = tpu.memref_slice %arg2[%dma_start3A_32, %dma_start3A_33] : memref<10000x128xf32, #tpu.memory_space<hbm>> -> memref<10000x128xf32, #tpu.memory_space<hbm>>
    tpu.enqueue_indirect_dma source(%dma_start3A_34 : memref<10000x128xf32, #tpu.memory_space<hbm>>) target(%arg9 : memref<128x128xf32, #tpu.memory_space<vmem>>) offsets(%dma_start3A_31 : memref<128xi32, #tpu.memory_space<vmem>>) semaphore(%arg12 : memref<!tpu.dma_semaphore, #tpu.memory_space<semaphore_mem>>)
    %dma_start3A_35 = arith.constant 1 : i32
    %dma_start3A_36 = arith.constant 0 : i32
    %dma_start3A_37 = tpu.memref_slice %arg7[%dma_start3A_35, %dma_start3A_36] : memref<40x128xi32, #tpu.memory_space<vmem>> -> memref<1x128xi32, #tpu.memory_space<vmem>>
    %dma_start3A_38 = tpu.memref_squeeze %dma_start3A_37 : memref<1x128xi32, #tpu.memory_space<vmem>> -> memref<128xi32, #tpu.memory_space<vmem>>
    %dma_start3A_39 = arith.constant 0 : i32
    %dma_start3A_40 = arith.constant 0 : i32
    %dma_start3A_41 = tpu.memref_slice %arg2[%dma_start3A_39, %dma_start3A_40] : memref<10000x128xf32, #tpu.memory_space<hbm>> -> memref<10000x128xf32, #tpu.memory_space<hbm>>
    tpu.enqueue_indirect_dma source(%dma_start3A_41 : memref<10000x128xf32, #tpu.memory_space<hbm>>) target(%arg10 : memref<128x128xf32, #tpu.memory_space<vmem>>) offsets(%dma_start3A_38 : memref<128xi32, #tpu.memory_space<vmem>>) semaphore(%arg13 : memref<!tpu.dma_semaphore, #tpu.memory_space<semaphore_mem>>)
    %scan3A = arith.constant 0 : i32
    %scan3A_42 = arith.constant 0 : i32
    %scan3A_43 = arith.constant 19 : i32
    %scan3A_44 = arith.addi %scan3A_42, %scan3A_43 : i32
    %scan3A_45 = arith.constant 1 : i32
    scf.for %scan3A_289 = %scan3A_42 to %scan3A_44 step %scan3A_45  : i32 {
      %mul3A_290 = arith.constant 2 : i32
      %mul3A_291 = arith.muli %mul3A_290, %scan3A_289 : i32
      %add3A_292 = arith.constant 0 : i32
      %add3A_293 = arith.addi %mul3A_291, %add3A_292 : i32
      %dma_wait3A_294 = arith.constant 0 : i32
      %dma_wait3A_295 = tpu.memref_slice %arg7[%add3A_293, %dma_wait3A_294] : memref<40x128xi32, #tpu.memory_space<vmem>> -> memref<1x128xi32, #tpu.memory_space<vmem>>
      %dma_wait3A_296 = tpu.memref_squeeze %dma_wait3A_295 : memref<1x128xi32, #tpu.memory_space<vmem>> -> memref<128xi32, #tpu.memory_space<vmem>>
      %dma_wait3A_297 = arith.constant 0 : i32
      %dma_wait3A_298 = arith.constant 0 : i32
      %dma_wait3A_299 = tpu.memref_slice %arg2[%dma_wait3A_297, %dma_wait3A_298] : memref<10000x128xf32, #tpu.memory_space<hbm>> -> memref<10000x128xf32, #tpu.memory_space<hbm>>
      tpu.wait_indirect_dma semaphore(%arg12 : memref<!tpu.dma_semaphore, #tpu.memory_space<semaphore_mem>>) src(%dma_wait3A_299 : memref<10000x128xf32, #tpu.memory_space<hbm>>) dst(%arg9 : memref<128x128xf32, #tpu.memory_space<vmem>>)
      %dma_start3A_300 = arith.constant 0 : i32
      %dma_start3A_301 = tpu.memref_slice %arg8[%add3A_293, %dma_start3A_300] : memref<40x128xi32, #tpu.memory_space<vmem>> -> memref<1x128xi32, #tpu.memory_space<vmem>>
      %dma_start3A_302 = tpu.memref_squeeze %dma_start3A_301 : memref<1x128xi32, #tpu.memory_space<vmem>> -> memref<128xi32, #tpu.memory_space<vmem>>
      %dma_start3A_303 = arith.constant 0 : i32
      %dma_start3A_304 = arith.constant 0 : i32
      %dma_start3A_305 = tpu.memref_slice %arg11[%dma_start3A_303, %dma_start3A_304] : memref<10240x128xf32, #tpu.memory_space<vmem_shared>> -> memref<10240x128xf32, #tpu.memory_space<vmem_shared>>
      tpu.enqueue_indirect_dma source(%arg9 : memref<128x128xf32, #tpu.memory_space<vmem>>) target(%dma_start3A_305 : memref<10240x128xf32, #tpu.memory_space<vmem_shared>>) offsets(%dma_start3A_302 : memref<128xi32, #tpu.memory_space<vmem>>) semaphore(%arg14 : memref<!tpu.dma_semaphore, #tpu.memory_space<semaphore_mem>>) {add = true}
      %dma_wait3A_306 = arith.constant 0 : i32
      %dma_wait3A_307 = tpu.memref_slice %arg8[%add3A_293, %dma_wait3A_306] : memref<40x128xi32, #tpu.memory_space<vmem>> -> memref<1x128xi32, #tpu.memory_space<vmem>>
      %dma_wait3A_308 = tpu.memref_squeeze %dma_wait3A_307 : memref<1x128xi32, #tpu.memory_space<vmem>> -> memref<128xi32, #tpu.memory_space<vmem>>
      %dma_wait3A_309 = arith.constant 0 : i32
      %dma_wait3A_310 = arith.constant 0 : i32
      %dma_wait3A_311 = tpu.memref_slice %arg11[%dma_wait3A_309, %dma_wait3A_310] : memref<10240x128xf32, #tpu.memory_space<vmem_shared>> -> memref<10240x128xf32, #tpu.memory_space<vmem_shared>>
      tpu.wait_indirect_dma semaphore(%arg14 : memref<!tpu.dma_semaphore, #tpu.memory_space<semaphore_mem>>) src(%arg9 : memref<128x128xf32, #tpu.memory_space<vmem>>) dst(%dma_wait3A_311 : memref<10240x128xf32, #tpu.memory_space<vmem_shared>>)
      %add3A_312 = arith.constant 2 : i32
      %add3A_313 = arith.addi %add3A_293, %add3A_312 : i32
      %dma_start3A_314 = arith.constant 0 : i32
      %dma_start3A_315 = tpu.memref_slice %arg7[%add3A_313, %dma_start3A_314] : memref<40x128xi32, #tpu.memory_space<vmem>> -> memref<1x128xi32, #tpu.memory_space<vmem>>
      %dma_start3A_316 = tpu.memref_squeeze %dma_start3A_315 : memref<1x128xi32, #tpu.memory_space<vmem>> -> memref<128xi32, #tpu.memory_space<vmem>>
      %dma_start3A_317 = arith.constant 0 : i32
      %dma_start3A_318 = arith.constant 0 : i32
      %dma_start3A_319 = tpu.memref_slice %arg2[%dma_start3A_317, %dma_start3A_318] : memref<10000x128xf32, #tpu.memory_space<hbm>> -> memref<10000x128xf32, #tpu.memory_space<hbm>>
      tpu.enqueue_indirect_dma source(%dma_start3A_319 : memref<10000x128xf32, #tpu.memory_space<hbm>>) target(%arg9 : memref<128x128xf32, #tpu.memory_space<vmem>>) offsets(%dma_start3A_316 : memref<128xi32, #tpu.memory_space<vmem>>) semaphore(%arg12 : memref<!tpu.dma_semaphore, #tpu.memory_space<semaphore_mem>>)
      %mul3A_320 = arith.constant 2 : i32
      %mul3A_321 = arith.muli %mul3A_320, %scan3A_289 : i32
      %add3A_322 = arith.constant 1 : i32
      %add3A_323 = arith.addi %mul3A_321, %add3A_322 : i32
      %dma_wait3A_324 = arith.constant 0 : i32
      %dma_wait3A_325 = tpu.memref_slice %arg7[%add3A_323, %dma_wait3A_324] : memref<40x128xi32, #tpu.memory_space<vmem>> -> memref<1x128xi32, #tpu.memory_space<vmem>>
      %dma_wait3A_326 = tpu.memref_squeeze %dma_wait3A_325 : memref<1x128xi32, #tpu.memory_space<vmem>> -> memref<128xi32, #tpu.memory_space<vmem>>
      %dma_wait3A_327 = arith.constant 0 : i32
      %dma_wait3A_328 = arith.constant 0 : i32
      %dma_wait3A_329 = tpu.memref_slice %arg2[%dma_wait3A_327, %dma_wait3A_328] : memref<10000x128xf32, #tpu.memory_space<hbm>> -> memref<10000x128xf32, #tpu.memory_space<hbm>>
      tpu.wait_indirect_dma semaphore(%arg13 : memref<!tpu.dma_semaphore, #tpu.memory_space<semaphore_mem>>) src(%dma_wait3A_329 : memref<10000x128xf32, #tpu.memory_space<hbm>>) dst(%arg10 : memref<128x128xf32, #tpu.memory_space<vmem>>)
      %dma_start3A_330 = arith.constant 0 : i32
      %dma_start3A_331 = tpu.memref_slice %arg8[%add3A_323, %dma_start3A_330] : memref<40x128xi32, #tpu.memory_space<vmem>> -> memref<1x128xi32, #tpu.memory_space<vmem>>
      %dma_start3A_332 = tpu.memref_squeeze %dma_start3A_331 : memref<1x128xi32, #tpu.memory_space<vmem>> -> memref<128xi32, #tpu.memory_space<vmem>>
      %dma_start3A_333 = arith.constant 0 : i32
      %dma_start3A_334 = arith.constant 0 : i32
      %dma_start3A_335 = tpu.memref_slice %arg11[%dma_start3A_333, %dma_start3A_334] : memref<10240x128xf32, #tpu.memory_space<vmem_shared>> -> memref<10240x128xf32, #tpu.memory_space<vmem_shared>>
      tpu.enqueue_indirect_dma source(%arg10 : memref<128x128xf32, #tpu.memory_space<vmem>>) target(%dma_start3A_335 : memref<10240x128xf32, #tpu.memory_space<vmem_shared>>) offsets(%dma_start3A_332 : memref<128xi32, #tpu.memory_space<vmem>>) semaphore(%arg15 : memref<!tpu.dma_semaphore, #tpu.memory_space<semaphore_mem>>) {add = true}
      %dma_wait3A_336 = arith.constant 0 : i32
      %dma_wait3A_337 = tpu.memref_slice %arg8[%add3A_323, %dma_wait3A_336] : memref<40x128xi32, #tpu.memory_space<vmem>> -> memref<1x128xi32, #tpu.memory_space<vmem>>
      %dma_wait3A_338 = tpu.memref_squeeze %dma_wait3A_337 : memref<1x128xi32, #tpu.memory_space<vmem>> -> memref<128xi32, #tpu.memory_space<vmem>>
      %dma_wait3A_339 = arith.constant 0 : i32
      %dma_wait3A_340 = arith.constant 0 : i32
      %dma_wait3A_341 = tpu.memref_slice %arg11[%dma_wait3A_339, %dma_wait3A_340] : memref<10240x128xf32, #tpu.memory_space<vmem_shared>> -> memref<10240x128xf32, #tpu.memory_space<vmem_shared>>
      tpu.wait_indirect_dma semaphore(%arg15 : memref<!tpu.dma_semaphore, #tpu.memory_space<semaphore_mem>>) src(%arg10 : memref<128x128xf32, #tpu.memory_space<vmem>>) dst(%dma_wait3A_341 : memref<10240x128xf32, #tpu.memory_space<vmem_shared>>)
      %add3A_342 = arith.constant 2 : i32
      %add3A_343 = arith.addi %add3A_323, %add3A_342 : i32
      %dma_start3A_344 = arith.constant 0 : i32
      %dma_start3A_345 = tpu.memref_slice %arg7[%add3A_343, %dma_start3A_344] : memref<40x128xi32, #tpu.memory_space<vmem>> -> memref<1x128xi32, #tpu.memory_space<vmem>>
      %dma_start3A_346 = tpu.memref_squeeze %dma_start3A_345 : memref<1x128xi32, #tpu.memory_space<vmem>> -> memref<128xi32, #tpu.memory_space<vmem>>
      %dma_start3A_347 = arith.constant 0 : i32
      %dma_start3A_348 = arith.constant 0 : i32
      %dma_start3A_349 = tpu.memref_slice %arg2[%dma_start3A_347, %dma_start3A_348] : memref<10000x128xf32, #tpu.memory_space<hbm>> -> memref<10000x128xf32, #tpu.memory_space<hbm>>
      tpu.enqueue_indirect_dma source(%dma_start3A_349 : memref<10000x128xf32, #tpu.memory_space<hbm>>) target(%arg10 : memref<128x128xf32, #tpu.memory_space<vmem>>) offsets(%dma_start3A_346 : memref<128xi32, #tpu.memory_space<vmem>>) semaphore(%arg13 : memref<!tpu.dma_semaphore, #tpu.memory_space<semaphore_mem>>)
    }
    %scan3A_46 = arith.constant 19 : i32
    %dma_wait3A = arith.constant 38 : i32
    %dma_wait3A_47 = arith.constant 0 : i32
    %dma_wait3A_48 = tpu.memref_slice %arg7[%dma_wait3A, %dma_wait3A_47] : memref<40x128xi32, #tpu.memory_space<vmem>> -> memref<1x128xi32, #tpu.memory_space<vmem>>
    %dma_wait3A_49 = tpu.memref_squeeze %dma_wait3A_48 : memref<1x128xi32, #tpu.memory_space<vmem>> -> memref<128xi32, #tpu.memory_space<vmem>>
    %dma_wait3A_50 = arith.constant 0 : i32
    %dma_wait3A_51 = arith.constant 0 : i32
    %dma_wait3A_52 = tpu.memref_slice %arg2[%dma_wait3A_50, %dma_wait3A_51] : memref<10000x128xf32, #tpu.memory_space<hbm>> -> memref<10000x128xf32, #tpu.memory_space<hbm>>
    tpu.wait_indirect_dma semaphore(%arg12 : memref<!tpu.dma_semaphore, #tpu.memory_space<semaphore_mem>>) src(%dma_wait3A_52 : memref<10000x128xf32, #tpu.memory_space<hbm>>) dst(%arg9 : memref<128x128xf32, #tpu.memory_space<vmem>>)
    %dma_start3A_53 = arith.constant 38 : i32
    %dma_start3A_54 = arith.constant 0 : i32
    %dma_start3A_55 = tpu.memref_slice %arg8[%dma_start3A_53, %dma_start3A_54] : memref<40x128xi32, #tpu.memory_space<vmem>> -> memref<1x128xi32, #tpu.memory_space<vmem>>
    %dma_start3A_56 = tpu.memref_squeeze %dma_start3A_55 : memref<1x128xi32, #tpu.memory_space<vmem>> -> memref<128xi32, #tpu.memory_space<vmem>>
    %dma_start3A_57 = arith.constant 0 : i32
    %dma_start3A_58 = arith.constant 0 : i32
    %dma_start3A_59 = tpu.memref_slice %arg11[%dma_start3A_57, %dma_start3A_58] : memref<10240x128xf32, #tpu.memory_space<vmem_shared>> -> memref<10240x128xf32, #tpu.memory_space<vmem_shared>>
    tpu.enqueue_indirect_dma source(%arg9 : memref<128x128xf32, #tpu.memory_space<vmem>>) target(%dma_start3A_59 : memref<10240x128xf32, #tpu.memory_space<vmem_shared>>) offsets(%dma_start3A_56 : memref<128xi32, #tpu.memory_space<vmem>>) semaphore(%arg14 : memref<!tpu.dma_semaphore, #tpu.memory_space<semaphore_mem>>) {add = true}
    %dma_wait3A_60 = arith.constant 38 : i32
    %dma_wait3A_61 = arith.constant 0 : i32
    %dma_wait3A_62 = tpu.memref_slice %arg8[%dma_wait3A_60, %dma_wait3A_61] : memref<40x128xi32, #tpu.memory_space<vmem>> -> memref<1x128xi32, #tpu.memory_space<vmem>>
    %dma_wait3A_63 = tpu.memref_squeeze %dma_wait3A_62 : memref<1x128xi32, #tpu.memory_space<vmem>> -> memref<128xi32, #tpu.memory_space<vmem>>
    %dma_wait3A_64 = arith.constant 0 : i32
    %dma_wait3A_65 = arith.constant 0 : i32
    %dma_wait3A_66 = tpu.memref_slice %arg11[%dma_wait3A_64, %dma_wait3A_65] : memref<10240x128xf32, #tpu.memory_space<vmem_shared>> -> memref<10240x128xf32, #tpu.memory_space<vmem_shared>>
    tpu.wait_indirect_dma semaphore(%arg14 : memref<!tpu.dma_semaphore, #tpu.memory_space<semaphore_mem>>) src(%arg9 : memref<128x128xf32, #tpu.memory_space<vmem>>) dst(%dma_wait3A_66 : memref<10240x128xf32, #tpu.memory_space<vmem_shared>>)
    %dma_wait3A_67 = arith.constant 39 : i32
    %dma_wait3A_68 = arith.constant 0 : i32
    %dma_wait3A_69 = tpu.memref_slice %arg7[%dma_wait3A_67, %dma_wait3A_68] : memref<40x128xi32, #tpu.memory_space<vmem>> -> memref<1x128xi32, #tpu.memory_space<vmem>>
    %dma_wait3A_70 = tpu.memref_squeeze %dma_wait3A_69 : memref<1x128xi32, #tpu.memory_space<vmem>> -> memref<128xi32, #tpu.memory_space<vmem>>
    %dma_wait3A_71 = arith.constant 0 : i32
    %dma_wait3A_72 = arith.constant 0 : i32
    %dma_wait3A_73 = tpu.memref_slice %arg2[%dma_wait3A_71, %dma_wait3A_72] : memref<10000x128xf32, #tpu.memory_space<hbm>> -> memref<10000x128xf32, #tpu.memory_space<hbm>>
    tpu.wait_indirect_dma semaphore(%arg13 : memref<!tpu.dma_semaphore, #tpu.memory_space<semaphore_mem>>) src(%dma_wait3A_73 : memref<10000x128xf32, #tpu.memory_space<hbm>>) dst(%arg10 : memref<128x128xf32, #tpu.memory_space<vmem>>)
    %dma_start3A_74 = arith.constant 39 : i32
    %dma_start3A_75 = arith.constant 0 : i32
    %dma_start3A_76 = tpu.memref_slice %arg8[%dma_start3A_74, %dma_start3A_75] : memref<40x128xi32, #tpu.memory_space<vmem>> -> memref<1x128xi32, #tpu.memory_space<vmem>>
    %dma_start3A_77 = tpu.memref_squeeze %dma_start3A_76 : memref<1x128xi32, #tpu.memory_space<vmem>> -> memref<128xi32, #tpu.memory_space<vmem>>
    %dma_start3A_78 = arith.constant 0 : i32
    %dma_start3A_79 = arith.constant 0 : i32
    %dma_start3A_80 = tpu.memref_slice %arg11[%dma_start3A_78, %dma_start3A_79] : memref<10240x128xf32, #tpu.memory_space<vmem_shared>> -> memref<10240x128xf32, #tpu.memory_space<vmem_shared>>
    tpu.enqueue_indirect_dma source(%arg10 : memref<128x128xf32, #tpu.memory_space<vmem>>) target(%dma_start3A_80 : memref<10240x128xf32, #tpu.memory_space<vmem_shared>>) offsets(%dma_start3A_77 : memref<128xi32, #tpu.memory_space<vmem>>) semaphore(%arg15 : memref<!tpu.dma_semaphore, #tpu.memory_space<semaphore_mem>>) {add = true}
    %dma_wait3A_81 = arith.constant 39 : i32
    %dma_wait3A_82 = arith.constant 0 : i32
    %dma_wait3A_83 = tpu.memref_slice %arg8[%dma_wait3A_81, %dma_wait3A_82] : memref<40x128xi32, #tpu.memory_space<vmem>> -> memref<1x128xi32, #tpu.memory_space<vmem>>
    %dma_wait3A_84 = tpu.memref_squeeze %dma_wait3A_83 : memref<1x128xi32, #tpu.memory_space<vmem>> -> memref<128xi32, #tpu.memory_space<vmem>>
    %dma_wait3A_85 = arith.constant 0 : i32
    %dma_wait3A_86 = arith.constant 0 : i32
    %dma_wait3A_87 = tpu.memref_slice %arg11[%dma_wait3A_85, %dma_wait3A_86] : memref<10240x128xf32, #tpu.memory_space<vmem_shared>> -> memref<10240x128xf32, #tpu.memory_space<vmem_shared>>
    tpu.wait_indirect_dma semaphore(%arg15 : memref<!tpu.dma_semaphore, #tpu.memory_space<semaphore_mem>>) src(%arg10 : memref<128x128xf32, #tpu.memory_space<vmem>>) dst(%dma_wait3A_87 : memref<10240x128xf32, #tpu.memory_space<vmem_shared>>)
    %mul3A_88 = arith.constant 80 : i32
    %mul3A_89 = arith.muli %add3A, %mul3A_88 : i32
    %add3A_90 = arith.constant 40 : i32
    %add3A_91 = arith.addi %mul3A_89, %add3A_90 : i32
    "tpu.region"() ({
      %run_scoped3A = tpu.sem_alloc : memref<!tpu.dma_semaphore, #tpu.memory_space<semaphore_mem>>
      %dma_start3A_289 = arith.constant 0 : i32
      %dma_start3A_290 = tpu.memref_slice %arg3[%add3A_91, %dma_start3A_289] : memref<2560x128xi32, #tpu.memory_space<hbm>> -> memref<40x128xi32, #tpu.memory_space<hbm>>
      %dma_start3A_291 = arith.constant 0 : i32
      %dma_start3A_292 = tpu.memref_slice %arg3[%add3A_91, %dma_start3A_291] : memref<2560x128xi32, #tpu.memory_space<hbm>> -> memref<40x128xi32, #tpu.memory_space<hbm>>
      tpu.enqueue_dma source(%dma_start3A_292 : memref<40x128xi32, #tpu.memory_space<hbm>>) target(%arg7 : memref<40x128xi32, #tpu.memory_space<vmem>>) target_semaphore(%run_scoped3A : memref<!tpu.dma_semaphore, #tpu.memory_space<semaphore_mem>>)
      %dma_wait3A_293 = arith.constant 0 : i32
      %dma_wait3A_294 = tpu.memref_slice %arg3[%add3A_91, %dma_wait3A_293] : memref<2560x128xi32, #tpu.memory_space<hbm>> -> memref<40x128xi32, #tpu.memory_space<hbm>>
      %dma_wait3A_295 = arith.constant 0 : i32
      %dma_wait3A_296 = tpu.memref_slice %arg3[%add3A_91, %dma_wait3A_295] : memref<2560x128xi32, #tpu.memory_space<hbm>> -> memref<40x128xi32, #tpu.memory_space<hbm>>
      tpu.wait_dma2 semaphore(%run_scoped3A : memref<!tpu.dma_semaphore, #tpu.memory_space<semaphore_mem>>) src(%dma_wait3A_296 : memref<40x128xi32, #tpu.memory_space<hbm>>) dst(%arg7 : memref<40x128xi32, #tpu.memory_space<vmem>>)
      tpu.yield
    }) : () -> ()
    %mul3A_92 = arith.constant 80 : i32
    %mul3A_93 = arith.muli %add3A, %mul3A_92 : i32
    %add3A_94 = arith.constant 40 : i32
    %add3A_95 = arith.addi %mul3A_93, %add3A_94 : i32
    "tpu.region"() ({
      %run_scoped3A = tpu.sem_alloc : memref<!tpu.dma_semaphore, #tpu.memory_space<semaphore_mem>>
      %dma_start3A_289 = arith.constant 0 : i32
      %dma_start3A_290 = tpu.memref_slice %arg4[%add3A_95, %dma_start3A_289] : memref<2560x128xi32, #tpu.memory_space<hbm>> -> memref<40x128xi32, #tpu.memory_space<hbm>>
      %dma_start3A_291 = arith.constant 0 : i32
      %dma_start3A_292 = tpu.memref_slice %arg4[%add3A_95, %dma_start3A_291] : memref<2560x128xi32, #tpu.memory_space<hbm>> -> memref<40x128xi32, #tpu.memory_space<hbm>>
      tpu.enqueue_dma source(%dma_start3A_292 : memref<40x128xi32, #tpu.memory_space<hbm>>) target(%arg8 : memref<40x128xi32, #tpu.memory_space<vmem>>) target_semaphore(%run_scoped3A : memref<!tpu.dma_semaphore, #tpu.memory_space<semaphore_mem>>)
      %dma_wait3A_293 = arith.constant 0 : i32
      %dma_wait3A_294 = tpu.memref_slice %arg4[%add3A_95, %dma_wait3A_293] : memref<2560x128xi32, #tpu.memory_space<hbm>> -> memref<40x128xi32, #tpu.memory_space<hbm>>
      %dma_wait3A_295 = arith.constant 0 : i32
      %dma_wait3A_296 = tpu.memref_slice %arg4[%add3A_95, %dma_wait3A_295] : memref<2560x128xi32, #tpu.memory_space<hbm>> -> memref<40x128xi32, #tpu.memory_space<hbm>>
      tpu.wait_dma2 semaphore(%run_scoped3A : memref<!tpu.dma_semaphore, #tpu.memory_space<semaphore_mem>>) src(%dma_wait3A_296 : memref<40x128xi32, #tpu.memory_space<hbm>>) dst(%arg8 : memref<40x128xi32, #tpu.memory_space<vmem>>)
      tpu.yield
    }) : () -> ()
    %dma_start3A_96 = arith.constant 0 : i32
    %dma_start3A_97 = arith.constant 0 : i32
    %dma_start3A_98 = tpu.memref_slice %arg7[%dma_start3A_96, %dma_start3A_97] : memref<40x128xi32, #tpu.memory_space<vmem>> -> memref<1x128xi32, #tpu.memory_space<vmem>>
    %dma_start3A_99 = tpu.memref_squeeze %dma_start3A_98 : memref<1x128xi32, #tpu.memory_space<vmem>> -> memref<128xi32, #tpu.memory_space<vmem>>
    %dma_start3A_100 = arith.constant 0 : i32
    %dma_start3A_101 = arith.constant 0 : i32
    %dma_start3A_102 = tpu.memref_slice %arg2[%dma_start3A_100, %dma_start3A_101] : memref<10000x128xf32, #tpu.memory_space<hbm>> -> memref<10000x128xf32, #tpu.memory_space<hbm>>
    tpu.enqueue_indirect_dma source(%dma_start3A_102 : memref<10000x128xf32, #tpu.memory_space<hbm>>) target(%arg9 : memref<128x128xf32, #tpu.memory_space<vmem>>) offsets(%dma_start3A_99 : memref<128xi32, #tpu.memory_space<vmem>>) semaphore(%arg12 : memref<!tpu.dma_semaphore, #tpu.memory_space<semaphore_mem>>)
    %dma_start3A_103 = arith.constant 1 : i32
    %dma_start3A_104 = arith.constant 0 : i32
    %dma_start3A_105 = tpu.memref_slice %arg7[%dma_start3A_103, %dma_start3A_104] : memref<40x128xi32, #tpu.memory_space<vmem>> -> memref<1x128xi32, #tpu.memory_space<vmem>>
    %dma_start3A_106 = tpu.memref_squeeze %dma_start3A_105 : memref<1x128xi32, #tpu.memory_space<vmem>> -> memref<128xi32, #tpu.memory_space<vmem>>
    %dma_start3A_107 = arith.constant 0 : i32
    %dma_start3A_108 = arith.constant 0 : i32
    %dma_start3A_109 = tpu.memref_slice %arg2[%dma_start3A_107, %dma_start3A_108] : memref<10000x128xf32, #tpu.memory_space<hbm>> -> memref<10000x128xf32, #tpu.memory_space<hbm>>
    tpu.enqueue_indirect_dma source(%dma_start3A_109 : memref<10000x128xf32, #tpu.memory_space<hbm>>) target(%arg10 : memref<128x128xf32, #tpu.memory_space<vmem>>) offsets(%dma_start3A_106 : memref<128xi32, #tpu.memory_space<vmem>>) semaphore(%arg13 : memref<!tpu.dma_semaphore, #tpu.memory_space<semaphore_mem>>)
    %scan3A_110 = arith.constant 0 : i32
    %scan3A_111 = arith.constant 0 : i32
    %scan3A_112 = arith.constant 19 : i32
    %scan3A_113 = arith.addi %scan3A_111, %scan3A_112 : i32
    %scan3A_114 = arith.constant 1 : i32
    scf.for %scan3A_289 = %scan3A_111 to %scan3A_113 step %scan3A_114  : i32 {
      %mul3A_290 = arith.constant 2 : i32
      %mul3A_291 = arith.muli %mul3A_290, %scan3A_289 : i32
      %add3A_292 = arith.constant 0 : i32
      %add3A_293 = arith.addi %mul3A_291, %add3A_292 : i32
      %dma_wait3A_294 = arith.constant 0 : i32
      %dma_wait3A_295 = tpu.memref_slice %arg7[%add3A_293, %dma_wait3A_294] : memref<40x128xi32, #tpu.memory_space<vmem>> -> memref<1x128xi32, #tpu.memory_space<vmem>>
      %dma_wait3A_296 = tpu.memref_squeeze %dma_wait3A_295 : memref<1x128xi32, #tpu.memory_space<vmem>> -> memref<128xi32, #tpu.memory_space<vmem>>
      %dma_wait3A_297 = arith.constant 0 : i32
      %dma_wait3A_298 = arith.constant 0 : i32
      %dma_wait3A_299 = tpu.memref_slice %arg2[%dma_wait3A_297, %dma_wait3A_298] : memref<10000x128xf32, #tpu.memory_space<hbm>> -> memref<10000x128xf32, #tpu.memory_space<hbm>>
      tpu.wait_indirect_dma semaphore(%arg12 : memref<!tpu.dma_semaphore, #tpu.memory_space<semaphore_mem>>) src(%dma_wait3A_299 : memref<10000x128xf32, #tpu.memory_space<hbm>>) dst(%arg9 : memref<128x128xf32, #tpu.memory_space<vmem>>)
      %dma_start3A_300 = arith.constant 0 : i32
      %dma_start3A_301 = tpu.memref_slice %arg8[%add3A_293, %dma_start3A_300] : memref<40x128xi32, #tpu.memory_space<vmem>> -> memref<1x128xi32, #tpu.memory_space<vmem>>
      %dma_start3A_302 = tpu.memref_squeeze %dma_start3A_301 : memref<1x128xi32, #tpu.memory_space<vmem>> -> memref<128xi32, #tpu.memory_space<vmem>>
      %dma_start3A_303 = arith.constant 0 : i32
      %dma_start3A_304 = arith.constant 0 : i32
      %dma_start3A_305 = tpu.memref_slice %arg11[%dma_start3A_303, %dma_start3A_304] : memref<10240x128xf32, #tpu.memory_space<vmem_shared>> -> memref<10240x128xf32, #tpu.memory_space<vmem_shared>>
      tpu.enqueue_indirect_dma source(%arg9 : memref<128x128xf32, #tpu.memory_space<vmem>>) target(%dma_start3A_305 : memref<10240x128xf32, #tpu.memory_space<vmem_shared>>) offsets(%dma_start3A_302 : memref<128xi32, #tpu.memory_space<vmem>>) semaphore(%arg14 : memref<!tpu.dma_semaphore, #tpu.memory_space<semaphore_mem>>) {add = true}
      %dma_wait3A_306 = arith.constant 0 : i32
      %dma_wait3A_307 = tpu.memref_slice %arg8[%add3A_293, %dma_wait3A_306] : memref<40x128xi32, #tpu.memory_space<vmem>> -> memref<1x128xi32, #tpu.memory_space<vmem>>
      %dma_wait3A_308 = tpu.memref_squeeze %dma_wait3A_307 : memref<1x128xi32, #tpu.memory_space<vmem>> -> memref<128xi32, #tpu.memory_space<vmem>>
      %dma_wait3A_309 = arith.constant 0 : i32
      %dma_wait3A_310 = arith.constant 0 : i32
      %dma_wait3A_311 = tpu.memref_slice %arg11[%dma_wait3A_309, %dma_wait3A_310] : memref<10240x128xf32, #tpu.memory_space<vmem_shared>> -> memref<10240x128xf32, #tpu.memory_space<vmem_shared>>
      tpu.wait_indirect_dma semaphore(%arg14 : memref<!tpu.dma_semaphore, #tpu.memory_space<semaphore_mem>>) src(%arg9 : memref<128x128xf32, #tpu.memory_space<vmem>>) dst(%dma_wait3A_311 : memref<10240x128xf32, #tpu.memory_space<vmem_shared>>)
      %add3A_312 = arith.constant 2 : i32
      %add3A_313 = arith.addi %add3A_293, %add3A_312 : i32
      %dma_start3A_314 = arith.constant 0 : i32
      %dma_start3A_315 = tpu.memref_slice %arg7[%add3A_313, %dma_start3A_314] : memref<40x128xi32, #tpu.memory_space<vmem>> -> memref<1x128xi32, #tpu.memory_space<vmem>>
      %dma_start3A_316 = tpu.memref_squeeze %dma_start3A_315 : memref<1x128xi32, #tpu.memory_space<vmem>> -> memref<128xi32, #tpu.memory_space<vmem>>
      %dma_start3A_317 = arith.constant 0 : i32
      %dma_start3A_318 = arith.constant 0 : i32
      %dma_start3A_319 = tpu.memref_slice %arg2[%dma_start3A_317, %dma_start3A_318] : memref<10000x128xf32, #tpu.memory_space<hbm>> -> memref<10000x128xf32, #tpu.memory_space<hbm>>
      tpu.enqueue_indirect_dma source(%dma_start3A_319 : memref<10000x128xf32, #tpu.memory_space<hbm>>) target(%arg9 : memref<128x128xf32, #tpu.memory_space<vmem>>) offsets(%dma_start3A_316 : memref<128xi32, #tpu.memory_space<vmem>>) semaphore(%arg12 : memref<!tpu.dma_semaphore, #tpu.memory_space<semaphore_mem>>)
      %mul3A_320 = arith.constant 2 : i32
      %mul3A_321 = arith.muli %mul3A_320, %scan3A_289 : i32
      %add3A_322 = arith.constant 1 : i32
      %add3A_323 = arith.addi %mul3A_321, %add3A_322 : i32
      %dma_wait3A_324 = arith.constant 0 : i32
      %dma_wait3A_325 = tpu.memref_slice %arg7[%add3A_323, %dma_wait3A_324] : memref<40x128xi32, #tpu.memory_space<vmem>> -> memref<1x128xi32, #tpu.memory_space<vmem>>
      %dma_wait3A_326 = tpu.memref_squeeze %dma_wait3A_325 : memref<1x128xi32, #tpu.memory_space<vmem>> -> memref<128xi32, #tpu.memory_space<vmem>>
      %dma_wait3A_327 = arith.constant 0 : i32
      %dma_wait3A_328 = arith.constant 0 : i32
      %dma_wait3A_329 = tpu.memref_slice %arg2[%dma_wait3A_327, %dma_wait3A_328] : memref<10000x128xf32, #tpu.memory_space<hbm>> -> memref<10000x128xf32, #tpu.memory_space<hbm>>
      tpu.wait_indirect_dma semaphore(%arg13 : memref<!tpu.dma_semaphore, #tpu.memory_space<semaphore_mem>>) src(%dma_wait3A_329 : memref<10000x128xf32, #tpu.memory_space<hbm>>) dst(%arg10 : memref<128x128xf32, #tpu.memory_space<vmem>>)
      %dma_start3A_330 = arith.constant 0 : i32
      %dma_start3A_331 = tpu.memref_slice %arg8[%add3A_323, %dma_start3A_330] : memref<40x128xi32, #tpu.memory_space<vmem>> -> memref<1x128xi32, #tpu.memory_space<vmem>>
      %dma_start3A_332 = tpu.memref_squeeze %dma_start3A_331 : memref<1x128xi32, #tpu.memory_space<vmem>> -> memref<128xi32, #tpu.memory_space<vmem>>
      %dma_start3A_333 = arith.constant 0 : i32
      %dma_start3A_334 = arith.constant 0 : i32
      %dma_start3A_335 = tpu.memref_slice %arg11[%dma_start3A_333, %dma_start3A_334] : memref<10240x128xf32, #tpu.memory_space<vmem_shared>> -> memref<10240x128xf32, #tpu.memory_space<vmem_shared>>
      tpu.enqueue_indirect_dma source(%arg10 : memref<128x128xf32, #tpu.memory_space<vmem>>) target(%dma_start3A_335 : memref<10240x128xf32, #tpu.memory_space<vmem_shared>>) offsets(%dma_start3A_332 : memref<128xi32, #tpu.memory_space<vmem>>) semaphore(%arg15 : memref<!tpu.dma_semaphore, #tpu.memory_space<semaphore_mem>>) {add = true}
      %dma_wait3A_336 = arith.constant 0 : i32
      %dma_wait3A_337 = tpu.memref_slice %arg8[%add3A_323, %dma_wait3A_336] : memref<40x128xi32, #tpu.memory_space<vmem>> -> memref<1x128xi32, #tpu.memory_space<vmem>>
      %dma_wait3A_338 = tpu.memref_squeeze %dma_wait3A_337 : memref<1x128xi32, #tpu.memory_space<vmem>> -> memref<128xi32, #tpu.memory_space<vmem>>
      %dma_wait3A_339 = arith.constant 0 : i32
      %dma_wait3A_340 = arith.constant 0 : i32
      %dma_wait3A_341 = tpu.memref_slice %arg11[%dma_wait3A_339, %dma_wait3A_340] : memref<10240x128xf32, #tpu.memory_space<vmem_shared>> -> memref<10240x128xf32, #tpu.memory_space<vmem_shared>>
      tpu.wait_indirect_dma semaphore(%arg15 : memref<!tpu.dma_semaphore, #tpu.memory_space<semaphore_mem>>) src(%arg10 : memref<128x128xf32, #tpu.memory_space<vmem>>) dst(%dma_wait3A_341 : memref<10240x128xf32, #tpu.memory_space<vmem_shared>>)
      %add3A_342 = arith.constant 2 : i32
      %add3A_343 = arith.addi %add3A_323, %add3A_342 : i32
      %dma_start3A_344 = arith.constant 0 : i32
      %dma_start3A_345 = tpu.memref_slice %arg7[%add3A_343, %dma_start3A_344] : memref<40x128xi32, #tpu.memory_space<vmem>> -> memref<1x128xi32, #tpu.memory_space<vmem>>
      %dma_start3A_346 = tpu.memref_squeeze %dma_start3A_345 : memref<1x128xi32, #tpu.memory_space<vmem>> -> memref<128xi32, #tpu.memory_space<vmem>>
      %dma_start3A_347 = arith.constant 0 : i32
      %dma_start3A_348 = arith.constant 0 : i32
      %dma_start3A_349 = tpu.memref_slice %arg2[%dma_start3A_347, %dma_start3A_348] : memref<10000x128xf32, #tpu.memory_space<hbm>> -> memref<10000x128xf32, #tpu.memory_space<hbm>>
      tpu.enqueue_indirect_dma source(%dma_start3A_349 : memref<10000x128xf32, #tpu.memory_space<hbm>>) target(%arg10 : memref<128x128xf32, #tpu.memory_space<vmem>>) offsets(%dma_start3A_346 : memref<128xi32, #tpu.memory_space<vmem>>) semaphore(%arg13 : memref<!tpu.dma_semaphore, #tpu.memory_space<semaphore_mem>>)
    }
    %scan3A_115 = arith.constant 19 : i32
    %dma_wait3A_116 = arith.constant 38 : i32
    %dma_wait3A_117 = arith.constant 0 : i32
    %dma_wait3A_118 = tpu.memref_slice %arg7[%dma_wait3A_116, %dma_wait3A_117] : memref<40x128xi32, #tpu.memory_space<vmem>> -> memref<1x128xi32, #tpu.memory_space<vmem>>
    %dma_wait3A_119 = tpu.memref_squeeze %dma_wait3A_118 : memref<1x128xi32, #tpu.memory_space<vmem>> -> memref<128xi32, #tpu.memory_space<vmem>>
    %dma_wait3A_120 = arith.constant 0 : i32
    %dma_wait3A_121 = arith.constant 0 : i32
    %dma_wait3A_122 = tpu.memref_slice %arg2[%dma_wait3A_120, %dma_wait3A_121] : memref<10000x128xf32, #tpu.memory_space<hbm>> -> memref<10000x128xf32, #tpu.memory_space<hbm>>
    tpu.wait_indirect_dma semaphore(%arg12 : memref<!tpu.dma_semaphore, #tpu.memory_space<semaphore_mem>>) src(%dma_wait3A_122 : memref<10000x128xf32, #tpu.memory_space<hbm>>) dst(%arg9 : memref<128x128xf32, #tpu.memory_space<vmem>>)
    %dma_start3A_123 = arith.constant 38 : i32
    %dma_start3A_124 = arith.constant 0 : i32
    %dma_start3A_125 = tpu.memref_slice %arg8[%dma_start3A_123, %dma_start3A_124] : memref<40x128xi32, #tpu.memory_space<vmem>> -> memref<1x128xi32, #tpu.memory_space<vmem>>
    %dma_start3A_126 = tpu.memref_squeeze %dma_start3A_125 : memref<1x128xi32, #tpu.memory_space<vmem>> -> memref<128xi32, #tpu.memory_space<vmem>>
    %dma_start3A_127 = arith.constant 0 : i32
    %dma_start3A_128 = arith.constant 0 : i32
    %dma_start3A_129 = tpu.memref_slice %arg11[%dma_start3A_127, %dma_start3A_128] : memref<10240x128xf32, #tpu.memory_space<vmem_shared>> -> memref<10240x128xf32, #tpu.memory_space<vmem_shared>>
    tpu.enqueue_indirect_dma source(%arg9 : memref<128x128xf32, #tpu.memory_space<vmem>>) target(%dma_start3A_129 : memref<10240x128xf32, #tpu.memory_space<vmem_shared>>) offsets(%dma_start3A_126 : memref<128xi32, #tpu.memory_space<vmem>>) semaphore(%arg14 : memref<!tpu.dma_semaphore, #tpu.memory_space<semaphore_mem>>) {add = true}
    %dma_wait3A_130 = arith.constant 38 : i32
    %dma_wait3A_131 = arith.constant 0 : i32
    %dma_wait3A_132 = tpu.memref_slice %arg8[%dma_wait3A_130, %dma_wait3A_131] : memref<40x128xi32, #tpu.memory_space<vmem>> -> memref<1x128xi32, #tpu.memory_space<vmem>>
    %dma_wait3A_133 = tpu.memref_squeeze %dma_wait3A_132 : memref<1x128xi32, #tpu.memory_space<vmem>> -> memref<128xi32, #tpu.memory_space<vmem>>
    %dma_wait3A_134 = arith.constant 0 : i32
    %dma_wait3A_135 = arith.constant 0 : i32
    %dma_wait3A_136 = tpu.memref_slice %arg11[%dma_wait3A_134, %dma_wait3A_135] : memref<10240x128xf32, #tpu.memory_space<vmem_shared>> -> memref<10240x128xf32, #tpu.memory_space<vmem_shared>>
    tpu.wait_indirect_dma semaphore(%arg14 : memref<!tpu.dma_semaphore, #tpu.memory_space<semaphore_mem>>) src(%arg9 : memref<128x128xf32, #tpu.memory_space<vmem>>) dst(%dma_wait3A_136 : memref<10240x128xf32, #tpu.memory_space<vmem_shared>>)
    %dma_wait3A_137 = arith.constant 39 : i32
    %dma_wait3A_138 = arith.constant 0 : i32
    %dma_wait3A_139 = tpu.memref_slice %arg7[%dma_wait3A_137, %dma_wait3A_138] : memref<40x128xi32, #tpu.memory_space<vmem>> -> memref<1x128xi32, #tpu.memory_space<vmem>>
    %dma_wait3A_140 = tpu.memref_squeeze %dma_wait3A_139 : memref<1x128xi32, #tpu.memory_space<vmem>> -> memref<128xi32, #tpu.memory_space<vmem>>
    %dma_wait3A_141 = arith.constant 0 : i32
    %dma_wait3A_142 = arith.constant 0 : i32
    %dma_wait3A_143 = tpu.memref_slice %arg2[%dma_wait3A_141, %dma_wait3A_142] : memref<10000x128xf32, #tpu.memory_space<hbm>> -> memref<10000x128xf32, #tpu.memory_space<hbm>>
    tpu.wait_indirect_dma semaphore(%arg13 : memref<!tpu.dma_semaphore, #tpu.memory_space<semaphore_mem>>) src(%dma_wait3A_143 : memref<10000x128xf32, #tpu.memory_space<hbm>>) dst(%arg10 : memref<128x128xf32, #tpu.memory_space<vmem>>)
    %dma_start3A_144 = arith.constant 39 : i32
    %dma_start3A_145 = arith.constant 0 : i32
    %dma_start3A_146 = tpu.memref_slice %arg8[%dma_start3A_144, %dma_start3A_145] : memref<40x128xi32, #tpu.memory_space<vmem>> -> memref<1x128xi32, #tpu.memory_space<vmem>>
    %dma_start3A_147 = tpu.memref_squeeze %dma_start3A_146 : memref<1x128xi32, #tpu.memory_space<vmem>> -> memref<128xi32, #tpu.memory_space<vmem>>
    %dma_start3A_148 = arith.constant 0 : i32
    %dma_start3A_149 = arith.constant 0 : i32
    %dma_start3A_150 = tpu.memref_slice %arg11[%dma_start3A_148, %dma_start3A_149] : memref<10240x128xf32, #tpu.memory_space<vmem_shared>> -> memref<10240x128xf32, #tpu.memory_space<vmem_shared>>
    tpu.enqueue_indirect_dma source(%arg10 : memref<128x128xf32, #tpu.memory_space<vmem>>) target(%dma_start3A_150 : memref<10240x128xf32, #tpu.memory_space<vmem_shared>>) offsets(%dma_start3A_147 : memref<128xi32, #tpu.memory_space<vmem>>) semaphore(%arg15 : memref<!tpu.dma_semaphore, #tpu.memory_space<semaphore_mem>>) {add = true}
    %dma_wait3A_151 = arith.constant 39 : i32
    %dma_wait3A_152 = arith.constant 0 : i32
    %dma_wait3A_153 = tpu.memref_slice %arg8[%dma_wait3A_151, %dma_wait3A_152] : memref<40x128xi32, #tpu.memory_space<vmem>> -> memref<1x128xi32, #tpu.memory_space<vmem>>
    %dma_wait3A_154 = tpu.memref_squeeze %dma_wait3A_153 : memref<1x128xi32, #tpu.memory_space<vmem>> -> memref<128xi32, #tpu.memory_space<vmem>>
    %dma_wait3A_155 = arith.constant 0 : i32
    %dma_wait3A_156 = arith.constant 0 : i32
    %dma_wait3A_157 = tpu.memref_slice %arg11[%dma_wait3A_155, %dma_wait3A_156] : memref<10240x128xf32, #tpu.memory_space<vmem_shared>> -> memref<10240x128xf32, #tpu.memory_space<vmem_shared>>
    tpu.wait_indirect_dma semaphore(%arg15 : memref<!tpu.dma_semaphore, #tpu.memory_space<semaphore_mem>>) src(%arg10 : memref<128x128xf32, #tpu.memory_space<vmem>>) dst(%dma_wait3A_157 : memref<10240x128xf32, #tpu.memory_space<vmem_shared>>)
    %barrier3A_158 = arith.constant 0 : index
    tpu.barrier barrier_id(%barrier3A_158)
    %mul3A_159 = arith.constant 640 : i32
    %mul3A_160 = arith.muli %arg1, %mul3A_159 : i32
    %add3A_161 = arith.constant 0 : i32
    %add3A_162 = arith.addi %mul3A_160, %add3A_161 : i32
    %mul3A_163 = arith.constant 10240 : i32
    %mul3A_164 = arith.muli %arg0, %mul3A_163 : i32
    %mul3A_165 = arith.constant 640 : i32
    %mul3A_166 = arith.muli %arg1, %mul3A_165 : i32
    %add3A_167 = arith.addi %mul3A_164, %mul3A_166 : i32
    %add3A_168 = arith.constant 0 : i32
    %add3A_169 = arith.addi %add3A_167, %add3A_168 : i32
    "tpu.region"() ({
      %run_scoped3A = tpu.sem_alloc : memref<!tpu.dma_semaphore, #tpu.memory_space<semaphore_mem>>
      %dma_start3A_289 = arith.constant 0 : i32
      %dma_start3A_290 = tpu.memref_slice %arg11[%add3A_162, %dma_start3A_289] : memref<10240x128xf32, #tpu.memory_space<vmem_shared>> -> memref<128x128xf32, #tpu.memory_space<vmem_shared>>
      %dma_start3A_291 = arith.constant 0 : i32
      %dma_start3A_292 = tpu.memref_slice %arg11[%add3A_162, %dma_start3A_291] : memref<10240x128xf32, #tpu.memory_space<vmem_shared>> -> memref<128x128xf32, #tpu.memory_space<vmem_shared>>
      tpu.enqueue_dma source(%dma_start3A_292 : memref<128x128xf32, #tpu.memory_space<vmem_shared>>) target(%arg9 : memref<128x128xf32, #tpu.memory_space<vmem>>) target_semaphore(%run_scoped3A : memref<!tpu.dma_semaphore, #tpu.memory_space<semaphore_mem>>)
      %dma_wait3A_293 = arith.constant 0 : i32
      %dma_wait3A_294 = tpu.memref_slice %arg11[%add3A_162, %dma_wait3A_293] : memref<10240x128xf32, #tpu.memory_space<vmem_shared>> -> memref<128x128xf32, #tpu.memory_space<vmem_shared>>
      %dma_wait3A_295 = arith.constant 0 : i32
      %dma_wait3A_296 = tpu.memref_slice %arg11[%add3A_162, %dma_wait3A_295] : memref<10240x128xf32, #tpu.memory_space<vmem_shared>> -> memref<128x128xf32, #tpu.memory_space<vmem_shared>>
      tpu.wait_dma2 semaphore(%run_scoped3A : memref<!tpu.dma_semaphore, #tpu.memory_space<semaphore_mem>>) src(%dma_wait3A_296 : memref<128x128xf32, #tpu.memory_space<vmem_shared>>) dst(%arg9 : memref<128x128xf32, #tpu.memory_space<vmem>>)
      tpu.yield
    }) : () -> ()
    %dma_start3A_170 = arith.constant 0 : i32
    %dma_start3A_171 = tpu.memref_slice %arg6[%add3A_169, %dma_start3A_170] : memref<20480x128xf32, #tpu.memory_space<hbm>> -> memref<128x128xf32, #tpu.memory_space<hbm>>
    %dma_start3A_172 = arith.constant 0 : i32
    %dma_start3A_173 = tpu.memref_slice %arg6[%add3A_169, %dma_start3A_172] : memref<20480x128xf32, #tpu.memory_space<hbm>> -> memref<128x128xf32, #tpu.memory_space<hbm>>
    tpu.enqueue_dma source(%arg9 : memref<128x128xf32, #tpu.memory_space<vmem>>) target(%dma_start3A_173 : memref<128x128xf32, #tpu.memory_space<hbm>>) target_semaphore(%arg12 : memref<!tpu.dma_semaphore, #tpu.memory_space<semaphore_mem>>)
    %mul3A_174 = arith.constant 640 : i32
    %mul3A_175 = arith.muli %arg1, %mul3A_174 : i32
    %add3A_176 = arith.constant 128 : i32
    %add3A_177 = arith.addi %mul3A_175, %add3A_176 : i32
    %mul3A_178 = arith.constant 10240 : i32
    %mul3A_179 = arith.muli %arg0, %mul3A_178 : i32
    %mul3A_180 = arith.constant 640 : i32
    %mul3A_181 = arith.muli %arg1, %mul3A_180 : i32
    %add3A_182 = arith.addi %mul3A_179, %mul3A_181 : i32
    %add3A_183 = arith.constant 128 : i32
    %add3A_184 = arith.addi %add3A_182, %add3A_183 : i32
    "tpu.region"() ({
      %run_scoped3A = tpu.sem_alloc : memref<!tpu.dma_semaphore, #tpu.memory_space<semaphore_mem>>
      %dma_start3A_289 = arith.constant 0 : i32
      %dma_start3A_290 = tpu.memref_slice %arg11[%add3A_177, %dma_start3A_289] : memref<10240x128xf32, #tpu.memory_space<vmem_shared>> -> memref<128x128xf32, #tpu.memory_space<vmem_shared>>
      %dma_start3A_291 = arith.constant 0 : i32
      %dma_start3A_292 = tpu.memref_slice %arg11[%add3A_177, %dma_start3A_291] : memref<10240x128xf32, #tpu.memory_space<vmem_shared>> -> memref<128x128xf32, #tpu.memory_space<vmem_shared>>
      tpu.enqueue_dma source(%dma_start3A_292 : memref<128x128xf32, #tpu.memory_space<vmem_shared>>) target(%arg10 : memref<128x128xf32, #tpu.memory_space<vmem>>) target_semaphore(%run_scoped3A : memref<!tpu.dma_semaphore, #tpu.memory_space<semaphore_mem>>)
      %dma_wait3A_293 = arith.constant 0 : i32
      %dma_wait3A_294 = tpu.memref_slice %arg11[%add3A_177, %dma_wait3A_293] : memref<10240x128xf32, #tpu.memory_space<vmem_shared>> -> memref<128x128xf32, #tpu.memory_space<vmem_shared>>
      %dma_wait3A_295 = arith.constant 0 : i32
      %dma_wait3A_296 = tpu.memref_slice %arg11[%add3A_177, %dma_wait3A_295] : memref<10240x128xf32, #tpu.memory_space<vmem_shared>> -> memref<128x128xf32, #tpu.memory_space<vmem_shared>>
      tpu.wait_dma2 semaphore(%run_scoped3A : memref<!tpu.dma_semaphore, #tpu.memory_space<semaphore_mem>>) src(%dma_wait3A_296 : memref<128x128xf32, #tpu.memory_space<vmem_shared>>) dst(%arg10 : memref<128x128xf32, #tpu.memory_space<vmem>>)
      tpu.yield
    }) : () -> ()
    %dma_start3A_185 = arith.constant 0 : i32
    %dma_start3A_186 = tpu.memref_slice %arg6[%add3A_184, %dma_start3A_185] : memref<20480x128xf32, #tpu.memory_space<hbm>> -> memref<128x128xf32, #tpu.memory_space<hbm>>
    %dma_start3A_187 = arith.constant 0 : i32
    %dma_start3A_188 = tpu.memref_slice %arg6[%add3A_184, %dma_start3A_187] : memref<20480x128xf32, #tpu.memory_space<hbm>> -> memref<128x128xf32, #tpu.memory_space<hbm>>
    tpu.enqueue_dma source(%arg10 : memref<128x128xf32, #tpu.memory_space<vmem>>) target(%dma_start3A_188 : memref<128x128xf32, #tpu.memory_space<hbm>>) target_semaphore(%arg13 : memref<!tpu.dma_semaphore, #tpu.memory_space<semaphore_mem>>)
    %mul3A_189 = arith.constant 640 : i32
    %mul3A_190 = arith.muli %arg1, %mul3A_189 : i32
    %add3A_191 = arith.constant 256 : i32
    %add3A_192 = arith.addi %mul3A_190, %add3A_191 : i32
    %mul3A_193 = arith.constant 10240 : i32
    %mul3A_194 = arith.muli %arg0, %mul3A_193 : i32
    %mul3A_195 = arith.constant 640 : i32
    %mul3A_196 = arith.muli %arg1, %mul3A_195 : i32
    %add3A_197 = arith.addi %mul3A_194, %mul3A_196 : i32
    %add3A_198 = arith.constant 256 : i32
    %add3A_199 = arith.addi %add3A_197, %add3A_198 : i32
    %mul3A_200 = arith.constant 10240 : i32
    %mul3A_201 = arith.muli %arg0, %mul3A_200 : i32
    %mul3A_202 = arith.constant 640 : i32
    %mul3A_203 = arith.muli %arg1, %mul3A_202 : i32
    %add3A_204 = arith.addi %mul3A_201, %mul3A_203 : i32
    %add3A_205 = arith.constant 0 : i32
    %add3A_206 = arith.addi %add3A_204, %add3A_205 : i32
    %dma_wait3A_207 = arith.constant 0 : i32
    %dma_wait3A_208 = tpu.memref_slice %arg6[%add3A_206, %dma_wait3A_207] : memref<20480x128xf32, #tpu.memory_space<hbm>> -> memref<128x128xf32, #tpu.memory_space<hbm>>
    %dma_wait3A_209 = arith.constant 0 : i32
    %dma_wait3A_210 = tpu.memref_slice %arg6[%add3A_206, %dma_wait3A_209] : memref<20480x128xf32, #tpu.memory_space<hbm>> -> memref<128x128xf32, #tpu.memory_space<hbm>>
    tpu.wait_dma2 semaphore(%arg12 : memref<!tpu.dma_semaphore, #tpu.memory_space<semaphore_mem>>) src(%arg9 : memref<128x128xf32, #tpu.memory_space<vmem>>) dst(%dma_wait3A_210 : memref<128x128xf32, #tpu.memory_space<hbm>>)
    "tpu.region"() ({
      %run_scoped3A = tpu.sem_alloc : memref<!tpu.dma_semaphore, #tpu.memory_space<semaphore_mem>>
      %dma_start3A_289 = arith.constant 0 : i32
      %dma_start3A_290 = tpu.memref_slice %arg11[%add3A_192, %dma_start3A_289] : memref<10240x128xf32, #tpu.memory_space<vmem_shared>> -> memref<128x128xf32, #tpu.memory_space<vmem_shared>>
      %dma_start3A_291 = arith.constant 0 : i32
      %dma_start3A_292 = tpu.memref_slice %arg11[%add3A_192, %dma_start3A_291] : memref<10240x128xf32, #tpu.memory_space<vmem_shared>> -> memref<128x128xf32, #tpu.memory_space<vmem_shared>>
      tpu.enqueue_dma source(%dma_start3A_292 : memref<128x128xf32, #tpu.memory_space<vmem_shared>>) target(%arg9 : memref<128x128xf32, #tpu.memory_space<vmem>>) target_semaphore(%run_scoped3A : memref<!tpu.dma_semaphore, #tpu.memory_space<semaphore_mem>>)
      %dma_wait3A_293 = arith.constant 0 : i32
      %dma_wait3A_294 = tpu.memref_slice %arg11[%add3A_192, %dma_wait3A_293] : memref<10240x128xf32, #tpu.memory_space<vmem_shared>> -> memref<128x128xf32, #tpu.memory_space<vmem_shared>>
      %dma_wait3A_295 = arith.constant 0 : i32
      %dma_wait3A_296 = tpu.memref_slice %arg11[%add3A_192, %dma_wait3A_295] : memref<10240x128xf32, #tpu.memory_space<vmem_shared>> -> memref<128x128xf32, #tpu.memory_space<vmem_shared>>
      tpu.wait_dma2 semaphore(%run_scoped3A : memref<!tpu.dma_semaphore, #tpu.memory_space<semaphore_mem>>) src(%dma_wait3A_296 : memref<128x128xf32, #tpu.memory_space<vmem_shared>>) dst(%arg9 : memref<128x128xf32, #tpu.memory_space<vmem>>)
      tpu.yield
    }) : () -> ()
    %dma_start3A_211 = arith.constant 0 : i32
    %dma_start3A_212 = tpu.memref_slice %arg6[%add3A_199, %dma_start3A_211] : memref<20480x128xf32, #tpu.memory_space<hbm>> -> memref<128x128xf32, #tpu.memory_space<hbm>>
    %dma_start3A_213 = arith.constant 0 : i32
    %dma_start3A_214 = tpu.memref_slice %arg6[%add3A_199, %dma_start3A_213] : memref<20480x128xf32, #tpu.memory_space<hbm>> -> memref<128x128xf32, #tpu.memory_space<hbm>>
    tpu.enqueue_dma source(%arg9 : memref<128x128xf32, #tpu.memory_space<vmem>>) target(%dma_start3A_214 : memref<128x128xf32, #tpu.memory_space<hbm>>) target_semaphore(%arg12 : memref<!tpu.dma_semaphore, #tpu.memory_space<semaphore_mem>>)
    %mul3A_215 = arith.constant 640 : i32
    %mul3A_216 = arith.muli %arg1, %mul3A_215 : i32
    %add3A_217 = arith.constant 384 : i32
    %add3A_218 = arith.addi %mul3A_216, %add3A_217 : i32
    %mul3A_219 = arith.constant 10240 : i32
    %mul3A_220 = arith.muli %arg0, %mul3A_219 : i32
    %mul3A_221 = arith.constant 640 : i32
    %mul3A_222 = arith.muli %arg1, %mul3A_221 : i32
    %add3A_223 = arith.addi %mul3A_220, %mul3A_222 : i32
    %add3A_224 = arith.constant 384 : i32
    %add3A_225 = arith.addi %add3A_223, %add3A_224 : i32
    %mul3A_226 = arith.constant 10240 : i32
    %mul3A_227 = arith.muli %arg0, %mul3A_226 : i32
    %mul3A_228 = arith.constant 640 : i32
    %mul3A_229 = arith.muli %arg1, %mul3A_228 : i32
    %add3A_230 = arith.addi %mul3A_227, %mul3A_229 : i32
    %add3A_231 = arith.constant 128 : i32
    %add3A_232 = arith.addi %add3A_230, %add3A_231 : i32
    %dma_wait3A_233 = arith.constant 0 : i32
    %dma_wait3A_234 = tpu.memref_slice %arg6[%add3A_232, %dma_wait3A_233] : memref<20480x128xf32, #tpu.memory_space<hbm>> -> memref<128x128xf32, #tpu.memory_space<hbm>>
    %dma_wait3A_235 = arith.constant 0 : i32
    %dma_wait3A_236 = tpu.memref_slice %arg6[%add3A_232, %dma_wait3A_235] : memref<20480x128xf32, #tpu.memory_space<hbm>> -> memref<128x128xf32, #tpu.memory_space<hbm>>
    tpu.wait_dma2 semaphore(%arg13 : memref<!tpu.dma_semaphore, #tpu.memory_space<semaphore_mem>>) src(%arg10 : memref<128x128xf32, #tpu.memory_space<vmem>>) dst(%dma_wait3A_236 : memref<128x128xf32, #tpu.memory_space<hbm>>)
    "tpu.region"() ({
      %run_scoped3A = tpu.sem_alloc : memref<!tpu.dma_semaphore, #tpu.memory_space<semaphore_mem>>
      %dma_start3A_289 = arith.constant 0 : i32
      %dma_start3A_290 = tpu.memref_slice %arg11[%add3A_218, %dma_start3A_289] : memref<10240x128xf32, #tpu.memory_space<vmem_shared>> -> memref<128x128xf32, #tpu.memory_space<vmem_shared>>
      %dma_start3A_291 = arith.constant 0 : i32
      %dma_start3A_292 = tpu.memref_slice %arg11[%add3A_218, %dma_start3A_291] : memref<10240x128xf32, #tpu.memory_space<vmem_shared>> -> memref<128x128xf32, #tpu.memory_space<vmem_shared>>
      tpu.enqueue_dma source(%dma_start3A_292 : memref<128x128xf32, #tpu.memory_space<vmem_shared>>) target(%arg10 : memref<128x128xf32, #tpu.memory_space<vmem>>) target_semaphore(%run_scoped3A : memref<!tpu.dma_semaphore, #tpu.memory_space<semaphore_mem>>)
      %dma_wait3A_293 = arith.constant 0 : i32
      %dma_wait3A_294 = tpu.memref_slice %arg11[%add3A_218, %dma_wait3A_293] : memref<10240x128xf32, #tpu.memory_space<vmem_shared>> -> memref<128x128xf32, #tpu.memory_space<vmem_shared>>
      %dma_wait3A_295 = arith.constant 0 : i32
      %dma_wait3A_296 = tpu.memref_slice %arg11[%add3A_218, %dma_wait3A_295] : memref<10240x128xf32, #tpu.memory_space<vmem_shared>> -> memref<128x128xf32, #tpu.memory_space<vmem_shared>>
      tpu.wait_dma2 semaphore(%run_scoped3A : memref<!tpu.dma_semaphore, #tpu.memory_space<semaphore_mem>>) src(%dma_wait3A_296 : memref<128x128xf32, #tpu.memory_space<vmem_shared>>) dst(%arg10 : memref<128x128xf32, #tpu.memory_space<vmem>>)
      tpu.yield
    }) : () -> ()
    %dma_start3A_237 = arith.constant 0 : i32
    %dma_start3A_238 = tpu.memref_slice %arg6[%add3A_225, %dma_start3A_237] : memref<20480x128xf32, #tpu.memory_space<hbm>> -> memref<128x128xf32, #tpu.memory_space<hbm>>
    %dma_start3A_239 = arith.constant 0 : i32
    %dma_start3A_240 = tpu.memref_slice %arg6[%add3A_225, %dma_start3A_239] : memref<20480x128xf32, #tpu.memory_space<hbm>> -> memref<128x128xf32, #tpu.memory_space<hbm>>
    tpu.enqueue_dma source(%arg10 : memref<128x128xf32, #tpu.memory_space<vmem>>) target(%dma_start3A_240 : memref<128x128xf32, #tpu.memory_space<hbm>>) target_semaphore(%arg13 : memref<!tpu.dma_semaphore, #tpu.memory_space<semaphore_mem>>)
    %mul3A_241 = arith.constant 640 : i32
    %mul3A_242 = arith.muli %arg1, %mul3A_241 : i32
    %add3A_243 = arith.constant 512 : i32
    %add3A_244 = arith.addi %mul3A_242, %add3A_243 : i32
    %mul3A_245 = arith.constant 10240 : i32
    %mul3A_246 = arith.muli %arg0, %mul3A_245 : i32
    %mul3A_247 = arith.constant 640 : i32
    %mul3A_248 = arith.muli %arg1, %mul3A_247 : i32
    %add3A_249 = arith.addi %mul3A_246, %mul3A_248 : i32
    %add3A_250 = arith.constant 512 : i32
    %add3A_251 = arith.addi %add3A_249, %add3A_250 : i32
    %mul3A_252 = arith.constant 10240 : i32
    %mul3A_253 = arith.muli %arg0, %mul3A_252 : i32
    %mul3A_254 = arith.constant 640 : i32
    %mul3A_255 = arith.muli %arg1, %mul3A_254 : i32
    %add3A_256 = arith.addi %mul3A_253, %mul3A_255 : i32
    %add3A_257 = arith.constant 256 : i32
    %add3A_258 = arith.addi %add3A_256, %add3A_257 : i32
    %dma_wait3A_259 = arith.constant 0 : i32
    %dma_wait3A_260 = tpu.memref_slice %arg6[%add3A_258, %dma_wait3A_259] : memref<20480x128xf32, #tpu.memory_space<hbm>> -> memref<128x128xf32, #tpu.memory_space<hbm>>
    %dma_wait3A_261 = arith.constant 0 : i32
    %dma_wait3A_262 = tpu.memref_slice %arg6[%add3A_258, %dma_wait3A_261] : memref<20480x128xf32, #tpu.memory_space<hbm>> -> memref<128x128xf32, #tpu.memory_space<hbm>>
    tpu.wait_dma2 semaphore(%arg12 : memref<!tpu.dma_semaphore, #tpu.memory_space<semaphore_mem>>) src(%arg9 : memref<128x128xf32, #tpu.memory_space<vmem>>) dst(%dma_wait3A_262 : memref<128x128xf32, #tpu.memory_space<hbm>>)
    "tpu.region"() ({
      %run_scoped3A = tpu.sem_alloc : memref<!tpu.dma_semaphore, #tpu.memory_space<semaphore_mem>>
      %dma_start3A_289 = arith.constant 0 : i32
      %dma_start3A_290 = tpu.memref_slice %arg11[%add3A_244, %dma_start3A_289] : memref<10240x128xf32, #tpu.memory_space<vmem_shared>> -> memref<128x128xf32, #tpu.memory_space<vmem_shared>>
      %dma_start3A_291 = arith.constant 0 : i32
      %dma_start3A_292 = tpu.memref_slice %arg11[%add3A_244, %dma_start3A_291] : memref<10240x128xf32, #tpu.memory_space<vmem_shared>> -> memref<128x128xf32, #tpu.memory_space<vmem_shared>>
      tpu.enqueue_dma source(%dma_start3A_292 : memref<128x128xf32, #tpu.memory_space<vmem_shared>>) target(%arg9 : memref<128x128xf32, #tpu.memory_space<vmem>>) target_semaphore(%run_scoped3A : memref<!tpu.dma_semaphore, #tpu.memory_space<semaphore_mem>>)
      %dma_wait3A_293 = arith.constant 0 : i32
      %dma_wait3A_294 = tpu.memref_slice %arg11[%add3A_244, %dma_wait3A_293] : memref<10240x128xf32, #tpu.memory_space<vmem_shared>> -> memref<128x128xf32, #tpu.memory_space<vmem_shared>>
      %dma_wait3A_295 = arith.constant 0 : i32
      %dma_wait3A_296 = tpu.memref_slice %arg11[%add3A_244, %dma_wait3A_295] : memref<10240x128xf32, #tpu.memory_space<vmem_shared>> -> memref<128x128xf32, #tpu.memory_space<vmem_shared>>
      tpu.wait_dma2 semaphore(%run_scoped3A : memref<!tpu.dma_semaphore, #tpu.memory_space<semaphore_mem>>) src(%dma_wait3A_296 : memref<128x128xf32, #tpu.memory_space<vmem_shared>>) dst(%arg9 : memref<128x128xf32, #tpu.memory_space<vmem>>)
      tpu.yield
    }) : () -> ()
    %dma_start3A_263 = arith.constant 0 : i32
    %dma_start3A_264 = tpu.memref_slice %arg6[%add3A_251, %dma_start3A_263] : memref<20480x128xf32, #tpu.memory_space<hbm>> -> memref<128x128xf32, #tpu.memory_space<hbm>>
    %dma_start3A_265 = arith.constant 0 : i32
    %dma_start3A_266 = tpu.memref_slice %arg6[%add3A_251, %dma_start3A_265] : memref<20480x128xf32, #tpu.memory_space<hbm>> -> memref<128x128xf32, #tpu.memory_space<hbm>>
    tpu.enqueue_dma source(%arg9 : memref<128x128xf32, #tpu.memory_space<vmem>>) target(%dma_start3A_266 : memref<128x128xf32, #tpu.memory_space<hbm>>) target_semaphore(%arg12 : memref<!tpu.dma_semaphore, #tpu.memory_space<semaphore_mem>>)
    %mul3A_267 = arith.constant 10240 : i32
    %mul3A_268 = arith.muli %arg0, %mul3A_267 : i32
    %mul3A_269 = arith.constant 640 : i32
    %mul3A_270 = arith.muli %arg1, %mul3A_269 : i32
    %add3A_271 = arith.addi %mul3A_268, %mul3A_270 : i32
    %add3A_272 = arith.constant 384 : i32
    %add3A_273 = arith.addi %add3A_271, %add3A_272 : i32
    %dma_wait3A_274 = arith.constant 0 : i32
    %dma_wait3A_275 = tpu.memref_slice %arg6[%add3A_273, %dma_wait3A_274] : memref<20480x128xf32, #tpu.memory_space<hbm>> -> memref<128x128xf32, #tpu.memory_space<hbm>>
    %dma_wait3A_276 = arith.constant 0 : i32
    %dma_wait3A_277 = tpu.memref_slice %arg6[%add3A_273, %dma_wait3A_276] : memref<20480x128xf32, #tpu.memory_space<hbm>> -> memref<128x128xf32, #tpu.memory_space<hbm>>
    tpu.wait_dma2 semaphore(%arg13 : memref<!tpu.dma_semaphore, #tpu.memory_space<semaphore_mem>>) src(%arg10 : memref<128x128xf32, #tpu.memory_space<vmem>>) dst(%dma_wait3A_277 : memref<128x128xf32, #tpu.memory_space<hbm>>)
    %mul3A_278 = arith.constant 10240 : i32
    %mul3A_279 = arith.muli %arg0, %mul3A_278 : i32
    %mul3A_280 = arith.constant 640 : i32
    %mul3A_281 = arith.muli %arg1, %mul3A_280 : i32
    %add3A_282 = arith.addi %mul3A_279, %mul3A_281 : i32
    %add3A_283 = arith.constant 512 : i32
    %add3A_284 = arith.addi %add3A_282, %add3A_283 : i32
    %dma_wait3A_285 = arith.constant 0 : i32
    %dma_wait3A_286 = tpu.memref_slice %arg6[%add3A_284, %dma_wait3A_285] : memref<20480x128xf32, #tpu.memory_space<hbm>> -> memref<128x128xf32, #tpu.memory_space<hbm>>
    %dma_wait3A_287 = arith.constant 0 : i32
    %dma_wait3A_288 = tpu.memref_slice %arg6[%add3A_284, %dma_wait3A_287] : memref<20480x128xf32, #tpu.memory_space<hbm>> -> memref<128x128xf32, #tpu.memory_space<hbm>>
    tpu.wait_dma2 semaphore(%arg12 : memref<!tpu.dma_semaphore, #tpu.memory_space<semaphore_mem>>) src(%arg9 : memref<128x128xf32, #tpu.memory_space<vmem>>) dst(%dma_wait3A_288 : memref<128x128xf32, #tpu.memory_space<hbm>>)
    return
  }
}

#map = affine_map<(d0, d1) -> (0, 0)>
module attributes {stable_mosaic.version = 14 : i64} {
  func.func @_sc_deg_body(%arg0: i32, %arg1: i32, %arg2: memref<2560x128xi32, #tpu.memory_space<hbm>>, %arg3: memref<128x128xf32, #tpu.memory_space<hbm>>, %arg4: memref<128x128xf32, #tpu.memory_space<hbm>>, %arg5: memref<20480x128xf32, #tpu.memory_space<hbm>>, %arg6: memref<40x128xi32, #tpu.memory_space<vmem>>, %arg7: memref<128x128xf32, #tpu.memory_space<vmem>>, %arg8: memref<128x128xf32, #tpu.memory_space<vmem>>, %arg9: memref<10240x128xf32, #tpu.memory_space<vmem_shared>>, %arg10: memref<!tpu.dma_semaphore, #tpu.memory_space<semaphore_mem>>, %arg11: memref<!tpu.dma_semaphore, #tpu.memory_space<semaphore_mem>>, %arg12: memref<!tpu.dma_semaphore, #tpu.memory_space<semaphore_mem>>) attributes {dimension_semantics = [#tpu.dimension_semantics<core_parallel>, #tpu.dimension_semantics<subcore_parallel>], iteration_bounds = array<i64: 2, 16>, scalar_prefetch = 0 : i64, scratch_operands = 7 : i64, tpu.core_type = #tpu.core_type<sc_vector_subcore>, window_params = [{transform_indices = #map}, {transform_indices = #map}, {transform_indices = #map}, {transform_indices = #map}]} {
    %mul3A = arith.constant 2 : i32
    %mul3A_0 = arith.muli %arg1, %mul3A : i32
    %add3A = arith.addi %mul3A_0, %arg0 : i32
    "tpu.region"() ({
      %run_scoped3A = tpu.sem_alloc : memref<!tpu.dma_semaphore, #tpu.memory_space<semaphore_mem>>
      tpu.enqueue_dma source(%arg3 : memref<128x128xf32, #tpu.memory_space<hbm>>) target(%arg7 : memref<128x128xf32, #tpu.memory_space<vmem>>) target_semaphore(%run_scoped3A : memref<!tpu.dma_semaphore, #tpu.memory_space<semaphore_mem>>)
      tpu.wait_dma2 semaphore(%run_scoped3A : memref<!tpu.dma_semaphore, #tpu.memory_space<semaphore_mem>>) src(%arg3 : memref<128x128xf32, #tpu.memory_space<hbm>>) dst(%arg7 : memref<128x128xf32, #tpu.memory_space<vmem>>)
      tpu.yield
    }) : () -> ()
    %mul3A_1 = arith.constant 640 : i32
    %mul3A_2 = arith.muli %arg1, %mul3A_1 : i32
    %add3A_3 = arith.constant 0 : i32
    %add3A_4 = arith.addi %mul3A_2, %add3A_3 : i32
    "tpu.region"() ({
      %run_scoped3A = tpu.sem_alloc : memref<!tpu.dma_semaphore, #tpu.memory_space<semaphore_mem>>
      %dma_start3A_281 = arith.constant 0 : i32
      %dma_start3A_282 = tpu.memref_slice %arg9[%add3A_4, %dma_start3A_281] : memref<10240x128xf32, #tpu.memory_space<vmem_shared>> -> memref<128x128xf32, #tpu.memory_space<vmem_shared>>
      %dma_start3A_283 = arith.constant 0 : i32
      %dma_start3A_284 = tpu.memref_slice %arg9[%add3A_4, %dma_start3A_283] : memref<10240x128xf32, #tpu.memory_space<vmem_shared>> -> memref<128x128xf32, #tpu.memory_space<vmem_shared>>
      tpu.enqueue_dma source(%arg7 : memref<128x128xf32, #tpu.memory_space<vmem>>) target(%dma_start3A_284 : memref<128x128xf32, #tpu.memory_space<vmem_shared>>) target_semaphore(%run_scoped3A : memref<!tpu.dma_semaphore, #tpu.memory_space<semaphore_mem>>)
      %dma_wait3A_285 = arith.constant 0 : i32
      %dma_wait3A_286 = tpu.memref_slice %arg9[%add3A_4, %dma_wait3A_285] : memref<10240x128xf32, #tpu.memory_space<vmem_shared>> -> memref<128x128xf32, #tpu.memory_space<vmem_shared>>
      %dma_wait3A_287 = arith.constant 0 : i32
      %dma_wait3A_288 = tpu.memref_slice %arg9[%add3A_4, %dma_wait3A_287] : memref<10240x128xf32, #tpu.memory_space<vmem_shared>> -> memref<128x128xf32, #tpu.memory_space<vmem_shared>>
      tpu.wait_dma2 semaphore(%run_scoped3A : memref<!tpu.dma_semaphore, #tpu.memory_space<semaphore_mem>>) src(%arg7 : memref<128x128xf32, #tpu.memory_space<vmem>>) dst(%dma_wait3A_288 : memref<128x128xf32, #tpu.memory_space<vmem_shared>>)
      tpu.yield
    }) : () -> ()
    %mul3A_5 = arith.constant 640 : i32
    %mul3A_6 = arith.muli %arg1, %mul3A_5 : i32
    %add3A_7 = arith.constant 128 : i32
    %add3A_8 = arith.addi %mul3A_6, %add3A_7 : i32
    "tpu.region"() ({
      %run_scoped3A = tpu.sem_alloc : memref<!tpu.dma_semaphore, #tpu.memory_space<semaphore_mem>>
      %dma_start3A_281 = arith.constant 0 : i32
      %dma_start3A_282 = tpu.memref_slice %arg9[%add3A_8, %dma_start3A_281] : memref<10240x128xf32, #tpu.memory_space<vmem_shared>> -> memref<128x128xf32, #tpu.memory_space<vmem_shared>>
      %dma_start3A_283 = arith.constant 0 : i32
      %dma_start3A_284 = tpu.memref_slice %arg9[%add3A_8, %dma_start3A_283] : memref<10240x128xf32, #tpu.memory_space<vmem_shared>> -> memref<128x128xf32, #tpu.memory_space<vmem_shared>>
      tpu.enqueue_dma source(%arg7 : memref<128x128xf32, #tpu.memory_space<vmem>>) target(%dma_start3A_284 : memref<128x128xf32, #tpu.memory_space<vmem_shared>>) target_semaphore(%run_scoped3A : memref<!tpu.dma_semaphore, #tpu.memory_space<semaphore_mem>>)
      %dma_wait3A_285 = arith.constant 0 : i32
      %dma_wait3A_286 = tpu.memref_slice %arg9[%add3A_8, %dma_wait3A_285] : memref<10240x128xf32, #tpu.memory_space<vmem_shared>> -> memref<128x128xf32, #tpu.memory_space<vmem_shared>>
      %dma_wait3A_287 = arith.constant 0 : i32
      %dma_wait3A_288 = tpu.memref_slice %arg9[%add3A_8, %dma_wait3A_287] : memref<10240x128xf32, #tpu.memory_space<vmem_shared>> -> memref<128x128xf32, #tpu.memory_space<vmem_shared>>
      tpu.wait_dma2 semaphore(%run_scoped3A : memref<!tpu.dma_semaphore, #tpu.memory_space<semaphore_mem>>) src(%arg7 : memref<128x128xf32, #tpu.memory_space<vmem>>) dst(%dma_wait3A_288 : memref<128x128xf32, #tpu.memory_space<vmem_shared>>)
      tpu.yield
    }) : () -> ()
    %mul3A_9 = arith.constant 640 : i32
    %mul3A_10 = arith.muli %arg1, %mul3A_9 : i32
    %add3A_11 = arith.constant 256 : i32
    %add3A_12 = arith.addi %mul3A_10, %add3A_11 : i32
    "tpu.region"() ({
      %run_scoped3A = tpu.sem_alloc : memref<!tpu.dma_semaphore, #tpu.memory_space<semaphore_mem>>
      %dma_start3A_281 = arith.constant 0 : i32
      %dma_start3A_282 = tpu.memref_slice %arg9[%add3A_12, %dma_start3A_281] : memref<10240x128xf32, #tpu.memory_space<vmem_shared>> -> memref<128x128xf32, #tpu.memory_space<vmem_shared>>
      %dma_start3A_283 = arith.constant 0 : i32
      %dma_start3A_284 = tpu.memref_slice %arg9[%add3A_12, %dma_start3A_283] : memref<10240x128xf32, #tpu.memory_space<vmem_shared>> -> memref<128x128xf32, #tpu.memory_space<vmem_shared>>
      tpu.enqueue_dma source(%arg7 : memref<128x128xf32, #tpu.memory_space<vmem>>) target(%dma_start3A_284 : memref<128x128xf32, #tpu.memory_space<vmem_shared>>) target_semaphore(%run_scoped3A : memref<!tpu.dma_semaphore, #tpu.memory_space<semaphore_mem>>)
      %dma_wait3A_285 = arith.constant 0 : i32
      %dma_wait3A_286 = tpu.memref_slice %arg9[%add3A_12, %dma_wait3A_285] : memref<10240x128xf32, #tpu.memory_space<vmem_shared>> -> memref<128x128xf32, #tpu.memory_space<vmem_shared>>
      %dma_wait3A_287 = arith.constant 0 : i32
      %dma_wait3A_288 = tpu.memref_slice %arg9[%add3A_12, %dma_wait3A_287] : memref<10240x128xf32, #tpu.memory_space<vmem_shared>> -> memref<128x128xf32, #tpu.memory_space<vmem_shared>>
      tpu.wait_dma2 semaphore(%run_scoped3A : memref<!tpu.dma_semaphore, #tpu.memory_space<semaphore_mem>>) src(%arg7 : memref<128x128xf32, #tpu.memory_space<vmem>>) dst(%dma_wait3A_288 : memref<128x128xf32, #tpu.memory_space<vmem_shared>>)
      tpu.yield
    }) : () -> ()
    %mul3A_13 = arith.constant 640 : i32
    %mul3A_14 = arith.muli %arg1, %mul3A_13 : i32
    %add3A_15 = arith.constant 384 : i32
    %add3A_16 = arith.addi %mul3A_14, %add3A_15 : i32
    "tpu.region"() ({
      %run_scoped3A = tpu.sem_alloc : memref<!tpu.dma_semaphore, #tpu.memory_space<semaphore_mem>>
      %dma_start3A_281 = arith.constant 0 : i32
      %dma_start3A_282 = tpu.memref_slice %arg9[%add3A_16, %dma_start3A_281] : memref<10240x128xf32, #tpu.memory_space<vmem_shared>> -> memref<128x128xf32, #tpu.memory_space<vmem_shared>>
      %dma_start3A_283 = arith.constant 0 : i32
      %dma_start3A_284 = tpu.memref_slice %arg9[%add3A_16, %dma_start3A_283] : memref<10240x128xf32, #tpu.memory_space<vmem_shared>> -> memref<128x128xf32, #tpu.memory_space<vmem_shared>>
      tpu.enqueue_dma source(%arg7 : memref<128x128xf32, #tpu.memory_space<vmem>>) target(%dma_start3A_284 : memref<128x128xf32, #tpu.memory_space<vmem_shared>>) target_semaphore(%run_scoped3A : memref<!tpu.dma_semaphore, #tpu.memory_space<semaphore_mem>>)
      %dma_wait3A_285 = arith.constant 0 : i32
      %dma_wait3A_286 = tpu.memref_slice %arg9[%add3A_16, %dma_wait3A_285] : memref<10240x128xf32, #tpu.memory_space<vmem_shared>> -> memref<128x128xf32, #tpu.memory_space<vmem_shared>>
      %dma_wait3A_287 = arith.constant 0 : i32
      %dma_wait3A_288 = tpu.memref_slice %arg9[%add3A_16, %dma_wait3A_287] : memref<10240x128xf32, #tpu.memory_space<vmem_shared>> -> memref<128x128xf32, #tpu.memory_space<vmem_shared>>
      tpu.wait_dma2 semaphore(%run_scoped3A : memref<!tpu.dma_semaphore, #tpu.memory_space<semaphore_mem>>) src(%arg7 : memref<128x128xf32, #tpu.memory_space<vmem>>) dst(%dma_wait3A_288 : memref<128x128xf32, #tpu.memory_space<vmem_shared>>)
      tpu.yield
    }) : () -> ()
    %mul3A_17 = arith.constant 640 : i32
    %mul3A_18 = arith.muli %arg1, %mul3A_17 : i32
    %add3A_19 = arith.constant 512 : i32
    %add3A_20 = arith.addi %mul3A_18, %add3A_19 : i32
    "tpu.region"() ({
      %run_scoped3A = tpu.sem_alloc : memref<!tpu.dma_semaphore, #tpu.memory_space<semaphore_mem>>
      %dma_start3A_281 = arith.constant 0 : i32
      %dma_start3A_282 = tpu.memref_slice %arg9[%add3A_20, %dma_start3A_281] : memref<10240x128xf32, #tpu.memory_space<vmem_shared>> -> memref<128x128xf32, #tpu.memory_space<vmem_shared>>
      %dma_start3A_283 = arith.constant 0 : i32
      %dma_start3A_284 = tpu.memref_slice %arg9[%add3A_20, %dma_start3A_283] : memref<10240x128xf32, #tpu.memory_space<vmem_shared>> -> memref<128x128xf32, #tpu.memory_space<vmem_shared>>
      tpu.enqueue_dma source(%arg7 : memref<128x128xf32, #tpu.memory_space<vmem>>) target(%dma_start3A_284 : memref<128x128xf32, #tpu.memory_space<vmem_shared>>) target_semaphore(%run_scoped3A : memref<!tpu.dma_semaphore, #tpu.memory_space<semaphore_mem>>)
      %dma_wait3A_285 = arith.constant 0 : i32
      %dma_wait3A_286 = tpu.memref_slice %arg9[%add3A_20, %dma_wait3A_285] : memref<10240x128xf32, #tpu.memory_space<vmem_shared>> -> memref<128x128xf32, #tpu.memory_space<vmem_shared>>
      %dma_wait3A_287 = arith.constant 0 : i32
      %dma_wait3A_288 = tpu.memref_slice %arg9[%add3A_20, %dma_wait3A_287] : memref<10240x128xf32, #tpu.memory_space<vmem_shared>> -> memref<128x128xf32, #tpu.memory_space<vmem_shared>>
      tpu.wait_dma2 semaphore(%run_scoped3A : memref<!tpu.dma_semaphore, #tpu.memory_space<semaphore_mem>>) src(%arg7 : memref<128x128xf32, #tpu.memory_space<vmem>>) dst(%dma_wait3A_288 : memref<128x128xf32, #tpu.memory_space<vmem_shared>>)
      tpu.yield
    }) : () -> ()
    "tpu.region"() ({
      %run_scoped3A = tpu.sem_alloc : memref<!tpu.dma_semaphore, #tpu.memory_space<semaphore_mem>>
      tpu.enqueue_dma source(%arg4 : memref<128x128xf32, #tpu.memory_space<hbm>>) target(%arg7 : memref<128x128xf32, #tpu.memory_space<vmem>>) target_semaphore(%run_scoped3A : memref<!tpu.dma_semaphore, #tpu.memory_space<semaphore_mem>>)
      tpu.wait_dma2 semaphore(%run_scoped3A : memref<!tpu.dma_semaphore, #tpu.memory_space<semaphore_mem>>) src(%arg4 : memref<128x128xf32, #tpu.memory_space<hbm>>) dst(%arg7 : memref<128x128xf32, #tpu.memory_space<vmem>>)
      tpu.yield
    }) : () -> ()
    %barrier3A = arith.constant 0 : index
    tpu.barrier barrier_id(%barrier3A)
    %mul3A_21 = arith.constant 80 : i32
    %mul3A_22 = arith.muli %add3A, %mul3A_21 : i32
    %add3A_23 = arith.constant 0 : i32
    %add3A_24 = arith.addi %mul3A_22, %add3A_23 : i32
    "tpu.region"() ({
      %run_scoped3A = tpu.sem_alloc : memref<!tpu.dma_semaphore, #tpu.memory_space<semaphore_mem>>
      %dma_start3A_281 = arith.constant 0 : i32
      %dma_start3A_282 = tpu.memref_slice %arg2[%add3A_24, %dma_start3A_281] : memref<2560x128xi32, #tpu.memory_space<hbm>> -> memref<40x128xi32, #tpu.memory_space<hbm>>
      %dma_start3A_283 = arith.constant 0 : i32
      %dma_start3A_284 = tpu.memref_slice %arg2[%add3A_24, %dma_start3A_283] : memref<2560x128xi32, #tpu.memory_space<hbm>> -> memref<40x128xi32, #tpu.memory_space<hbm>>
      tpu.enqueue_dma source(%dma_start3A_284 : memref<40x128xi32, #tpu.memory_space<hbm>>) target(%arg6 : memref<40x128xi32, #tpu.memory_space<vmem>>) target_semaphore(%run_scoped3A : memref<!tpu.dma_semaphore, #tpu.memory_space<semaphore_mem>>)
      %dma_wait3A_285 = arith.constant 0 : i32
      %dma_wait3A_286 = tpu.memref_slice %arg2[%add3A_24, %dma_wait3A_285] : memref<2560x128xi32, #tpu.memory_space<hbm>> -> memref<40x128xi32, #tpu.memory_space<hbm>>
      %dma_wait3A_287 = arith.constant 0 : i32
      %dma_wait3A_288 = tpu.memref_slice %arg2[%add3A_24, %dma_wait3A_287] : memref<2560x128xi32, #tpu.memory_space<hbm>> -> memref<40x128xi32, #tpu.memory_space<hbm>>
      tpu.wait_dma2 semaphore(%run_scoped3A : memref<!tpu.dma_semaphore, #tpu.memory_space<semaphore_mem>>) src(%dma_wait3A_288 : memref<40x128xi32, #tpu.memory_space<hbm>>) dst(%arg6 : memref<40x128xi32, #tpu.memory_space<vmem>>)
      tpu.yield
    }) : () -> ()
    %scan3A = arith.constant 0 : i32
    %scan3A_25 = arith.constant 0 : i32
    %scan3A_26 = arith.constant 40 : i32
    %scan3A_27 = arith.addi %scan3A_25, %scan3A_26 : i32
    %scan3A_28 = arith.constant 1 : i32
    scf.for %scan3A_281 = %scan3A_25 to %scan3A_27 step %scan3A_28  : i32 {
      %dma_start3A_282 = arith.constant 0 : i32
      %dma_start3A_283 = tpu.memref_slice %arg6[%scan3A_281, %dma_start3A_282] : memref<40x128xi32, #tpu.memory_space<vmem>> -> memref<1x128xi32, #tpu.memory_space<vmem>>
      %dma_start3A_284 = tpu.memref_squeeze %dma_start3A_283 : memref<1x128xi32, #tpu.memory_space<vmem>> -> memref<128xi32, #tpu.memory_space<vmem>>
      %dma_start3A_285 = arith.constant 0 : i32
      %dma_start3A_286 = arith.constant 0 : i32
      %dma_start3A_287 = tpu.memref_slice %arg9[%dma_start3A_285, %dma_start3A_286] : memref<10240x128xf32, #tpu.memory_space<vmem_shared>> -> memref<10240x128xf32, #tpu.memory_space<vmem_shared>>
      tpu.enqueue_indirect_dma source(%arg7 : memref<128x128xf32, #tpu.memory_space<vmem>>) target(%dma_start3A_287 : memref<10240x128xf32, #tpu.memory_space<vmem_shared>>) offsets(%dma_start3A_284 : memref<128xi32, #tpu.memory_space<vmem>>) semaphore(%arg10 : memref<!tpu.dma_semaphore, #tpu.memory_space<semaphore_mem>>) {add = true}
      %ge3A = arith.constant 8 : i32
      %ge3A_288 = arith.cmpi sge, %scan3A_281, %ge3A : i32
      %convert_element_type3A = arith.extui %ge3A_288 : i1 to i32
      %cond3A = arith.constant 0 : i32
      %cond3A_289 = arith.cmpi ne, %convert_element_type3A, %cond3A : i32
      scf.if %cond3A_289 {
        %sub3A = arith.constant 8 : i32
        %sub3A_290 = arith.subi %scan3A_281, %sub3A : i32
        %dma_wait3A_291 = arith.constant 0 : i32
        %dma_wait3A_292 = tpu.memref_slice %arg6[%sub3A_290, %dma_wait3A_291] : memref<40x128xi32, #tpu.memory_space<vmem>> -> memref<1x128xi32, #tpu.memory_space<vmem>>
        %dma_wait3A_293 = tpu.memref_squeeze %dma_wait3A_292 : memref<1x128xi32, #tpu.memory_space<vmem>> -> memref<128xi32, #tpu.memory_space<vmem>>
        %dma_wait3A_294 = arith.constant 0 : i32
        %dma_wait3A_295 = arith.constant 0 : i32
        %dma_wait3A_296 = tpu.memref_slice %arg9[%dma_wait3A_294, %dma_wait3A_295] : memref<10240x128xf32, #tpu.memory_space<vmem_shared>> -> memref<10240x128xf32, #tpu.memory_space<vmem_shared>>
        tpu.wait_indirect_dma semaphore(%arg10 : memref<!tpu.dma_semaphore, #tpu.memory_space<semaphore_mem>>) src(%arg7 : memref<128x128xf32, #tpu.memory_space<vmem>>) dst(%dma_wait3A_296 : memref<10240x128xf32, #tpu.memory_space<vmem_shared>>)
      } else {
      }
    }
    %scan3A_29 = arith.constant 40 : i32
    %dma_wait3A = arith.constant 32 : i32
    %dma_wait3A_30 = arith.constant 0 : i32
    %dma_wait3A_31 = tpu.memref_slice %arg6[%dma_wait3A, %dma_wait3A_30] : memref<40x128xi32, #tpu.memory_space<vmem>> -> memref<1x128xi32, #tpu.memory_space<vmem>>
    %dma_wait3A_32 = tpu.memref_squeeze %dma_wait3A_31 : memref<1x128xi32, #tpu.memory_space<vmem>> -> memref<128xi32, #tpu.memory_space<vmem>>
    %dma_wait3A_33 = arith.constant 0 : i32
    %dma_wait3A_34 = arith.constant 0 : i32
    %dma_wait3A_35 = tpu.memref_slice %arg9[%dma_wait3A_33, %dma_wait3A_34] : memref<10240x128xf32, #tpu.memory_space<vmem_shared>> -> memref<10240x128xf32, #tpu.memory_space<vmem_shared>>
    tpu.wait_indirect_dma semaphore(%arg10 : memref<!tpu.dma_semaphore, #tpu.memory_space<semaphore_mem>>) src(%arg7 : memref<128x128xf32, #tpu.memory_space<vmem>>) dst(%dma_wait3A_35 : memref<10240x128xf32, #tpu.memory_space<vmem_shared>>)
    %dma_wait3A_36 = arith.constant 33 : i32
    %dma_wait3A_37 = arith.constant 0 : i32
    %dma_wait3A_38 = tpu.memref_slice %arg6[%dma_wait3A_36, %dma_wait3A_37] : memref<40x128xi32, #tpu.memory_space<vmem>> -> memref<1x128xi32, #tpu.memory_space<vmem>>
    %dma_wait3A_39 = tpu.memref_squeeze %dma_wait3A_38 : memref<1x128xi32, #tpu.memory_space<vmem>> -> memref<128xi32, #tpu.memory_space<vmem>>
    %dma_wait3A_40 = arith.constant 0 : i32
    %dma_wait3A_41 = arith.constant 0 : i32
    %dma_wait3A_42 = tpu.memref_slice %arg9[%dma_wait3A_40, %dma_wait3A_41] : memref<10240x128xf32, #tpu.memory_space<vmem_shared>> -> memref<10240x128xf32, #tpu.memory_space<vmem_shared>>
    tpu.wait_indirect_dma semaphore(%arg10 : memref<!tpu.dma_semaphore, #tpu.memory_space<semaphore_mem>>) src(%arg7 : memref<128x128xf32, #tpu.memory_space<vmem>>) dst(%dma_wait3A_42 : memref<10240x128xf32, #tpu.memory_space<vmem_shared>>)
    %dma_wait3A_43 = arith.constant 34 : i32
    %dma_wait3A_44 = arith.constant 0 : i32
    %dma_wait3A_45 = tpu.memref_slice %arg6[%dma_wait3A_43, %dma_wait3A_44] : memref<40x128xi32, #tpu.memory_space<vmem>> -> memref<1x128xi32, #tpu.memory_space<vmem>>
    %dma_wait3A_46 = tpu.memref_squeeze %dma_wait3A_45 : memref<1x128xi32, #tpu.memory_space<vmem>> -> memref<128xi32, #tpu.memory_space<vmem>>
    %dma_wait3A_47 = arith.constant 0 : i32
    %dma_wait3A_48 = arith.constant 0 : i32
    %dma_wait3A_49 = tpu.memref_slice %arg9[%dma_wait3A_47, %dma_wait3A_48] : memref<10240x128xf32, #tpu.memory_space<vmem_shared>> -> memref<10240x128xf32, #tpu.memory_space<vmem_shared>>
    tpu.wait_indirect_dma semaphore(%arg10 : memref<!tpu.dma_semaphore, #tpu.memory_space<semaphore_mem>>) src(%arg7 : memref<128x128xf32, #tpu.memory_space<vmem>>) dst(%dma_wait3A_49 : memref<10240x128xf32, #tpu.memory_space<vmem_shared>>)
    %dma_wait3A_50 = arith.constant 35 : i32
    %dma_wait3A_51 = arith.constant 0 : i32
    %dma_wait3A_52 = tpu.memref_slice %arg6[%dma_wait3A_50, %dma_wait3A_51] : memref<40x128xi32, #tpu.memory_space<vmem>> -> memref<1x128xi32, #tpu.memory_space<vmem>>
    %dma_wait3A_53 = tpu.memref_squeeze %dma_wait3A_52 : memref<1x128xi32, #tpu.memory_space<vmem>> -> memref<128xi32, #tpu.memory_space<vmem>>
    %dma_wait3A_54 = arith.constant 0 : i32
    %dma_wait3A_55 = arith.constant 0 : i32
    %dma_wait3A_56 = tpu.memref_slice %arg9[%dma_wait3A_54, %dma_wait3A_55] : memref<10240x128xf32, #tpu.memory_space<vmem_shared>> -> memref<10240x128xf32, #tpu.memory_space<vmem_shared>>
    tpu.wait_indirect_dma semaphore(%arg10 : memref<!tpu.dma_semaphore, #tpu.memory_space<semaphore_mem>>) src(%arg7 : memref<128x128xf32, #tpu.memory_space<vmem>>) dst(%dma_wait3A_56 : memref<10240x128xf32, #tpu.memory_space<vmem_shared>>)
    %dma_wait3A_57 = arith.constant 36 : i32
    %dma_wait3A_58 = arith.constant 0 : i32
    %dma_wait3A_59 = tpu.memref_slice %arg6[%dma_wait3A_57, %dma_wait3A_58] : memref<40x128xi32, #tpu.memory_space<vmem>> -> memref<1x128xi32, #tpu.memory_space<vmem>>
    %dma_wait3A_60 = tpu.memref_squeeze %dma_wait3A_59 : memref<1x128xi32, #tpu.memory_space<vmem>> -> memref<128xi32, #tpu.memory_space<vmem>>
    %dma_wait3A_61 = arith.constant 0 : i32
    %dma_wait3A_62 = arith.constant 0 : i32
    %dma_wait3A_63 = tpu.memref_slice %arg9[%dma_wait3A_61, %dma_wait3A_62] : memref<10240x128xf32, #tpu.memory_space<vmem_shared>> -> memref<10240x128xf32, #tpu.memory_space<vmem_shared>>
    tpu.wait_indirect_dma semaphore(%arg10 : memref<!tpu.dma_semaphore, #tpu.memory_space<semaphore_mem>>) src(%arg7 : memref<128x128xf32, #tpu.memory_space<vmem>>) dst(%dma_wait3A_63 : memref<10240x128xf32, #tpu.memory_space<vmem_shared>>)
    %dma_wait3A_64 = arith.constant 37 : i32
    %dma_wait3A_65 = arith.constant 0 : i32
    %dma_wait3A_66 = tpu.memref_slice %arg6[%dma_wait3A_64, %dma_wait3A_65] : memref<40x128xi32, #tpu.memory_space<vmem>> -> memref<1x128xi32, #tpu.memory_space<vmem>>
    %dma_wait3A_67 = tpu.memref_squeeze %dma_wait3A_66 : memref<1x128xi32, #tpu.memory_space<vmem>> -> memref<128xi32, #tpu.memory_space<vmem>>
    %dma_wait3A_68 = arith.constant 0 : i32
    %dma_wait3A_69 = arith.constant 0 : i32
    %dma_wait3A_70 = tpu.memref_slice %arg9[%dma_wait3A_68, %dma_wait3A_69] : memref<10240x128xf32, #tpu.memory_space<vmem_shared>> -> memref<10240x128xf32, #tpu.memory_space<vmem_shared>>
    tpu.wait_indirect_dma semaphore(%arg10 : memref<!tpu.dma_semaphore, #tpu.memory_space<semaphore_mem>>) src(%arg7 : memref<128x128xf32, #tpu.memory_space<vmem>>) dst(%dma_wait3A_70 : memref<10240x128xf32, #tpu.memory_space<vmem_shared>>)
    %dma_wait3A_71 = arith.constant 38 : i32
    %dma_wait3A_72 = arith.constant 0 : i32
    %dma_wait3A_73 = tpu.memref_slice %arg6[%dma_wait3A_71, %dma_wait3A_72] : memref<40x128xi32, #tpu.memory_space<vmem>> -> memref<1x128xi32, #tpu.memory_space<vmem>>
    %dma_wait3A_74 = tpu.memref_squeeze %dma_wait3A_73 : memref<1x128xi32, #tpu.memory_space<vmem>> -> memref<128xi32, #tpu.memory_space<vmem>>
    %dma_wait3A_75 = arith.constant 0 : i32
    %dma_wait3A_76 = arith.constant 0 : i32
    %dma_wait3A_77 = tpu.memref_slice %arg9[%dma_wait3A_75, %dma_wait3A_76] : memref<10240x128xf32, #tpu.memory_space<vmem_shared>> -> memref<10240x128xf32, #tpu.memory_space<vmem_shared>>
    tpu.wait_indirect_dma semaphore(%arg10 : memref<!tpu.dma_semaphore, #tpu.memory_space<semaphore_mem>>) src(%arg7 : memref<128x128xf32, #tpu.memory_space<vmem>>) dst(%dma_wait3A_77 : memref<10240x128xf32, #tpu.memory_space<vmem_shared>>)
    %dma_wait3A_78 = arith.constant 39 : i32
    %dma_wait3A_79 = arith.constant 0 : i32
    %dma_wait3A_80 = tpu.memref_slice %arg6[%dma_wait3A_78, %dma_wait3A_79] : memref<40x128xi32, #tpu.memory_space<vmem>> -> memref<1x128xi32, #tpu.memory_space<vmem>>
    %dma_wait3A_81 = tpu.memref_squeeze %dma_wait3A_80 : memref<1x128xi32, #tpu.memory_space<vmem>> -> memref<128xi32, #tpu.memory_space<vmem>>
    %dma_wait3A_82 = arith.constant 0 : i32
    %dma_wait3A_83 = arith.constant 0 : i32
    %dma_wait3A_84 = tpu.memref_slice %arg9[%dma_wait3A_82, %dma_wait3A_83] : memref<10240x128xf32, #tpu.memory_space<vmem_shared>> -> memref<10240x128xf32, #tpu.memory_space<vmem_shared>>
    tpu.wait_indirect_dma semaphore(%arg10 : memref<!tpu.dma_semaphore, #tpu.memory_space<semaphore_mem>>) src(%arg7 : memref<128x128xf32, #tpu.memory_space<vmem>>) dst(%dma_wait3A_84 : memref<10240x128xf32, #tpu.memory_space<vmem_shared>>)
    %mul3A_85 = arith.constant 80 : i32
    %mul3A_86 = arith.muli %add3A, %mul3A_85 : i32
    %add3A_87 = arith.constant 40 : i32
    %add3A_88 = arith.addi %mul3A_86, %add3A_87 : i32
    "tpu.region"() ({
      %run_scoped3A = tpu.sem_alloc : memref<!tpu.dma_semaphore, #tpu.memory_space<semaphore_mem>>
      %dma_start3A_281 = arith.constant 0 : i32
      %dma_start3A_282 = tpu.memref_slice %arg2[%add3A_88, %dma_start3A_281] : memref<2560x128xi32, #tpu.memory_space<hbm>> -> memref<40x128xi32, #tpu.memory_space<hbm>>
      %dma_start3A_283 = arith.constant 0 : i32
      %dma_start3A_284 = tpu.memref_slice %arg2[%add3A_88, %dma_start3A_283] : memref<2560x128xi32, #tpu.memory_space<hbm>> -> memref<40x128xi32, #tpu.memory_space<hbm>>
      tpu.enqueue_dma source(%dma_start3A_284 : memref<40x128xi32, #tpu.memory_space<hbm>>) target(%arg6 : memref<40x128xi32, #tpu.memory_space<vmem>>) target_semaphore(%run_scoped3A : memref<!tpu.dma_semaphore, #tpu.memory_space<semaphore_mem>>)
      %dma_wait3A_285 = arith.constant 0 : i32
      %dma_wait3A_286 = tpu.memref_slice %arg2[%add3A_88, %dma_wait3A_285] : memref<2560x128xi32, #tpu.memory_space<hbm>> -> memref<40x128xi32, #tpu.memory_space<hbm>>
      %dma_wait3A_287 = arith.constant 0 : i32
      %dma_wait3A_288 = tpu.memref_slice %arg2[%add3A_88, %dma_wait3A_287] : memref<2560x128xi32, #tpu.memory_space<hbm>> -> memref<40x128xi32, #tpu.memory_space<hbm>>
      tpu.wait_dma2 semaphore(%run_scoped3A : memref<!tpu.dma_semaphore, #tpu.memory_space<semaphore_mem>>) src(%dma_wait3A_288 : memref<40x128xi32, #tpu.memory_space<hbm>>) dst(%arg6 : memref<40x128xi32, #tpu.memory_space<vmem>>)
      tpu.yield
    }) : () -> ()
    %scan3A_89 = arith.constant 0 : i32
    %scan3A_90 = arith.constant 0 : i32
    %scan3A_91 = arith.constant 40 : i32
    %scan3A_92 = arith.addi %scan3A_90, %scan3A_91 : i32
    %scan3A_93 = arith.constant 1 : i32
    scf.for %scan3A_281 = %scan3A_90 to %scan3A_92 step %scan3A_93  : i32 {
      %dma_start3A_282 = arith.constant 0 : i32
      %dma_start3A_283 = tpu.memref_slice %arg6[%scan3A_281, %dma_start3A_282] : memref<40x128xi32, #tpu.memory_space<vmem>> -> memref<1x128xi32, #tpu.memory_space<vmem>>
      %dma_start3A_284 = tpu.memref_squeeze %dma_start3A_283 : memref<1x128xi32, #tpu.memory_space<vmem>> -> memref<128xi32, #tpu.memory_space<vmem>>
      %dma_start3A_285 = arith.constant 0 : i32
      %dma_start3A_286 = arith.constant 0 : i32
      %dma_start3A_287 = tpu.memref_slice %arg9[%dma_start3A_285, %dma_start3A_286] : memref<10240x128xf32, #tpu.memory_space<vmem_shared>> -> memref<10240x128xf32, #tpu.memory_space<vmem_shared>>
      tpu.enqueue_indirect_dma source(%arg7 : memref<128x128xf32, #tpu.memory_space<vmem>>) target(%dma_start3A_287 : memref<10240x128xf32, #tpu.memory_space<vmem_shared>>) offsets(%dma_start3A_284 : memref<128xi32, #tpu.memory_space<vmem>>) semaphore(%arg10 : memref<!tpu.dma_semaphore, #tpu.memory_space<semaphore_mem>>) {add = true}
      %ge3A = arith.constant 8 : i32
      %ge3A_288 = arith.cmpi sge, %scan3A_281, %ge3A : i32
      %convert_element_type3A = arith.extui %ge3A_288 : i1 to i32
      %cond3A = arith.constant 0 : i32
      %cond3A_289 = arith.cmpi ne, %convert_element_type3A, %cond3A : i32
      scf.if %cond3A_289 {
        %sub3A = arith.constant 8 : i32
        %sub3A_290 = arith.subi %scan3A_281, %sub3A : i32
        %dma_wait3A_291 = arith.constant 0 : i32
        %dma_wait3A_292 = tpu.memref_slice %arg6[%sub3A_290, %dma_wait3A_291] : memref<40x128xi32, #tpu.memory_space<vmem>> -> memref<1x128xi32, #tpu.memory_space<vmem>>
        %dma_wait3A_293 = tpu.memref_squeeze %dma_wait3A_292 : memref<1x128xi32, #tpu.memory_space<vmem>> -> memref<128xi32, #tpu.memory_space<vmem>>
        %dma_wait3A_294 = arith.constant 0 : i32
        %dma_wait3A_295 = arith.constant 0 : i32
        %dma_wait3A_296 = tpu.memref_slice %arg9[%dma_wait3A_294, %dma_wait3A_295] : memref<10240x128xf32, #tpu.memory_space<vmem_shared>> -> memref<10240x128xf32, #tpu.memory_space<vmem_shared>>
        tpu.wait_indirect_dma semaphore(%arg10 : memref<!tpu.dma_semaphore, #tpu.memory_space<semaphore_mem>>) src(%arg7 : memref<128x128xf32, #tpu.memory_space<vmem>>) dst(%dma_wait3A_296 : memref<10240x128xf32, #tpu.memory_space<vmem_shared>>)
      } else {
      }
    }
    %scan3A_94 = arith.constant 40 : i32
    %dma_wait3A_95 = arith.constant 32 : i32
    %dma_wait3A_96 = arith.constant 0 : i32
    %dma_wait3A_97 = tpu.memref_slice %arg6[%dma_wait3A_95, %dma_wait3A_96] : memref<40x128xi32, #tpu.memory_space<vmem>> -> memref<1x128xi32, #tpu.memory_space<vmem>>
    %dma_wait3A_98 = tpu.memref_squeeze %dma_wait3A_97 : memref<1x128xi32, #tpu.memory_space<vmem>> -> memref<128xi32, #tpu.memory_space<vmem>>
    %dma_wait3A_99 = arith.constant 0 : i32
    %dma_wait3A_100 = arith.constant 0 : i32
    %dma_wait3A_101 = tpu.memref_slice %arg9[%dma_wait3A_99, %dma_wait3A_100] : memref<10240x128xf32, #tpu.memory_space<vmem_shared>> -> memref<10240x128xf32, #tpu.memory_space<vmem_shared>>
    tpu.wait_indirect_dma semaphore(%arg10 : memref<!tpu.dma_semaphore, #tpu.memory_space<semaphore_mem>>) src(%arg7 : memref<128x128xf32, #tpu.memory_space<vmem>>) dst(%dma_wait3A_101 : memref<10240x128xf32, #tpu.memory_space<vmem_shared>>)
    %dma_wait3A_102 = arith.constant 33 : i32
    %dma_wait3A_103 = arith.constant 0 : i32
    %dma_wait3A_104 = tpu.memref_slice %arg6[%dma_wait3A_102, %dma_wait3A_103] : memref<40x128xi32, #tpu.memory_space<vmem>> -> memref<1x128xi32, #tpu.memory_space<vmem>>
    %dma_wait3A_105 = tpu.memref_squeeze %dma_wait3A_104 : memref<1x128xi32, #tpu.memory_space<vmem>> -> memref<128xi32, #tpu.memory_space<vmem>>
    %dma_wait3A_106 = arith.constant 0 : i32
    %dma_wait3A_107 = arith.constant 0 : i32
    %dma_wait3A_108 = tpu.memref_slice %arg9[%dma_wait3A_106, %dma_wait3A_107] : memref<10240x128xf32, #tpu.memory_space<vmem_shared>> -> memref<10240x128xf32, #tpu.memory_space<vmem_shared>>
    tpu.wait_indirect_dma semaphore(%arg10 : memref<!tpu.dma_semaphore, #tpu.memory_space<semaphore_mem>>) src(%arg7 : memref<128x128xf32, #tpu.memory_space<vmem>>) dst(%dma_wait3A_108 : memref<10240x128xf32, #tpu.memory_space<vmem_shared>>)
    %dma_wait3A_109 = arith.constant 34 : i32
    %dma_wait3A_110 = arith.constant 0 : i32
    %dma_wait3A_111 = tpu.memref_slice %arg6[%dma_wait3A_109, %dma_wait3A_110] : memref<40x128xi32, #tpu.memory_space<vmem>> -> memref<1x128xi32, #tpu.memory_space<vmem>>
    %dma_wait3A_112 = tpu.memref_squeeze %dma_wait3A_111 : memref<1x128xi32, #tpu.memory_space<vmem>> -> memref<128xi32, #tpu.memory_space<vmem>>
    %dma_wait3A_113 = arith.constant 0 : i32
    %dma_wait3A_114 = arith.constant 0 : i32
    %dma_wait3A_115 = tpu.memref_slice %arg9[%dma_wait3A_113, %dma_wait3A_114] : memref<10240x128xf32, #tpu.memory_space<vmem_shared>> -> memref<10240x128xf32, #tpu.memory_space<vmem_shared>>
    tpu.wait_indirect_dma semaphore(%arg10 : memref<!tpu.dma_semaphore, #tpu.memory_space<semaphore_mem>>) src(%arg7 : memref<128x128xf32, #tpu.memory_space<vmem>>) dst(%dma_wait3A_115 : memref<10240x128xf32, #tpu.memory_space<vmem_shared>>)
    %dma_wait3A_116 = arith.constant 35 : i32
    %dma_wait3A_117 = arith.constant 0 : i32
    %dma_wait3A_118 = tpu.memref_slice %arg6[%dma_wait3A_116, %dma_wait3A_117] : memref<40x128xi32, #tpu.memory_space<vmem>> -> memref<1x128xi32, #tpu.memory_space<vmem>>
    %dma_wait3A_119 = tpu.memref_squeeze %dma_wait3A_118 : memref<1x128xi32, #tpu.memory_space<vmem>> -> memref<128xi32, #tpu.memory_space<vmem>>
    %dma_wait3A_120 = arith.constant 0 : i32
    %dma_wait3A_121 = arith.constant 0 : i32
    %dma_wait3A_122 = tpu.memref_slice %arg9[%dma_wait3A_120, %dma_wait3A_121] : memref<10240x128xf32, #tpu.memory_space<vmem_shared>> -> memref<10240x128xf32, #tpu.memory_space<vmem_shared>>
    tpu.wait_indirect_dma semaphore(%arg10 : memref<!tpu.dma_semaphore, #tpu.memory_space<semaphore_mem>>) src(%arg7 : memref<128x128xf32, #tpu.memory_space<vmem>>) dst(%dma_wait3A_122 : memref<10240x128xf32, #tpu.memory_space<vmem_shared>>)
    %dma_wait3A_123 = arith.constant 36 : i32
    %dma_wait3A_124 = arith.constant 0 : i32
    %dma_wait3A_125 = tpu.memref_slice %arg6[%dma_wait3A_123, %dma_wait3A_124] : memref<40x128xi32, #tpu.memory_space<vmem>> -> memref<1x128xi32, #tpu.memory_space<vmem>>
    %dma_wait3A_126 = tpu.memref_squeeze %dma_wait3A_125 : memref<1x128xi32, #tpu.memory_space<vmem>> -> memref<128xi32, #tpu.memory_space<vmem>>
    %dma_wait3A_127 = arith.constant 0 : i32
    %dma_wait3A_128 = arith.constant 0 : i32
    %dma_wait3A_129 = tpu.memref_slice %arg9[%dma_wait3A_127, %dma_wait3A_128] : memref<10240x128xf32, #tpu.memory_space<vmem_shared>> -> memref<10240x128xf32, #tpu.memory_space<vmem_shared>>
    tpu.wait_indirect_dma semaphore(%arg10 : memref<!tpu.dma_semaphore, #tpu.memory_space<semaphore_mem>>) src(%arg7 : memref<128x128xf32, #tpu.memory_space<vmem>>) dst(%dma_wait3A_129 : memref<10240x128xf32, #tpu.memory_space<vmem_shared>>)
    %dma_wait3A_130 = arith.constant 37 : i32
    %dma_wait3A_131 = arith.constant 0 : i32
    %dma_wait3A_132 = tpu.memref_slice %arg6[%dma_wait3A_130, %dma_wait3A_131] : memref<40x128xi32, #tpu.memory_space<vmem>> -> memref<1x128xi32, #tpu.memory_space<vmem>>
    %dma_wait3A_133 = tpu.memref_squeeze %dma_wait3A_132 : memref<1x128xi32, #tpu.memory_space<vmem>> -> memref<128xi32, #tpu.memory_space<vmem>>
    %dma_wait3A_134 = arith.constant 0 : i32
    %dma_wait3A_135 = arith.constant 0 : i32
    %dma_wait3A_136 = tpu.memref_slice %arg9[%dma_wait3A_134, %dma_wait3A_135] : memref<10240x128xf32, #tpu.memory_space<vmem_shared>> -> memref<10240x128xf32, #tpu.memory_space<vmem_shared>>
    tpu.wait_indirect_dma semaphore(%arg10 : memref<!tpu.dma_semaphore, #tpu.memory_space<semaphore_mem>>) src(%arg7 : memref<128x128xf32, #tpu.memory_space<vmem>>) dst(%dma_wait3A_136 : memref<10240x128xf32, #tpu.memory_space<vmem_shared>>)
    %dma_wait3A_137 = arith.constant 38 : i32
    %dma_wait3A_138 = arith.constant 0 : i32
    %dma_wait3A_139 = tpu.memref_slice %arg6[%dma_wait3A_137, %dma_wait3A_138] : memref<40x128xi32, #tpu.memory_space<vmem>> -> memref<1x128xi32, #tpu.memory_space<vmem>>
    %dma_wait3A_140 = tpu.memref_squeeze %dma_wait3A_139 : memref<1x128xi32, #tpu.memory_space<vmem>> -> memref<128xi32, #tpu.memory_space<vmem>>
    %dma_wait3A_141 = arith.constant 0 : i32
    %dma_wait3A_142 = arith.constant 0 : i32
    %dma_wait3A_143 = tpu.memref_slice %arg9[%dma_wait3A_141, %dma_wait3A_142] : memref<10240x128xf32, #tpu.memory_space<vmem_shared>> -> memref<10240x128xf32, #tpu.memory_space<vmem_shared>>
    tpu.wait_indirect_dma semaphore(%arg10 : memref<!tpu.dma_semaphore, #tpu.memory_space<semaphore_mem>>) src(%arg7 : memref<128x128xf32, #tpu.memory_space<vmem>>) dst(%dma_wait3A_143 : memref<10240x128xf32, #tpu.memory_space<vmem_shared>>)
    %dma_wait3A_144 = arith.constant 39 : i32
    %dma_wait3A_145 = arith.constant 0 : i32
    %dma_wait3A_146 = tpu.memref_slice %arg6[%dma_wait3A_144, %dma_wait3A_145] : memref<40x128xi32, #tpu.memory_space<vmem>> -> memref<1x128xi32, #tpu.memory_space<vmem>>
    %dma_wait3A_147 = tpu.memref_squeeze %dma_wait3A_146 : memref<1x128xi32, #tpu.memory_space<vmem>> -> memref<128xi32, #tpu.memory_space<vmem>>
    %dma_wait3A_148 = arith.constant 0 : i32
    %dma_wait3A_149 = arith.constant 0 : i32
    %dma_wait3A_150 = tpu.memref_slice %arg9[%dma_wait3A_148, %dma_wait3A_149] : memref<10240x128xf32, #tpu.memory_space<vmem_shared>> -> memref<10240x128xf32, #tpu.memory_space<vmem_shared>>
    tpu.wait_indirect_dma semaphore(%arg10 : memref<!tpu.dma_semaphore, #tpu.memory_space<semaphore_mem>>) src(%arg7 : memref<128x128xf32, #tpu.memory_space<vmem>>) dst(%dma_wait3A_150 : memref<10240x128xf32, #tpu.memory_space<vmem_shared>>)
    %barrier3A_151 = arith.constant 0 : index
    tpu.barrier barrier_id(%barrier3A_151)
    %mul3A_152 = arith.constant 640 : i32
    %mul3A_153 = arith.muli %arg1, %mul3A_152 : i32
    %add3A_154 = arith.constant 0 : i32
    %add3A_155 = arith.addi %mul3A_153, %add3A_154 : i32
    %mul3A_156 = arith.constant 10240 : i32
    %mul3A_157 = arith.muli %arg0, %mul3A_156 : i32
    %mul3A_158 = arith.constant 640 : i32
    %mul3A_159 = arith.muli %arg1, %mul3A_158 : i32
    %add3A_160 = arith.addi %mul3A_157, %mul3A_159 : i32
    %add3A_161 = arith.constant 0 : i32
    %add3A_162 = arith.addi %add3A_160, %add3A_161 : i32
    "tpu.region"() ({
      %run_scoped3A = tpu.sem_alloc : memref<!tpu.dma_semaphore, #tpu.memory_space<semaphore_mem>>
      %dma_start3A_281 = arith.constant 0 : i32
      %dma_start3A_282 = tpu.memref_slice %arg9[%add3A_155, %dma_start3A_281] : memref<10240x128xf32, #tpu.memory_space<vmem_shared>> -> memref<128x128xf32, #tpu.memory_space<vmem_shared>>
      %dma_start3A_283 = arith.constant 0 : i32
      %dma_start3A_284 = tpu.memref_slice %arg9[%add3A_155, %dma_start3A_283] : memref<10240x128xf32, #tpu.memory_space<vmem_shared>> -> memref<128x128xf32, #tpu.memory_space<vmem_shared>>
      tpu.enqueue_dma source(%dma_start3A_284 : memref<128x128xf32, #tpu.memory_space<vmem_shared>>) target(%arg7 : memref<128x128xf32, #tpu.memory_space<vmem>>) target_semaphore(%run_scoped3A : memref<!tpu.dma_semaphore, #tpu.memory_space<semaphore_mem>>)
      %dma_wait3A_285 = arith.constant 0 : i32
      %dma_wait3A_286 = tpu.memref_slice %arg9[%add3A_155, %dma_wait3A_285] : memref<10240x128xf32, #tpu.memory_space<vmem_shared>> -> memref<128x128xf32, #tpu.memory_space<vmem_shared>>
      %dma_wait3A_287 = arith.constant 0 : i32
      %dma_wait3A_288 = tpu.memref_slice %arg9[%add3A_155, %dma_wait3A_287] : memref<10240x128xf32, #tpu.memory_space<vmem_shared>> -> memref<128x128xf32, #tpu.memory_space<vmem_shared>>
      tpu.wait_dma2 semaphore(%run_scoped3A : memref<!tpu.dma_semaphore, #tpu.memory_space<semaphore_mem>>) src(%dma_wait3A_288 : memref<128x128xf32, #tpu.memory_space<vmem_shared>>) dst(%arg7 : memref<128x128xf32, #tpu.memory_space<vmem>>)
      tpu.yield
    }) : () -> ()
    %dma_start3A = arith.constant 0 : i32
    %dma_start3A_163 = tpu.memref_slice %arg5[%add3A_162, %dma_start3A] : memref<20480x128xf32, #tpu.memory_space<hbm>> -> memref<128x128xf32, #tpu.memory_space<hbm>>
    %dma_start3A_164 = arith.constant 0 : i32
    %dma_start3A_165 = tpu.memref_slice %arg5[%add3A_162, %dma_start3A_164] : memref<20480x128xf32, #tpu.memory_space<hbm>> -> memref<128x128xf32, #tpu.memory_space<hbm>>
    tpu.enqueue_dma source(%arg7 : memref<128x128xf32, #tpu.memory_space<vmem>>) target(%dma_start3A_165 : memref<128x128xf32, #tpu.memory_space<hbm>>) target_semaphore(%arg11 : memref<!tpu.dma_semaphore, #tpu.memory_space<semaphore_mem>>)
    %mul3A_166 = arith.constant 640 : i32
    %mul3A_167 = arith.muli %arg1, %mul3A_166 : i32
    %add3A_168 = arith.constant 128 : i32
    %add3A_169 = arith.addi %mul3A_167, %add3A_168 : i32
    %mul3A_170 = arith.constant 10240 : i32
    %mul3A_171 = arith.muli %arg0, %mul3A_170 : i32
    %mul3A_172 = arith.constant 640 : i32
    %mul3A_173 = arith.muli %arg1, %mul3A_172 : i32
    %add3A_174 = arith.addi %mul3A_171, %mul3A_173 : i32
    %add3A_175 = arith.constant 128 : i32
    %add3A_176 = arith.addi %add3A_174, %add3A_175 : i32
    "tpu.region"() ({
      %run_scoped3A = tpu.sem_alloc : memref<!tpu.dma_semaphore, #tpu.memory_space<semaphore_mem>>
      %dma_start3A_281 = arith.constant 0 : i32
      %dma_start3A_282 = tpu.memref_slice %arg9[%add3A_169, %dma_start3A_281] : memref<10240x128xf32, #tpu.memory_space<vmem_shared>> -> memref<128x128xf32, #tpu.memory_space<vmem_shared>>
      %dma_start3A_283 = arith.constant 0 : i32
      %dma_start3A_284 = tpu.memref_slice %arg9[%add3A_169, %dma_start3A_283] : memref<10240x128xf32, #tpu.memory_space<vmem_shared>> -> memref<128x128xf32, #tpu.memory_space<vmem_shared>>
      tpu.enqueue_dma source(%dma_start3A_284 : memref<128x128xf32, #tpu.memory_space<vmem_shared>>) target(%arg8 : memref<128x128xf32, #tpu.memory_space<vmem>>) target_semaphore(%run_scoped3A : memref<!tpu.dma_semaphore, #tpu.memory_space<semaphore_mem>>)
      %dma_wait3A_285 = arith.constant 0 : i32
      %dma_wait3A_286 = tpu.memref_slice %arg9[%add3A_169, %dma_wait3A_285] : memref<10240x128xf32, #tpu.memory_space<vmem_shared>> -> memref<128x128xf32, #tpu.memory_space<vmem_shared>>
      %dma_wait3A_287 = arith.constant 0 : i32
      %dma_wait3A_288 = tpu.memref_slice %arg9[%add3A_169, %dma_wait3A_287] : memref<10240x128xf32, #tpu.memory_space<vmem_shared>> -> memref<128x128xf32, #tpu.memory_space<vmem_shared>>
      tpu.wait_dma2 semaphore(%run_scoped3A : memref<!tpu.dma_semaphore, #tpu.memory_space<semaphore_mem>>) src(%dma_wait3A_288 : memref<128x128xf32, #tpu.memory_space<vmem_shared>>) dst(%arg8 : memref<128x128xf32, #tpu.memory_space<vmem>>)
      tpu.yield
    }) : () -> ()
    %dma_start3A_177 = arith.constant 0 : i32
    %dma_start3A_178 = tpu.memref_slice %arg5[%add3A_176, %dma_start3A_177] : memref<20480x128xf32, #tpu.memory_space<hbm>> -> memref<128x128xf32, #tpu.memory_space<hbm>>
    %dma_start3A_179 = arith.constant 0 : i32
    %dma_start3A_180 = tpu.memref_slice %arg5[%add3A_176, %dma_start3A_179] : memref<20480x128xf32, #tpu.memory_space<hbm>> -> memref<128x128xf32, #tpu.memory_space<hbm>>
    tpu.enqueue_dma source(%arg8 : memref<128x128xf32, #tpu.memory_space<vmem>>) target(%dma_start3A_180 : memref<128x128xf32, #tpu.memory_space<hbm>>) target_semaphore(%arg12 : memref<!tpu.dma_semaphore, #tpu.memory_space<semaphore_mem>>)
    %mul3A_181 = arith.constant 640 : i32
    %mul3A_182 = arith.muli %arg1, %mul3A_181 : i32
    %add3A_183 = arith.constant 256 : i32
    %add3A_184 = arith.addi %mul3A_182, %add3A_183 : i32
    %mul3A_185 = arith.constant 10240 : i32
    %mul3A_186 = arith.muli %arg0, %mul3A_185 : i32
    %mul3A_187 = arith.constant 640 : i32
    %mul3A_188 = arith.muli %arg1, %mul3A_187 : i32
    %add3A_189 = arith.addi %mul3A_186, %mul3A_188 : i32
    %add3A_190 = arith.constant 256 : i32
    %add3A_191 = arith.addi %add3A_189, %add3A_190 : i32
    %mul3A_192 = arith.constant 10240 : i32
    %mul3A_193 = arith.muli %arg0, %mul3A_192 : i32
    %mul3A_194 = arith.constant 640 : i32
    %mul3A_195 = arith.muli %arg1, %mul3A_194 : i32
    %add3A_196 = arith.addi %mul3A_193, %mul3A_195 : i32
    %add3A_197 = arith.constant 0 : i32
    %add3A_198 = arith.addi %add3A_196, %add3A_197 : i32
    %dma_wait3A_199 = arith.constant 0 : i32
    %dma_wait3A_200 = tpu.memref_slice %arg5[%add3A_198, %dma_wait3A_199] : memref<20480x128xf32, #tpu.memory_space<hbm>> -> memref<128x128xf32, #tpu.memory_space<hbm>>
    %dma_wait3A_201 = arith.constant 0 : i32
    %dma_wait3A_202 = tpu.memref_slice %arg5[%add3A_198, %dma_wait3A_201] : memref<20480x128xf32, #tpu.memory_space<hbm>> -> memref<128x128xf32, #tpu.memory_space<hbm>>
    tpu.wait_dma2 semaphore(%arg11 : memref<!tpu.dma_semaphore, #tpu.memory_space<semaphore_mem>>) src(%arg7 : memref<128x128xf32, #tpu.memory_space<vmem>>) dst(%dma_wait3A_202 : memref<128x128xf32, #tpu.memory_space<hbm>>)
    "tpu.region"() ({
      %run_scoped3A = tpu.sem_alloc : memref<!tpu.dma_semaphore, #tpu.memory_space<semaphore_mem>>
      %dma_start3A_281 = arith.constant 0 : i32
      %dma_start3A_282 = tpu.memref_slice %arg9[%add3A_184, %dma_start3A_281] : memref<10240x128xf32, #tpu.memory_space<vmem_shared>> -> memref<128x128xf32, #tpu.memory_space<vmem_shared>>
      %dma_start3A_283 = arith.constant 0 : i32
      %dma_start3A_284 = tpu.memref_slice %arg9[%add3A_184, %dma_start3A_283] : memref<10240x128xf32, #tpu.memory_space<vmem_shared>> -> memref<128x128xf32, #tpu.memory_space<vmem_shared>>
      tpu.enqueue_dma source(%dma_start3A_284 : memref<128x128xf32, #tpu.memory_space<vmem_shared>>) target(%arg7 : memref<128x128xf32, #tpu.memory_space<vmem>>) target_semaphore(%run_scoped3A : memref<!tpu.dma_semaphore, #tpu.memory_space<semaphore_mem>>)
      %dma_wait3A_285 = arith.constant 0 : i32
      %dma_wait3A_286 = tpu.memref_slice %arg9[%add3A_184, %dma_wait3A_285] : memref<10240x128xf32, #tpu.memory_space<vmem_shared>> -> memref<128x128xf32, #tpu.memory_space<vmem_shared>>
      %dma_wait3A_287 = arith.constant 0 : i32
      %dma_wait3A_288 = tpu.memref_slice %arg9[%add3A_184, %dma_wait3A_287] : memref<10240x128xf32, #tpu.memory_space<vmem_shared>> -> memref<128x128xf32, #tpu.memory_space<vmem_shared>>
      tpu.wait_dma2 semaphore(%run_scoped3A : memref<!tpu.dma_semaphore, #tpu.memory_space<semaphore_mem>>) src(%dma_wait3A_288 : memref<128x128xf32, #tpu.memory_space<vmem_shared>>) dst(%arg7 : memref<128x128xf32, #tpu.memory_space<vmem>>)
      tpu.yield
    }) : () -> ()
    %dma_start3A_203 = arith.constant 0 : i32
    %dma_start3A_204 = tpu.memref_slice %arg5[%add3A_191, %dma_start3A_203] : memref<20480x128xf32, #tpu.memory_space<hbm>> -> memref<128x128xf32, #tpu.memory_space<hbm>>
    %dma_start3A_205 = arith.constant 0 : i32
    %dma_start3A_206 = tpu.memref_slice %arg5[%add3A_191, %dma_start3A_205] : memref<20480x128xf32, #tpu.memory_space<hbm>> -> memref<128x128xf32, #tpu.memory_space<hbm>>
    tpu.enqueue_dma source(%arg7 : memref<128x128xf32, #tpu.memory_space<vmem>>) target(%dma_start3A_206 : memref<128x128xf32, #tpu.memory_space<hbm>>) target_semaphore(%arg11 : memref<!tpu.dma_semaphore, #tpu.memory_space<semaphore_mem>>)
    %mul3A_207 = arith.constant 640 : i32
    %mul3A_208 = arith.muli %arg1, %mul3A_207 : i32
    %add3A_209 = arith.constant 384 : i32
    %add3A_210 = arith.addi %mul3A_208, %add3A_209 : i32
    %mul3A_211 = arith.constant 10240 : i32
    %mul3A_212 = arith.muli %arg0, %mul3A_211 : i32
    %mul3A_213 = arith.constant 640 : i32
    %mul3A_214 = arith.muli %arg1, %mul3A_213 : i32
    %add3A_215 = arith.addi %mul3A_212, %mul3A_214 : i32
    %add3A_216 = arith.constant 384 : i32
    %add3A_217 = arith.addi %add3A_215, %add3A_216 : i32
    %mul3A_218 = arith.constant 10240 : i32
    %mul3A_219 = arith.muli %arg0, %mul3A_218 : i32
    %mul3A_220 = arith.constant 640 : i32
    %mul3A_221 = arith.muli %arg1, %mul3A_220 : i32
    %add3A_222 = arith.addi %mul3A_219, %mul3A_221 : i32
    %add3A_223 = arith.constant 128 : i32
    %add3A_224 = arith.addi %add3A_222, %add3A_223 : i32
    %dma_wait3A_225 = arith.constant 0 : i32
    %dma_wait3A_226 = tpu.memref_slice %arg5[%add3A_224, %dma_wait3A_225] : memref<20480x128xf32, #tpu.memory_space<hbm>> -> memref<128x128xf32, #tpu.memory_space<hbm>>
    %dma_wait3A_227 = arith.constant 0 : i32
    %dma_wait3A_228 = tpu.memref_slice %arg5[%add3A_224, %dma_wait3A_227] : memref<20480x128xf32, #tpu.memory_space<hbm>> -> memref<128x128xf32, #tpu.memory_space<hbm>>
    tpu.wait_dma2 semaphore(%arg12 : memref<!tpu.dma_semaphore, #tpu.memory_space<semaphore_mem>>) src(%arg8 : memref<128x128xf32, #tpu.memory_space<vmem>>) dst(%dma_wait3A_228 : memref<128x128xf32, #tpu.memory_space<hbm>>)
    "tpu.region"() ({
      %run_scoped3A = tpu.sem_alloc : memref<!tpu.dma_semaphore, #tpu.memory_space<semaphore_mem>>
      %dma_start3A_281 = arith.constant 0 : i32
      %dma_start3A_282 = tpu.memref_slice %arg9[%add3A_210, %dma_start3A_281] : memref<10240x128xf32, #tpu.memory_space<vmem_shared>> -> memref<128x128xf32, #tpu.memory_space<vmem_shared>>
      %dma_start3A_283 = arith.constant 0 : i32
      %dma_start3A_284 = tpu.memref_slice %arg9[%add3A_210, %dma_start3A_283] : memref<10240x128xf32, #tpu.memory_space<vmem_shared>> -> memref<128x128xf32, #tpu.memory_space<vmem_shared>>
      tpu.enqueue_dma source(%dma_start3A_284 : memref<128x128xf32, #tpu.memory_space<vmem_shared>>) target(%arg8 : memref<128x128xf32, #tpu.memory_space<vmem>>) target_semaphore(%run_scoped3A : memref<!tpu.dma_semaphore, #tpu.memory_space<semaphore_mem>>)
      %dma_wait3A_285 = arith.constant 0 : i32
      %dma_wait3A_286 = tpu.memref_slice %arg9[%add3A_210, %dma_wait3A_285] : memref<10240x128xf32, #tpu.memory_space<vmem_shared>> -> memref<128x128xf32, #tpu.memory_space<vmem_shared>>
      %dma_wait3A_287 = arith.constant 0 : i32
      %dma_wait3A_288 = tpu.memref_slice %arg9[%add3A_210, %dma_wait3A_287] : memref<10240x128xf32, #tpu.memory_space<vmem_shared>> -> memref<128x128xf32, #tpu.memory_space<vmem_shared>>
      tpu.wait_dma2 semaphore(%run_scoped3A : memref<!tpu.dma_semaphore, #tpu.memory_space<semaphore_mem>>) src(%dma_wait3A_288 : memref<128x128xf32, #tpu.memory_space<vmem_shared>>) dst(%arg8 : memref<128x128xf32, #tpu.memory_space<vmem>>)
      tpu.yield
    }) : () -> ()
    %dma_start3A_229 = arith.constant 0 : i32
    %dma_start3A_230 = tpu.memref_slice %arg5[%add3A_217, %dma_start3A_229] : memref<20480x128xf32, #tpu.memory_space<hbm>> -> memref<128x128xf32, #tpu.memory_space<hbm>>
    %dma_start3A_231 = arith.constant 0 : i32
    %dma_start3A_232 = tpu.memref_slice %arg5[%add3A_217, %dma_start3A_231] : memref<20480x128xf32, #tpu.memory_space<hbm>> -> memref<128x128xf32, #tpu.memory_space<hbm>>
    tpu.enqueue_dma source(%arg8 : memref<128x128xf32, #tpu.memory_space<vmem>>) target(%dma_start3A_232 : memref<128x128xf32, #tpu.memory_space<hbm>>) target_semaphore(%arg12 : memref<!tpu.dma_semaphore, #tpu.memory_space<semaphore_mem>>)
    %mul3A_233 = arith.constant 640 : i32
    %mul3A_234 = arith.muli %arg1, %mul3A_233 : i32
    %add3A_235 = arith.constant 512 : i32
    %add3A_236 = arith.addi %mul3A_234, %add3A_235 : i32
    %mul3A_237 = arith.constant 10240 : i32
    %mul3A_238 = arith.muli %arg0, %mul3A_237 : i32
    %mul3A_239 = arith.constant 640 : i32
    %mul3A_240 = arith.muli %arg1, %mul3A_239 : i32
    %add3A_241 = arith.addi %mul3A_238, %mul3A_240 : i32
    %add3A_242 = arith.constant 512 : i32
    %add3A_243 = arith.addi %add3A_241, %add3A_242 : i32
    %mul3A_244 = arith.constant 10240 : i32
    %mul3A_245 = arith.muli %arg0, %mul3A_244 : i32
    %mul3A_246 = arith.constant 640 : i32
    %mul3A_247 = arith.muli %arg1, %mul3A_246 : i32
    %add3A_248 = arith.addi %mul3A_245, %mul3A_247 : i32
    %add3A_249 = arith.constant 256 : i32
    %add3A_250 = arith.addi %add3A_248, %add3A_249 : i32
    %dma_wait3A_251 = arith.constant 0 : i32
    %dma_wait3A_252 = tpu.memref_slice %arg5[%add3A_250, %dma_wait3A_251] : memref<20480x128xf32, #tpu.memory_space<hbm>> -> memref<128x128xf32, #tpu.memory_space<hbm>>
    %dma_wait3A_253 = arith.constant 0 : i32
    %dma_wait3A_254 = tpu.memref_slice %arg5[%add3A_250, %dma_wait3A_253] : memref<20480x128xf32, #tpu.memory_space<hbm>> -> memref<128x128xf32, #tpu.memory_space<hbm>>
    tpu.wait_dma2 semaphore(%arg11 : memref<!tpu.dma_semaphore, #tpu.memory_space<semaphore_mem>>) src(%arg7 : memref<128x128xf32, #tpu.memory_space<vmem>>) dst(%dma_wait3A_254 : memref<128x128xf32, #tpu.memory_space<hbm>>)
    "tpu.region"() ({
      %run_scoped3A = tpu.sem_alloc : memref<!tpu.dma_semaphore, #tpu.memory_space<semaphore_mem>>
      %dma_start3A_281 = arith.constant 0 : i32
      %dma_start3A_282 = tpu.memref_slice %arg9[%add3A_236, %dma_start3A_281] : memref<10240x128xf32, #tpu.memory_space<vmem_shared>> -> memref<128x128xf32, #tpu.memory_space<vmem_shared>>
      %dma_start3A_283 = arith.constant 0 : i32
      %dma_start3A_284 = tpu.memref_slice %arg9[%add3A_236, %dma_start3A_283] : memref<10240x128xf32, #tpu.memory_space<vmem_shared>> -> memref<128x128xf32, #tpu.memory_space<vmem_shared>>
      tpu.enqueue_dma source(%dma_start3A_284 : memref<128x128xf32, #tpu.memory_space<vmem_shared>>) target(%arg7 : memref<128x128xf32, #tpu.memory_space<vmem>>) target_semaphore(%run_scoped3A : memref<!tpu.dma_semaphore, #tpu.memory_space<semaphore_mem>>)
      %dma_wait3A_285 = arith.constant 0 : i32
      %dma_wait3A_286 = tpu.memref_slice %arg9[%add3A_236, %dma_wait3A_285] : memref<10240x128xf32, #tpu.memory_space<vmem_shared>> -> memref<128x128xf32, #tpu.memory_space<vmem_shared>>
      %dma_wait3A_287 = arith.constant 0 : i32
      %dma_wait3A_288 = tpu.memref_slice %arg9[%add3A_236, %dma_wait3A_287] : memref<10240x128xf32, #tpu.memory_space<vmem_shared>> -> memref<128x128xf32, #tpu.memory_space<vmem_shared>>
      tpu.wait_dma2 semaphore(%run_scoped3A : memref<!tpu.dma_semaphore, #tpu.memory_space<semaphore_mem>>) src(%dma_wait3A_288 : memref<128x128xf32, #tpu.memory_space<vmem_shared>>) dst(%arg7 : memref<128x128xf32, #tpu.memory_space<vmem>>)
      tpu.yield
    }) : () -> ()
    %dma_start3A_255 = arith.constant 0 : i32
    %dma_start3A_256 = tpu.memref_slice %arg5[%add3A_243, %dma_start3A_255] : memref<20480x128xf32, #tpu.memory_space<hbm>> -> memref<128x128xf32, #tpu.memory_space<hbm>>
    %dma_start3A_257 = arith.constant 0 : i32
    %dma_start3A_258 = tpu.memref_slice %arg5[%add3A_243, %dma_start3A_257] : memref<20480x128xf32, #tpu.memory_space<hbm>> -> memref<128x128xf32, #tpu.memory_space<hbm>>
    tpu.enqueue_dma source(%arg7 : memref<128x128xf32, #tpu.memory_space<vmem>>) target(%dma_start3A_258 : memref<128x128xf32, #tpu.memory_space<hbm>>) target_semaphore(%arg11 : memref<!tpu.dma_semaphore, #tpu.memory_space<semaphore_mem>>)
    %mul3A_259 = arith.constant 10240 : i32
    %mul3A_260 = arith.muli %arg0, %mul3A_259 : i32
    %mul3A_261 = arith.constant 640 : i32
    %mul3A_262 = arith.muli %arg1, %mul3A_261 : i32
    %add3A_263 = arith.addi %mul3A_260, %mul3A_262 : i32
    %add3A_264 = arith.constant 384 : i32
    %add3A_265 = arith.addi %add3A_263, %add3A_264 : i32
    %dma_wait3A_266 = arith.constant 0 : i32
    %dma_wait3A_267 = tpu.memref_slice %arg5[%add3A_265, %dma_wait3A_266] : memref<20480x128xf32, #tpu.memory_space<hbm>> -> memref<128x128xf32, #tpu.memory_space<hbm>>
    %dma_wait3A_268 = arith.constant 0 : i32
    %dma_wait3A_269 = tpu.memref_slice %arg5[%add3A_265, %dma_wait3A_268] : memref<20480x128xf32, #tpu.memory_space<hbm>> -> memref<128x128xf32, #tpu.memory_space<hbm>>
    tpu.wait_dma2 semaphore(%arg12 : memref<!tpu.dma_semaphore, #tpu.memory_space<semaphore_mem>>) src(%arg8 : memref<128x128xf32, #tpu.memory_space<vmem>>) dst(%dma_wait3A_269 : memref<128x128xf32, #tpu.memory_space<hbm>>)
    %mul3A_270 = arith.constant 10240 : i32
    %mul3A_271 = arith.muli %arg0, %mul3A_270 : i32
    %mul3A_272 = arith.constant 640 : i32
    %mul3A_273 = arith.muli %arg1, %mul3A_272 : i32
    %add3A_274 = arith.addi %mul3A_271, %mul3A_273 : i32
    %add3A_275 = arith.constant 512 : i32
    %add3A_276 = arith.addi %add3A_274, %add3A_275 : i32
    %dma_wait3A_277 = arith.constant 0 : i32
    %dma_wait3A_278 = tpu.memref_slice %arg5[%add3A_276, %dma_wait3A_277] : memref<20480x128xf32, #tpu.memory_space<hbm>> -> memref<128x128xf32, #tpu.memory_space<hbm>>
    %dma_wait3A_279 = arith.constant 0 : i32
    %dma_wait3A_280 = tpu.memref_slice %arg5[%add3A_276, %dma_wait3A_279] : memref<20480x128xf32, #tpu.memory_space<hbm>> -> memref<128x128xf32, #tpu.memory_space<hbm>>
    tpu.wait_dma2 semaphore(%arg11 : memref<!tpu.dma_semaphore, #tpu.memory_space<semaphore_mem>>) src(%arg7 : memref<128x128xf32, #tpu.memory_space<vmem>>) dst(%dma_wait3A_280 : memref<128x128xf32, #tpu.memory_space<hbm>>)
    return
  }
}

#map = affine_map<(d0, d1) -> (0, 0)>
module attributes {stable_mosaic.version = 14 : i64} {
  func.func @_sc_agg_body(%arg0: i32, %arg1: i32, %arg2: memref<10000x128xf32, #tpu.memory_space<hbm>>, %arg3: memref<2560x128xi32, #tpu.memory_space<hbm>>, %arg4: memref<2560x128xi32, #tpu.memory_space<hbm>>, %arg5: memref<128x128xf32, #tpu.memory_space<hbm>>, %arg6: memref<20480x128xf32, #tpu.memory_space<hbm>>, %arg7: memref<40x128xi32, #tpu.memory_space<vmem>>, %arg8: memref<40x128xi32, #tpu.memory_space<vmem>>, %arg9: memref<128x128xf32, #tpu.memory_space<vmem>>, %arg10: memref<128x128xf32, #tpu.memory_space<vmem>>, %arg11: memref<10240x128xf32, #tpu.memory_space<vmem_shared>>, %arg12: memref<!tpu.dma_semaphore, #tpu.memory_space<semaphore_mem>>, %arg13: memref<!tpu.dma_semaphore, #tpu.memory_space<semaphore_mem>>, %arg14: memref<!tpu.dma_semaphore, #tpu.memory_space<semaphore_mem>>, %arg15: memref<!tpu.dma_semaphore, #tpu.memory_space<semaphore_mem>>) attributes {dimension_semantics = [#tpu.dimension_semantics<core_parallel>, #tpu.dimension_semantics<subcore_parallel>], iteration_bounds = array<i64: 2, 16>, scalar_prefetch = 0 : i64, scratch_operands = 9 : i64, tpu.core_type = #tpu.core_type<sc_vector_subcore>, window_params = [{transform_indices = #map}, {transform_indices = #map}, {transform_indices = #map}, {transform_indices = #map}, {transform_indices = #map}]} {
    %mul3A = arith.constant 2 : i32
    %mul3A_0 = arith.muli %arg1, %mul3A : i32
    %add3A = arith.addi %mul3A_0, %arg0 : i32
    "tpu.region"() ({
      %run_scoped3A = tpu.sem_alloc : memref<!tpu.dma_semaphore, #tpu.memory_space<semaphore_mem>>
      tpu.enqueue_dma source(%arg5 : memref<128x128xf32, #tpu.memory_space<hbm>>) target(%arg9 : memref<128x128xf32, #tpu.memory_space<vmem>>) target_semaphore(%run_scoped3A : memref<!tpu.dma_semaphore, #tpu.memory_space<semaphore_mem>>)
      tpu.wait_dma2 semaphore(%run_scoped3A : memref<!tpu.dma_semaphore, #tpu.memory_space<semaphore_mem>>) src(%arg5 : memref<128x128xf32, #tpu.memory_space<hbm>>) dst(%arg9 : memref<128x128xf32, #tpu.memory_space<vmem>>)
      tpu.yield
    }) : () -> ()
    %mul3A_1 = arith.constant 640 : i32
    %mul3A_2 = arith.muli %arg1, %mul3A_1 : i32
    %add3A_3 = arith.constant 0 : i32
    %add3A_4 = arith.addi %mul3A_2, %add3A_3 : i32
    "tpu.region"() ({
      %run_scoped3A = tpu.sem_alloc : memref<!tpu.dma_semaphore, #tpu.memory_space<semaphore_mem>>
      %dma_start3A_289 = arith.constant 0 : i32
      %dma_start3A_290 = tpu.memref_slice %arg11[%add3A_4, %dma_start3A_289] : memref<10240x128xf32, #tpu.memory_space<vmem_shared>> -> memref<128x128xf32, #tpu.memory_space<vmem_shared>>
      %dma_start3A_291 = arith.constant 0 : i32
      %dma_start3A_292 = tpu.memref_slice %arg11[%add3A_4, %dma_start3A_291] : memref<10240x128xf32, #tpu.memory_space<vmem_shared>> -> memref<128x128xf32, #tpu.memory_space<vmem_shared>>
      tpu.enqueue_dma source(%arg9 : memref<128x128xf32, #tpu.memory_space<vmem>>) target(%dma_start3A_292 : memref<128x128xf32, #tpu.memory_space<vmem_shared>>) target_semaphore(%run_scoped3A : memref<!tpu.dma_semaphore, #tpu.memory_space<semaphore_mem>>)
      %dma_wait3A_293 = arith.constant 0 : i32
      %dma_wait3A_294 = tpu.memref_slice %arg11[%add3A_4, %dma_wait3A_293] : memref<10240x128xf32, #tpu.memory_space<vmem_shared>> -> memref<128x128xf32, #tpu.memory_space<vmem_shared>>
      %dma_wait3A_295 = arith.constant 0 : i32
      %dma_wait3A_296 = tpu.memref_slice %arg11[%add3A_4, %dma_wait3A_295] : memref<10240x128xf32, #tpu.memory_space<vmem_shared>> -> memref<128x128xf32, #tpu.memory_space<vmem_shared>>
      tpu.wait_dma2 semaphore(%run_scoped3A : memref<!tpu.dma_semaphore, #tpu.memory_space<semaphore_mem>>) src(%arg9 : memref<128x128xf32, #tpu.memory_space<vmem>>) dst(%dma_wait3A_296 : memref<128x128xf32, #tpu.memory_space<vmem_shared>>)
      tpu.yield
    }) : () -> ()
    %mul3A_5 = arith.constant 640 : i32
    %mul3A_6 = arith.muli %arg1, %mul3A_5 : i32
    %add3A_7 = arith.constant 128 : i32
    %add3A_8 = arith.addi %mul3A_6, %add3A_7 : i32
    "tpu.region"() ({
      %run_scoped3A = tpu.sem_alloc : memref<!tpu.dma_semaphore, #tpu.memory_space<semaphore_mem>>
      %dma_start3A_289 = arith.constant 0 : i32
      %dma_start3A_290 = tpu.memref_slice %arg11[%add3A_8, %dma_start3A_289] : memref<10240x128xf32, #tpu.memory_space<vmem_shared>> -> memref<128x128xf32, #tpu.memory_space<vmem_shared>>
      %dma_start3A_291 = arith.constant 0 : i32
      %dma_start3A_292 = tpu.memref_slice %arg11[%add3A_8, %dma_start3A_291] : memref<10240x128xf32, #tpu.memory_space<vmem_shared>> -> memref<128x128xf32, #tpu.memory_space<vmem_shared>>
      tpu.enqueue_dma source(%arg9 : memref<128x128xf32, #tpu.memory_space<vmem>>) target(%dma_start3A_292 : memref<128x128xf32, #tpu.memory_space<vmem_shared>>) target_semaphore(%run_scoped3A : memref<!tpu.dma_semaphore, #tpu.memory_space<semaphore_mem>>)
      %dma_wait3A_293 = arith.constant 0 : i32
      %dma_wait3A_294 = tpu.memref_slice %arg11[%add3A_8, %dma_wait3A_293] : memref<10240x128xf32, #tpu.memory_space<vmem_shared>> -> memref<128x128xf32, #tpu.memory_space<vmem_shared>>
      %dma_wait3A_295 = arith.constant 0 : i32
      %dma_wait3A_296 = tpu.memref_slice %arg11[%add3A_8, %dma_wait3A_295] : memref<10240x128xf32, #tpu.memory_space<vmem_shared>> -> memref<128x128xf32, #tpu.memory_space<vmem_shared>>
      tpu.wait_dma2 semaphore(%run_scoped3A : memref<!tpu.dma_semaphore, #tpu.memory_space<semaphore_mem>>) src(%arg9 : memref<128x128xf32, #tpu.memory_space<vmem>>) dst(%dma_wait3A_296 : memref<128x128xf32, #tpu.memory_space<vmem_shared>>)
      tpu.yield
    }) : () -> ()
    %mul3A_9 = arith.constant 640 : i32
    %mul3A_10 = arith.muli %arg1, %mul3A_9 : i32
    %add3A_11 = arith.constant 256 : i32
    %add3A_12 = arith.addi %mul3A_10, %add3A_11 : i32
    "tpu.region"() ({
      %run_scoped3A = tpu.sem_alloc : memref<!tpu.dma_semaphore, #tpu.memory_space<semaphore_mem>>
      %dma_start3A_289 = arith.constant 0 : i32
      %dma_start3A_290 = tpu.memref_slice %arg11[%add3A_12, %dma_start3A_289] : memref<10240x128xf32, #tpu.memory_space<vmem_shared>> -> memref<128x128xf32, #tpu.memory_space<vmem_shared>>
      %dma_start3A_291 = arith.constant 0 : i32
      %dma_start3A_292 = tpu.memref_slice %arg11[%add3A_12, %dma_start3A_291] : memref<10240x128xf32, #tpu.memory_space<vmem_shared>> -> memref<128x128xf32, #tpu.memory_space<vmem_shared>>
      tpu.enqueue_dma source(%arg9 : memref<128x128xf32, #tpu.memory_space<vmem>>) target(%dma_start3A_292 : memref<128x128xf32, #tpu.memory_space<vmem_shared>>) target_semaphore(%run_scoped3A : memref<!tpu.dma_semaphore, #tpu.memory_space<semaphore_mem>>)
      %dma_wait3A_293 = arith.constant 0 : i32
      %dma_wait3A_294 = tpu.memref_slice %arg11[%add3A_12, %dma_wait3A_293] : memref<10240x128xf32, #tpu.memory_space<vmem_shared>> -> memref<128x128xf32, #tpu.memory_space<vmem_shared>>
      %dma_wait3A_295 = arith.constant 0 : i32
      %dma_wait3A_296 = tpu.memref_slice %arg11[%add3A_12, %dma_wait3A_295] : memref<10240x128xf32, #tpu.memory_space<vmem_shared>> -> memref<128x128xf32, #tpu.memory_space<vmem_shared>>
      tpu.wait_dma2 semaphore(%run_scoped3A : memref<!tpu.dma_semaphore, #tpu.memory_space<semaphore_mem>>) src(%arg9 : memref<128x128xf32, #tpu.memory_space<vmem>>) dst(%dma_wait3A_296 : memref<128x128xf32, #tpu.memory_space<vmem_shared>>)
      tpu.yield
    }) : () -> ()
    %mul3A_13 = arith.constant 640 : i32
    %mul3A_14 = arith.muli %arg1, %mul3A_13 : i32
    %add3A_15 = arith.constant 384 : i32
    %add3A_16 = arith.addi %mul3A_14, %add3A_15 : i32
    "tpu.region"() ({
      %run_scoped3A = tpu.sem_alloc : memref<!tpu.dma_semaphore, #tpu.memory_space<semaphore_mem>>
      %dma_start3A_289 = arith.constant 0 : i32
      %dma_start3A_290 = tpu.memref_slice %arg11[%add3A_16, %dma_start3A_289] : memref<10240x128xf32, #tpu.memory_space<vmem_shared>> -> memref<128x128xf32, #tpu.memory_space<vmem_shared>>
      %dma_start3A_291 = arith.constant 0 : i32
      %dma_start3A_292 = tpu.memref_slice %arg11[%add3A_16, %dma_start3A_291] : memref<10240x128xf32, #tpu.memory_space<vmem_shared>> -> memref<128x128xf32, #tpu.memory_space<vmem_shared>>
      tpu.enqueue_dma source(%arg9 : memref<128x128xf32, #tpu.memory_space<vmem>>) target(%dma_start3A_292 : memref<128x128xf32, #tpu.memory_space<vmem_shared>>) target_semaphore(%run_scoped3A : memref<!tpu.dma_semaphore, #tpu.memory_space<semaphore_mem>>)
      %dma_wait3A_293 = arith.constant 0 : i32
      %dma_wait3A_294 = tpu.memref_slice %arg11[%add3A_16, %dma_wait3A_293] : memref<10240x128xf32, #tpu.memory_space<vmem_shared>> -> memref<128x128xf32, #tpu.memory_space<vmem_shared>>
      %dma_wait3A_295 = arith.constant 0 : i32
      %dma_wait3A_296 = tpu.memref_slice %arg11[%add3A_16, %dma_wait3A_295] : memref<10240x128xf32, #tpu.memory_space<vmem_shared>> -> memref<128x128xf32, #tpu.memory_space<vmem_shared>>
      tpu.wait_dma2 semaphore(%run_scoped3A : memref<!tpu.dma_semaphore, #tpu.memory_space<semaphore_mem>>) src(%arg9 : memref<128x128xf32, #tpu.memory_space<vmem>>) dst(%dma_wait3A_296 : memref<128x128xf32, #tpu.memory_space<vmem_shared>>)
      tpu.yield
    }) : () -> ()
    %mul3A_17 = arith.constant 640 : i32
    %mul3A_18 = arith.muli %arg1, %mul3A_17 : i32
    %add3A_19 = arith.constant 512 : i32
    %add3A_20 = arith.addi %mul3A_18, %add3A_19 : i32
    "tpu.region"() ({
      %run_scoped3A = tpu.sem_alloc : memref<!tpu.dma_semaphore, #tpu.memory_space<semaphore_mem>>
      %dma_start3A_289 = arith.constant 0 : i32
      %dma_start3A_290 = tpu.memref_slice %arg11[%add3A_20, %dma_start3A_289] : memref<10240x128xf32, #tpu.memory_space<vmem_shared>> -> memref<128x128xf32, #tpu.memory_space<vmem_shared>>
      %dma_start3A_291 = arith.constant 0 : i32
      %dma_start3A_292 = tpu.memref_slice %arg11[%add3A_20, %dma_start3A_291] : memref<10240x128xf32, #tpu.memory_space<vmem_shared>> -> memref<128x128xf32, #tpu.memory_space<vmem_shared>>
      tpu.enqueue_dma source(%arg9 : memref<128x128xf32, #tpu.memory_space<vmem>>) target(%dma_start3A_292 : memref<128x128xf32, #tpu.memory_space<vmem_shared>>) target_semaphore(%run_scoped3A : memref<!tpu.dma_semaphore, #tpu.memory_space<semaphore_mem>>)
      %dma_wait3A_293 = arith.constant 0 : i32
      %dma_wait3A_294 = tpu.memref_slice %arg11[%add3A_20, %dma_wait3A_293] : memref<10240x128xf32, #tpu.memory_space<vmem_shared>> -> memref<128x128xf32, #tpu.memory_space<vmem_shared>>
      %dma_wait3A_295 = arith.constant 0 : i32
      %dma_wait3A_296 = tpu.memref_slice %arg11[%add3A_20, %dma_wait3A_295] : memref<10240x128xf32, #tpu.memory_space<vmem_shared>> -> memref<128x128xf32, #tpu.memory_space<vmem_shared>>
      tpu.wait_dma2 semaphore(%run_scoped3A : memref<!tpu.dma_semaphore, #tpu.memory_space<semaphore_mem>>) src(%arg9 : memref<128x128xf32, #tpu.memory_space<vmem>>) dst(%dma_wait3A_296 : memref<128x128xf32, #tpu.memory_space<vmem_shared>>)
      tpu.yield
    }) : () -> ()
    %barrier3A = arith.constant 0 : index
    tpu.barrier barrier_id(%barrier3A)
    %mul3A_21 = arith.constant 80 : i32
    %mul3A_22 = arith.muli %add3A, %mul3A_21 : i32
    %add3A_23 = arith.constant 0 : i32
    %add3A_24 = arith.addi %mul3A_22, %add3A_23 : i32
    "tpu.region"() ({
      %run_scoped3A = tpu.sem_alloc : memref<!tpu.dma_semaphore, #tpu.memory_space<semaphore_mem>>
      %dma_start3A_289 = arith.constant 0 : i32
      %dma_start3A_290 = tpu.memref_slice %arg3[%add3A_24, %dma_start3A_289] : memref<2560x128xi32, #tpu.memory_space<hbm>> -> memref<40x128xi32, #tpu.memory_space<hbm>>
      %dma_start3A_291 = arith.constant 0 : i32
      %dma_start3A_292 = tpu.memref_slice %arg3[%add3A_24, %dma_start3A_291] : memref<2560x128xi32, #tpu.memory_space<hbm>> -> memref<40x128xi32, #tpu.memory_space<hbm>>
      tpu.enqueue_dma source(%dma_start3A_292 : memref<40x128xi32, #tpu.memory_space<hbm>>) target(%arg7 : memref<40x128xi32, #tpu.memory_space<vmem>>) target_semaphore(%run_scoped3A : memref<!tpu.dma_semaphore, #tpu.memory_space<semaphore_mem>>)
      %dma_wait3A_293 = arith.constant 0 : i32
      %dma_wait3A_294 = tpu.memref_slice %arg3[%add3A_24, %dma_wait3A_293] : memref<2560x128xi32, #tpu.memory_space<hbm>> -> memref<40x128xi32, #tpu.memory_space<hbm>>
      %dma_wait3A_295 = arith.constant 0 : i32
      %dma_wait3A_296 = tpu.memref_slice %arg3[%add3A_24, %dma_wait3A_295] : memref<2560x128xi32, #tpu.memory_space<hbm>> -> memref<40x128xi32, #tpu.memory_space<hbm>>
      tpu.wait_dma2 semaphore(%run_scoped3A : memref<!tpu.dma_semaphore, #tpu.memory_space<semaphore_mem>>) src(%dma_wait3A_296 : memref<40x128xi32, #tpu.memory_space<hbm>>) dst(%arg7 : memref<40x128xi32, #tpu.memory_space<vmem>>)
      tpu.yield
    }) : () -> ()
    %mul3A_25 = arith.constant 80 : i32
    %mul3A_26 = arith.muli %add3A, %mul3A_25 : i32
    %add3A_27 = arith.constant 0 : i32
    %add3A_28 = arith.addi %mul3A_26, %add3A_27 : i32
    "tpu.region"() ({
      %run_scoped3A = tpu.sem_alloc : memref<!tpu.dma_semaphore, #tpu.memory_space<semaphore_mem>>
      %dma_start3A_289 = arith.constant 0 : i32
      %dma_start3A_290 = tpu.memref_slice %arg4[%add3A_28, %dma_start3A_289] : memref<2560x128xi32, #tpu.memory_space<hbm>> -> memref<40x128xi32, #tpu.memory_space<hbm>>
      %dma_start3A_291 = arith.constant 0 : i32
      %dma_start3A_292 = tpu.memref_slice %arg4[%add3A_28, %dma_start3A_291] : memref<2560x128xi32, #tpu.memory_space<hbm>> -> memref<40x128xi32, #tpu.memory_space<hbm>>
      tpu.enqueue_dma source(%dma_start3A_292 : memref<40x128xi32, #tpu.memory_space<hbm>>) target(%arg8 : memref<40x128xi32, #tpu.memory_space<vmem>>) target_semaphore(%run_scoped3A : memref<!tpu.dma_semaphore, #tpu.memory_space<semaphore_mem>>)
      %dma_wait3A_293 = arith.constant 0 : i32
      %dma_wait3A_294 = tpu.memref_slice %arg4[%add3A_28, %dma_wait3A_293] : memref<2560x128xi32, #tpu.memory_space<hbm>> -> memref<40x128xi32, #tpu.memory_space<hbm>>
      %dma_wait3A_295 = arith.constant 0 : i32
      %dma_wait3A_296 = tpu.memref_slice %arg4[%add3A_28, %dma_wait3A_295] : memref<2560x128xi32, #tpu.memory_space<hbm>> -> memref<40x128xi32, #tpu.memory_space<hbm>>
      tpu.wait_dma2 semaphore(%run_scoped3A : memref<!tpu.dma_semaphore, #tpu.memory_space<semaphore_mem>>) src(%dma_wait3A_296 : memref<40x128xi32, #tpu.memory_space<hbm>>) dst(%arg8 : memref<40x128xi32, #tpu.memory_space<vmem>>)
      tpu.yield
    }) : () -> ()
    %dma_start3A = arith.constant 0 : i32
    %dma_start3A_29 = arith.constant 0 : i32
    %dma_start3A_30 = tpu.memref_slice %arg7[%dma_start3A, %dma_start3A_29] : memref<40x128xi32, #tpu.memory_space<vmem>> -> memref<1x128xi32, #tpu.memory_space<vmem>>
    %dma_start3A_31 = tpu.memref_squeeze %dma_start3A_30 : memref<1x128xi32, #tpu.memory_space<vmem>> -> memref<128xi32, #tpu.memory_space<vmem>>
    %dma_start3A_32 = arith.constant 0 : i32
    %dma_start3A_33 = arith.constant 0 : i32
    %dma_start3A_34 = tpu.memref_slice %arg2[%dma_start3A_32, %dma_start3A_33] : memref<10000x128xf32, #tpu.memory_space<hbm>> -> memref<10000x128xf32, #tpu.memory_space<hbm>>
    tpu.enqueue_indirect_dma source(%dma_start3A_34 : memref<10000x128xf32, #tpu.memory_space<hbm>>) target(%arg9 : memref<128x128xf32, #tpu.memory_space<vmem>>) offsets(%dma_start3A_31 : memref<128xi32, #tpu.memory_space<vmem>>) semaphore(%arg12 : memref<!tpu.dma_semaphore, #tpu.memory_space<semaphore_mem>>)
    %dma_start3A_35 = arith.constant 1 : i32
    %dma_start3A_36 = arith.constant 0 : i32
    %dma_start3A_37 = tpu.memref_slice %arg7[%dma_start3A_35, %dma_start3A_36] : memref<40x128xi32, #tpu.memory_space<vmem>> -> memref<1x128xi32, #tpu.memory_space<vmem>>
    %dma_start3A_38 = tpu.memref_squeeze %dma_start3A_37 : memref<1x128xi32, #tpu.memory_space<vmem>> -> memref<128xi32, #tpu.memory_space<vmem>>
    %dma_start3A_39 = arith.constant 0 : i32
    %dma_start3A_40 = arith.constant 0 : i32
    %dma_start3A_41 = tpu.memref_slice %arg2[%dma_start3A_39, %dma_start3A_40] : memref<10000x128xf32, #tpu.memory_space<hbm>> -> memref<10000x128xf32, #tpu.memory_space<hbm>>
    tpu.enqueue_indirect_dma source(%dma_start3A_41 : memref<10000x128xf32, #tpu.memory_space<hbm>>) target(%arg10 : memref<128x128xf32, #tpu.memory_space<vmem>>) offsets(%dma_start3A_38 : memref<128xi32, #tpu.memory_space<vmem>>) semaphore(%arg13 : memref<!tpu.dma_semaphore, #tpu.memory_space<semaphore_mem>>)
    %scan3A = arith.constant 0 : i32
    %scan3A_42 = arith.constant 0 : i32
    %scan3A_43 = arith.constant 19 : i32
    %scan3A_44 = arith.addi %scan3A_42, %scan3A_43 : i32
    %scan3A_45 = arith.constant 1 : i32
    scf.for %scan3A_289 = %scan3A_42 to %scan3A_44 step %scan3A_45  : i32 {
      %mul3A_290 = arith.constant 2 : i32
      %mul3A_291 = arith.muli %mul3A_290, %scan3A_289 : i32
      %add3A_292 = arith.constant 0 : i32
      %add3A_293 = arith.addi %mul3A_291, %add3A_292 : i32
      %dma_wait3A_294 = arith.constant 0 : i32
      %dma_wait3A_295 = tpu.memref_slice %arg7[%add3A_293, %dma_wait3A_294] : memref<40x128xi32, #tpu.memory_space<vmem>> -> memref<1x128xi32, #tpu.memory_space<vmem>>
      %dma_wait3A_296 = tpu.memref_squeeze %dma_wait3A_295 : memref<1x128xi32, #tpu.memory_space<vmem>> -> memref<128xi32, #tpu.memory_space<vmem>>
      %dma_wait3A_297 = arith.constant 0 : i32
      %dma_wait3A_298 = arith.constant 0 : i32
      %dma_wait3A_299 = tpu.memref_slice %arg2[%dma_wait3A_297, %dma_wait3A_298] : memref<10000x128xf32, #tpu.memory_space<hbm>> -> memref<10000x128xf32, #tpu.memory_space<hbm>>
      tpu.wait_indirect_dma semaphore(%arg12 : memref<!tpu.dma_semaphore, #tpu.memory_space<semaphore_mem>>) src(%dma_wait3A_299 : memref<10000x128xf32, #tpu.memory_space<hbm>>) dst(%arg9 : memref<128x128xf32, #tpu.memory_space<vmem>>)
      %dma_start3A_300 = arith.constant 0 : i32
      %dma_start3A_301 = tpu.memref_slice %arg8[%add3A_293, %dma_start3A_300] : memref<40x128xi32, #tpu.memory_space<vmem>> -> memref<1x128xi32, #tpu.memory_space<vmem>>
      %dma_start3A_302 = tpu.memref_squeeze %dma_start3A_301 : memref<1x128xi32, #tpu.memory_space<vmem>> -> memref<128xi32, #tpu.memory_space<vmem>>
      %dma_start3A_303 = arith.constant 0 : i32
      %dma_start3A_304 = arith.constant 0 : i32
      %dma_start3A_305 = tpu.memref_slice %arg11[%dma_start3A_303, %dma_start3A_304] : memref<10240x128xf32, #tpu.memory_space<vmem_shared>> -> memref<10240x128xf32, #tpu.memory_space<vmem_shared>>
      tpu.enqueue_indirect_dma source(%arg9 : memref<128x128xf32, #tpu.memory_space<vmem>>) target(%dma_start3A_305 : memref<10240x128xf32, #tpu.memory_space<vmem_shared>>) offsets(%dma_start3A_302 : memref<128xi32, #tpu.memory_space<vmem>>) semaphore(%arg14 : memref<!tpu.dma_semaphore, #tpu.memory_space<semaphore_mem>>) {add = true}
      %dma_wait3A_306 = arith.constant 0 : i32
      %dma_wait3A_307 = tpu.memref_slice %arg8[%add3A_293, %dma_wait3A_306] : memref<40x128xi32, #tpu.memory_space<vmem>> -> memref<1x128xi32, #tpu.memory_space<vmem>>
      %dma_wait3A_308 = tpu.memref_squeeze %dma_wait3A_307 : memref<1x128xi32, #tpu.memory_space<vmem>> -> memref<128xi32, #tpu.memory_space<vmem>>
      %dma_wait3A_309 = arith.constant 0 : i32
      %dma_wait3A_310 = arith.constant 0 : i32
      %dma_wait3A_311 = tpu.memref_slice %arg11[%dma_wait3A_309, %dma_wait3A_310] : memref<10240x128xf32, #tpu.memory_space<vmem_shared>> -> memref<10240x128xf32, #tpu.memory_space<vmem_shared>>
      tpu.wait_indirect_dma semaphore(%arg14 : memref<!tpu.dma_semaphore, #tpu.memory_space<semaphore_mem>>) src(%arg9 : memref<128x128xf32, #tpu.memory_space<vmem>>) dst(%dma_wait3A_311 : memref<10240x128xf32, #tpu.memory_space<vmem_shared>>)
      %add3A_312 = arith.constant 2 : i32
      %add3A_313 = arith.addi %add3A_293, %add3A_312 : i32
      %dma_start3A_314 = arith.constant 0 : i32
      %dma_start3A_315 = tpu.memref_slice %arg7[%add3A_313, %dma_start3A_314] : memref<40x128xi32, #tpu.memory_space<vmem>> -> memref<1x128xi32, #tpu.memory_space<vmem>>
      %dma_start3A_316 = tpu.memref_squeeze %dma_start3A_315 : memref<1x128xi32, #tpu.memory_space<vmem>> -> memref<128xi32, #tpu.memory_space<vmem>>
      %dma_start3A_317 = arith.constant 0 : i32
      %dma_start3A_318 = arith.constant 0 : i32
      %dma_start3A_319 = tpu.memref_slice %arg2[%dma_start3A_317, %dma_start3A_318] : memref<10000x128xf32, #tpu.memory_space<hbm>> -> memref<10000x128xf32, #tpu.memory_space<hbm>>
      tpu.enqueue_indirect_dma source(%dma_start3A_319 : memref<10000x128xf32, #tpu.memory_space<hbm>>) target(%arg9 : memref<128x128xf32, #tpu.memory_space<vmem>>) offsets(%dma_start3A_316 : memref<128xi32, #tpu.memory_space<vmem>>) semaphore(%arg12 : memref<!tpu.dma_semaphore, #tpu.memory_space<semaphore_mem>>)
      %mul3A_320 = arith.constant 2 : i32
      %mul3A_321 = arith.muli %mul3A_320, %scan3A_289 : i32
      %add3A_322 = arith.constant 1 : i32
      %add3A_323 = arith.addi %mul3A_321, %add3A_322 : i32
      %dma_wait3A_324 = arith.constant 0 : i32
      %dma_wait3A_325 = tpu.memref_slice %arg7[%add3A_323, %dma_wait3A_324] : memref<40x128xi32, #tpu.memory_space<vmem>> -> memref<1x128xi32, #tpu.memory_space<vmem>>
      %dma_wait3A_326 = tpu.memref_squeeze %dma_wait3A_325 : memref<1x128xi32, #tpu.memory_space<vmem>> -> memref<128xi32, #tpu.memory_space<vmem>>
      %dma_wait3A_327 = arith.constant 0 : i32
      %dma_wait3A_328 = arith.constant 0 : i32
      %dma_wait3A_329 = tpu.memref_slice %arg2[%dma_wait3A_327, %dma_wait3A_328] : memref<10000x128xf32, #tpu.memory_space<hbm>> -> memref<10000x128xf32, #tpu.memory_space<hbm>>
      tpu.wait_indirect_dma semaphore(%arg13 : memref<!tpu.dma_semaphore, #tpu.memory_space<semaphore_mem>>) src(%dma_wait3A_329 : memref<10000x128xf32, #tpu.memory_space<hbm>>) dst(%arg10 : memref<128x128xf32, #tpu.memory_space<vmem>>)
      %dma_start3A_330 = arith.constant 0 : i32
      %dma_start3A_331 = tpu.memref_slice %arg8[%add3A_323, %dma_start3A_330] : memref<40x128xi32, #tpu.memory_space<vmem>> -> memref<1x128xi32, #tpu.memory_space<vmem>>
      %dma_start3A_332 = tpu.memref_squeeze %dma_start3A_331 : memref<1x128xi32, #tpu.memory_space<vmem>> -> memref<128xi32, #tpu.memory_space<vmem>>
      %dma_start3A_333 = arith.constant 0 : i32
      %dma_start3A_334 = arith.constant 0 : i32
      %dma_start3A_335 = tpu.memref_slice %arg11[%dma_start3A_333, %dma_start3A_334] : memref<10240x128xf32, #tpu.memory_space<vmem_shared>> -> memref<10240x128xf32, #tpu.memory_space<vmem_shared>>
      tpu.enqueue_indirect_dma source(%arg10 : memref<128x128xf32, #tpu.memory_space<vmem>>) target(%dma_start3A_335 : memref<10240x128xf32, #tpu.memory_space<vmem_shared>>) offsets(%dma_start3A_332 : memref<128xi32, #tpu.memory_space<vmem>>) semaphore(%arg15 : memref<!tpu.dma_semaphore, #tpu.memory_space<semaphore_mem>>) {add = true}
      %dma_wait3A_336 = arith.constant 0 : i32
      %dma_wait3A_337 = tpu.memref_slice %arg8[%add3A_323, %dma_wait3A_336] : memref<40x128xi32, #tpu.memory_space<vmem>> -> memref<1x128xi32, #tpu.memory_space<vmem>>
      %dma_wait3A_338 = tpu.memref_squeeze %dma_wait3A_337 : memref<1x128xi32, #tpu.memory_space<vmem>> -> memref<128xi32, #tpu.memory_space<vmem>>
      %dma_wait3A_339 = arith.constant 0 : i32
      %dma_wait3A_340 = arith.constant 0 : i32
      %dma_wait3A_341 = tpu.memref_slice %arg11[%dma_wait3A_339, %dma_wait3A_340] : memref<10240x128xf32, #tpu.memory_space<vmem_shared>> -> memref<10240x128xf32, #tpu.memory_space<vmem_shared>>
      tpu.wait_indirect_dma semaphore(%arg15 : memref<!tpu.dma_semaphore, #tpu.memory_space<semaphore_mem>>) src(%arg10 : memref<128x128xf32, #tpu.memory_space<vmem>>) dst(%dma_wait3A_341 : memref<10240x128xf32, #tpu.memory_space<vmem_shared>>)
      %add3A_342 = arith.constant 2 : i32
      %add3A_343 = arith.addi %add3A_323, %add3A_342 : i32
      %dma_start3A_344 = arith.constant 0 : i32
      %dma_start3A_345 = tpu.memref_slice %arg7[%add3A_343, %dma_start3A_344] : memref<40x128xi32, #tpu.memory_space<vmem>> -> memref<1x128xi32, #tpu.memory_space<vmem>>
      %dma_start3A_346 = tpu.memref_squeeze %dma_start3A_345 : memref<1x128xi32, #tpu.memory_space<vmem>> -> memref<128xi32, #tpu.memory_space<vmem>>
      %dma_start3A_347 = arith.constant 0 : i32
      %dma_start3A_348 = arith.constant 0 : i32
      %dma_start3A_349 = tpu.memref_slice %arg2[%dma_start3A_347, %dma_start3A_348] : memref<10000x128xf32, #tpu.memory_space<hbm>> -> memref<10000x128xf32, #tpu.memory_space<hbm>>
      tpu.enqueue_indirect_dma source(%dma_start3A_349 : memref<10000x128xf32, #tpu.memory_space<hbm>>) target(%arg10 : memref<128x128xf32, #tpu.memory_space<vmem>>) offsets(%dma_start3A_346 : memref<128xi32, #tpu.memory_space<vmem>>) semaphore(%arg13 : memref<!tpu.dma_semaphore, #tpu.memory_space<semaphore_mem>>)
    }
    %scan3A_46 = arith.constant 19 : i32
    %dma_wait3A = arith.constant 38 : i32
    %dma_wait3A_47 = arith.constant 0 : i32
    %dma_wait3A_48 = tpu.memref_slice %arg7[%dma_wait3A, %dma_wait3A_47] : memref<40x128xi32, #tpu.memory_space<vmem>> -> memref<1x128xi32, #tpu.memory_space<vmem>>
    %dma_wait3A_49 = tpu.memref_squeeze %dma_wait3A_48 : memref<1x128xi32, #tpu.memory_space<vmem>> -> memref<128xi32, #tpu.memory_space<vmem>>
    %dma_wait3A_50 = arith.constant 0 : i32
    %dma_wait3A_51 = arith.constant 0 : i32
    %dma_wait3A_52 = tpu.memref_slice %arg2[%dma_wait3A_50, %dma_wait3A_51] : memref<10000x128xf32, #tpu.memory_space<hbm>> -> memref<10000x128xf32, #tpu.memory_space<hbm>>
    tpu.wait_indirect_dma semaphore(%arg12 : memref<!tpu.dma_semaphore, #tpu.memory_space<semaphore_mem>>) src(%dma_wait3A_52 : memref<10000x128xf32, #tpu.memory_space<hbm>>) dst(%arg9 : memref<128x128xf32, #tpu.memory_space<vmem>>)
    %dma_start3A_53 = arith.constant 38 : i32
    %dma_start3A_54 = arith.constant 0 : i32
    %dma_start3A_55 = tpu.memref_slice %arg8[%dma_start3A_53, %dma_start3A_54] : memref<40x128xi32, #tpu.memory_space<vmem>> -> memref<1x128xi32, #tpu.memory_space<vmem>>
    %dma_start3A_56 = tpu.memref_squeeze %dma_start3A_55 : memref<1x128xi32, #tpu.memory_space<vmem>> -> memref<128xi32, #tpu.memory_space<vmem>>
    %dma_start3A_57 = arith.constant 0 : i32
    %dma_start3A_58 = arith.constant 0 : i32
    %dma_start3A_59 = tpu.memref_slice %arg11[%dma_start3A_57, %dma_start3A_58] : memref<10240x128xf32, #tpu.memory_space<vmem_shared>> -> memref<10240x128xf32, #tpu.memory_space<vmem_shared>>
    tpu.enqueue_indirect_dma source(%arg9 : memref<128x128xf32, #tpu.memory_space<vmem>>) target(%dma_start3A_59 : memref<10240x128xf32, #tpu.memory_space<vmem_shared>>) offsets(%dma_start3A_56 : memref<128xi32, #tpu.memory_space<vmem>>) semaphore(%arg14 : memref<!tpu.dma_semaphore, #tpu.memory_space<semaphore_mem>>) {add = true}
    %dma_wait3A_60 = arith.constant 38 : i32
    %dma_wait3A_61 = arith.constant 0 : i32
    %dma_wait3A_62 = tpu.memref_slice %arg8[%dma_wait3A_60, %dma_wait3A_61] : memref<40x128xi32, #tpu.memory_space<vmem>> -> memref<1x128xi32, #tpu.memory_space<vmem>>
    %dma_wait3A_63 = tpu.memref_squeeze %dma_wait3A_62 : memref<1x128xi32, #tpu.memory_space<vmem>> -> memref<128xi32, #tpu.memory_space<vmem>>
    %dma_wait3A_64 = arith.constant 0 : i32
    %dma_wait3A_65 = arith.constant 0 : i32
    %dma_wait3A_66 = tpu.memref_slice %arg11[%dma_wait3A_64, %dma_wait3A_65] : memref<10240x128xf32, #tpu.memory_space<vmem_shared>> -> memref<10240x128xf32, #tpu.memory_space<vmem_shared>>
    tpu.wait_indirect_dma semaphore(%arg14 : memref<!tpu.dma_semaphore, #tpu.memory_space<semaphore_mem>>) src(%arg9 : memref<128x128xf32, #tpu.memory_space<vmem>>) dst(%dma_wait3A_66 : memref<10240x128xf32, #tpu.memory_space<vmem_shared>>)
    %dma_wait3A_67 = arith.constant 39 : i32
    %dma_wait3A_68 = arith.constant 0 : i32
    %dma_wait3A_69 = tpu.memref_slice %arg7[%dma_wait3A_67, %dma_wait3A_68] : memref<40x128xi32, #tpu.memory_space<vmem>> -> memref<1x128xi32, #tpu.memory_space<vmem>>
    %dma_wait3A_70 = tpu.memref_squeeze %dma_wait3A_69 : memref<1x128xi32, #tpu.memory_space<vmem>> -> memref<128xi32, #tpu.memory_space<vmem>>
    %dma_wait3A_71 = arith.constant 0 : i32
    %dma_wait3A_72 = arith.constant 0 : i32
    %dma_wait3A_73 = tpu.memref_slice %arg2[%dma_wait3A_71, %dma_wait3A_72] : memref<10000x128xf32, #tpu.memory_space<hbm>> -> memref<10000x128xf32, #tpu.memory_space<hbm>>
    tpu.wait_indirect_dma semaphore(%arg13 : memref<!tpu.dma_semaphore, #tpu.memory_space<semaphore_mem>>) src(%dma_wait3A_73 : memref<10000x128xf32, #tpu.memory_space<hbm>>) dst(%arg10 : memref<128x128xf32, #tpu.memory_space<vmem>>)
    %dma_start3A_74 = arith.constant 39 : i32
    %dma_start3A_75 = arith.constant 0 : i32
    %dma_start3A_76 = tpu.memref_slice %arg8[%dma_start3A_74, %dma_start3A_75] : memref<40x128xi32, #tpu.memory_space<vmem>> -> memref<1x128xi32, #tpu.memory_space<vmem>>
    %dma_start3A_77 = tpu.memref_squeeze %dma_start3A_76 : memref<1x128xi32, #tpu.memory_space<vmem>> -> memref<128xi32, #tpu.memory_space<vmem>>
    %dma_start3A_78 = arith.constant 0 : i32
    %dma_start3A_79 = arith.constant 0 : i32
    %dma_start3A_80 = tpu.memref_slice %arg11[%dma_start3A_78, %dma_start3A_79] : memref<10240x128xf32, #tpu.memory_space<vmem_shared>> -> memref<10240x128xf32, #tpu.memory_space<vmem_shared>>
    tpu.enqueue_indirect_dma source(%arg10 : memref<128x128xf32, #tpu.memory_space<vmem>>) target(%dma_start3A_80 : memref<10240x128xf32, #tpu.memory_space<vmem_shared>>) offsets(%dma_start3A_77 : memref<128xi32, #tpu.memory_space<vmem>>) semaphore(%arg15 : memref<!tpu.dma_semaphore, #tpu.memory_space<semaphore_mem>>) {add = true}
    %dma_wait3A_81 = arith.constant 39 : i32
    %dma_wait3A_82 = arith.constant 0 : i32
    %dma_wait3A_83 = tpu.memref_slice %arg8[%dma_wait3A_81, %dma_wait3A_82] : memref<40x128xi32, #tpu.memory_space<vmem>> -> memref<1x128xi32, #tpu.memory_space<vmem>>
    %dma_wait3A_84 = tpu.memref_squeeze %dma_wait3A_83 : memref<1x128xi32, #tpu.memory_space<vmem>> -> memref<128xi32, #tpu.memory_space<vmem>>
    %dma_wait3A_85 = arith.constant 0 : i32
    %dma_wait3A_86 = arith.constant 0 : i32
    %dma_wait3A_87 = tpu.memref_slice %arg11[%dma_wait3A_85, %dma_wait3A_86] : memref<10240x128xf32, #tpu.memory_space<vmem_shared>> -> memref<10240x128xf32, #tpu.memory_space<vmem_shared>>
    tpu.wait_indirect_dma semaphore(%arg15 : memref<!tpu.dma_semaphore, #tpu.memory_space<semaphore_mem>>) src(%arg10 : memref<128x128xf32, #tpu.memory_space<vmem>>) dst(%dma_wait3A_87 : memref<10240x128xf32, #tpu.memory_space<vmem_shared>>)
    %mul3A_88 = arith.constant 80 : i32
    %mul3A_89 = arith.muli %add3A, %mul3A_88 : i32
    %add3A_90 = arith.constant 40 : i32
    %add3A_91 = arith.addi %mul3A_89, %add3A_90 : i32
    "tpu.region"() ({
      %run_scoped3A = tpu.sem_alloc : memref<!tpu.dma_semaphore, #tpu.memory_space<semaphore_mem>>
      %dma_start3A_289 = arith.constant 0 : i32
      %dma_start3A_290 = tpu.memref_slice %arg3[%add3A_91, %dma_start3A_289] : memref<2560x128xi32, #tpu.memory_space<hbm>> -> memref<40x128xi32, #tpu.memory_space<hbm>>
      %dma_start3A_291 = arith.constant 0 : i32
      %dma_start3A_292 = tpu.memref_slice %arg3[%add3A_91, %dma_start3A_291] : memref<2560x128xi32, #tpu.memory_space<hbm>> -> memref<40x128xi32, #tpu.memory_space<hbm>>
      tpu.enqueue_dma source(%dma_start3A_292 : memref<40x128xi32, #tpu.memory_space<hbm>>) target(%arg7 : memref<40x128xi32, #tpu.memory_space<vmem>>) target_semaphore(%run_scoped3A : memref<!tpu.dma_semaphore, #tpu.memory_space<semaphore_mem>>)
      %dma_wait3A_293 = arith.constant 0 : i32
      %dma_wait3A_294 = tpu.memref_slice %arg3[%add3A_91, %dma_wait3A_293] : memref<2560x128xi32, #tpu.memory_space<hbm>> -> memref<40x128xi32, #tpu.memory_space<hbm>>
      %dma_wait3A_295 = arith.constant 0 : i32
      %dma_wait3A_296 = tpu.memref_slice %arg3[%add3A_91, %dma_wait3A_295] : memref<2560x128xi32, #tpu.memory_space<hbm>> -> memref<40x128xi32, #tpu.memory_space<hbm>>
      tpu.wait_dma2 semaphore(%run_scoped3A : memref<!tpu.dma_semaphore, #tpu.memory_space<semaphore_mem>>) src(%dma_wait3A_296 : memref<40x128xi32, #tpu.memory_space<hbm>>) dst(%arg7 : memref<40x128xi32, #tpu.memory_space<vmem>>)
      tpu.yield
    }) : () -> ()
    %mul3A_92 = arith.constant 80 : i32
    %mul3A_93 = arith.muli %add3A, %mul3A_92 : i32
    %add3A_94 = arith.constant 40 : i32
    %add3A_95 = arith.addi %mul3A_93, %add3A_94 : i32
    "tpu.region"() ({
      %run_scoped3A = tpu.sem_alloc : memref<!tpu.dma_semaphore, #tpu.memory_space<semaphore_mem>>
      %dma_start3A_289 = arith.constant 0 : i32
      %dma_start3A_290 = tpu.memref_slice %arg4[%add3A_95, %dma_start3A_289] : memref<2560x128xi32, #tpu.memory_space<hbm>> -> memref<40x128xi32, #tpu.memory_space<hbm>>
      %dma_start3A_291 = arith.constant 0 : i32
      %dma_start3A_292 = tpu.memref_slice %arg4[%add3A_95, %dma_start3A_291] : memref<2560x128xi32, #tpu.memory_space<hbm>> -> memref<40x128xi32, #tpu.memory_space<hbm>>
      tpu.enqueue_dma source(%dma_start3A_292 : memref<40x128xi32, #tpu.memory_space<hbm>>) target(%arg8 : memref<40x128xi32, #tpu.memory_space<vmem>>) target_semaphore(%run_scoped3A : memref<!tpu.dma_semaphore, #tpu.memory_space<semaphore_mem>>)
      %dma_wait3A_293 = arith.constant 0 : i32
      %dma_wait3A_294 = tpu.memref_slice %arg4[%add3A_95, %dma_wait3A_293] : memref<2560x128xi32, #tpu.memory_space<hbm>> -> memref<40x128xi32, #tpu.memory_space<hbm>>
      %dma_wait3A_295 = arith.constant 0 : i32
      %dma_wait3A_296 = tpu.memref_slice %arg4[%add3A_95, %dma_wait3A_295] : memref<2560x128xi32, #tpu.memory_space<hbm>> -> memref<40x128xi32, #tpu.memory_space<hbm>>
      tpu.wait_dma2 semaphore(%run_scoped3A : memref<!tpu.dma_semaphore, #tpu.memory_space<semaphore_mem>>) src(%dma_wait3A_296 : memref<40x128xi32, #tpu.memory_space<hbm>>) dst(%arg8 : memref<40x128xi32, #tpu.memory_space<vmem>>)
      tpu.yield
    }) : () -> ()
    %dma_start3A_96 = arith.constant 0 : i32
    %dma_start3A_97 = arith.constant 0 : i32
    %dma_start3A_98 = tpu.memref_slice %arg7[%dma_start3A_96, %dma_start3A_97] : memref<40x128xi32, #tpu.memory_space<vmem>> -> memref<1x128xi32, #tpu.memory_space<vmem>>
    %dma_start3A_99 = tpu.memref_squeeze %dma_start3A_98 : memref<1x128xi32, #tpu.memory_space<vmem>> -> memref<128xi32, #tpu.memory_space<vmem>>
    %dma_start3A_100 = arith.constant 0 : i32
    %dma_start3A_101 = arith.constant 0 : i32
    %dma_start3A_102 = tpu.memref_slice %arg2[%dma_start3A_100, %dma_start3A_101] : memref<10000x128xf32, #tpu.memory_space<hbm>> -> memref<10000x128xf32, #tpu.memory_space<hbm>>
    tpu.enqueue_indirect_dma source(%dma_start3A_102 : memref<10000x128xf32, #tpu.memory_space<hbm>>) target(%arg9 : memref<128x128xf32, #tpu.memory_space<vmem>>) offsets(%dma_start3A_99 : memref<128xi32, #tpu.memory_space<vmem>>) semaphore(%arg12 : memref<!tpu.dma_semaphore, #tpu.memory_space<semaphore_mem>>)
    %dma_start3A_103 = arith.constant 1 : i32
    %dma_start3A_104 = arith.constant 0 : i32
    %dma_start3A_105 = tpu.memref_slice %arg7[%dma_start3A_103, %dma_start3A_104] : memref<40x128xi32, #tpu.memory_space<vmem>> -> memref<1x128xi32, #tpu.memory_space<vmem>>
    %dma_start3A_106 = tpu.memref_squeeze %dma_start3A_105 : memref<1x128xi32, #tpu.memory_space<vmem>> -> memref<128xi32, #tpu.memory_space<vmem>>
    %dma_start3A_107 = arith.constant 0 : i32
    %dma_start3A_108 = arith.constant 0 : i32
    %dma_start3A_109 = tpu.memref_slice %arg2[%dma_start3A_107, %dma_start3A_108] : memref<10000x128xf32, #tpu.memory_space<hbm>> -> memref<10000x128xf32, #tpu.memory_space<hbm>>
    tpu.enqueue_indirect_dma source(%dma_start3A_109 : memref<10000x128xf32, #tpu.memory_space<hbm>>) target(%arg10 : memref<128x128xf32, #tpu.memory_space<vmem>>) offsets(%dma_start3A_106 : memref<128xi32, #tpu.memory_space<vmem>>) semaphore(%arg13 : memref<!tpu.dma_semaphore, #tpu.memory_space<semaphore_mem>>)
    %scan3A_110 = arith.constant 0 : i32
    %scan3A_111 = arith.constant 0 : i32
    %scan3A_112 = arith.constant 19 : i32
    %scan3A_113 = arith.addi %scan3A_111, %scan3A_112 : i32
    %scan3A_114 = arith.constant 1 : i32
    scf.for %scan3A_289 = %scan3A_111 to %scan3A_113 step %scan3A_114  : i32 {
      %mul3A_290 = arith.constant 2 : i32
      %mul3A_291 = arith.muli %mul3A_290, %scan3A_289 : i32
      %add3A_292 = arith.constant 0 : i32
      %add3A_293 = arith.addi %mul3A_291, %add3A_292 : i32
      %dma_wait3A_294 = arith.constant 0 : i32
      %dma_wait3A_295 = tpu.memref_slice %arg7[%add3A_293, %dma_wait3A_294] : memref<40x128xi32, #tpu.memory_space<vmem>> -> memref<1x128xi32, #tpu.memory_space<vmem>>
      %dma_wait3A_296 = tpu.memref_squeeze %dma_wait3A_295 : memref<1x128xi32, #tpu.memory_space<vmem>> -> memref<128xi32, #tpu.memory_space<vmem>>
      %dma_wait3A_297 = arith.constant 0 : i32
      %dma_wait3A_298 = arith.constant 0 : i32
      %dma_wait3A_299 = tpu.memref_slice %arg2[%dma_wait3A_297, %dma_wait3A_298] : memref<10000x128xf32, #tpu.memory_space<hbm>> -> memref<10000x128xf32, #tpu.memory_space<hbm>>
      tpu.wait_indirect_dma semaphore(%arg12 : memref<!tpu.dma_semaphore, #tpu.memory_space<semaphore_mem>>) src(%dma_wait3A_299 : memref<10000x128xf32, #tpu.memory_space<hbm>>) dst(%arg9 : memref<128x128xf32, #tpu.memory_space<vmem>>)
      %dma_start3A_300 = arith.constant 0 : i32
      %dma_start3A_301 = tpu.memref_slice %arg8[%add3A_293, %dma_start3A_300] : memref<40x128xi32, #tpu.memory_space<vmem>> -> memref<1x128xi32, #tpu.memory_space<vmem>>
      %dma_start3A_302 = tpu.memref_squeeze %dma_start3A_301 : memref<1x128xi32, #tpu.memory_space<vmem>> -> memref<128xi32, #tpu.memory_space<vmem>>
      %dma_start3A_303 = arith.constant 0 : i32
      %dma_start3A_304 = arith.constant 0 : i32
      %dma_start3A_305 = tpu.memref_slice %arg11[%dma_start3A_303, %dma_start3A_304] : memref<10240x128xf32, #tpu.memory_space<vmem_shared>> -> memref<10240x128xf32, #tpu.memory_space<vmem_shared>>
      tpu.enqueue_indirect_dma source(%arg9 : memref<128x128xf32, #tpu.memory_space<vmem>>) target(%dma_start3A_305 : memref<10240x128xf32, #tpu.memory_space<vmem_shared>>) offsets(%dma_start3A_302 : memref<128xi32, #tpu.memory_space<vmem>>) semaphore(%arg14 : memref<!tpu.dma_semaphore, #tpu.memory_space<semaphore_mem>>) {add = true}
      %dma_wait3A_306 = arith.constant 0 : i32
      %dma_wait3A_307 = tpu.memref_slice %arg8[%add3A_293, %dma_wait3A_306] : memref<40x128xi32, #tpu.memory_space<vmem>> -> memref<1x128xi32, #tpu.memory_space<vmem>>
      %dma_wait3A_308 = tpu.memref_squeeze %dma_wait3A_307 : memref<1x128xi32, #tpu.memory_space<vmem>> -> memref<128xi32, #tpu.memory_space<vmem>>
      %dma_wait3A_309 = arith.constant 0 : i32
      %dma_wait3A_310 = arith.constant 0 : i32
      %dma_wait3A_311 = tpu.memref_slice %arg11[%dma_wait3A_309, %dma_wait3A_310] : memref<10240x128xf32, #tpu.memory_space<vmem_shared>> -> memref<10240x128xf32, #tpu.memory_space<vmem_shared>>
      tpu.wait_indirect_dma semaphore(%arg14 : memref<!tpu.dma_semaphore, #tpu.memory_space<semaphore_mem>>) src(%arg9 : memref<128x128xf32, #tpu.memory_space<vmem>>) dst(%dma_wait3A_311 : memref<10240x128xf32, #tpu.memory_space<vmem_shared>>)
      %add3A_312 = arith.constant 2 : i32
      %add3A_313 = arith.addi %add3A_293, %add3A_312 : i32
      %dma_start3A_314 = arith.constant 0 : i32
      %dma_start3A_315 = tpu.memref_slice %arg7[%add3A_313, %dma_start3A_314] : memref<40x128xi32, #tpu.memory_space<vmem>> -> memref<1x128xi32, #tpu.memory_space<vmem>>
      %dma_start3A_316 = tpu.memref_squeeze %dma_start3A_315 : memref<1x128xi32, #tpu.memory_space<vmem>> -> memref<128xi32, #tpu.memory_space<vmem>>
      %dma_start3A_317 = arith.constant 0 : i32
      %dma_start3A_318 = arith.constant 0 : i32
      %dma_start3A_319 = tpu.memref_slice %arg2[%dma_start3A_317, %dma_start3A_318] : memref<10000x128xf32, #tpu.memory_space<hbm>> -> memref<10000x128xf32, #tpu.memory_space<hbm>>
      tpu.enqueue_indirect_dma source(%dma_start3A_319 : memref<10000x128xf32, #tpu.memory_space<hbm>>) target(%arg9 : memref<128x128xf32, #tpu.memory_space<vmem>>) offsets(%dma_start3A_316 : memref<128xi32, #tpu.memory_space<vmem>>) semaphore(%arg12 : memref<!tpu.dma_semaphore, #tpu.memory_space<semaphore_mem>>)
      %mul3A_320 = arith.constant 2 : i32
      %mul3A_321 = arith.muli %mul3A_320, %scan3A_289 : i32
      %add3A_322 = arith.constant 1 : i32
      %add3A_323 = arith.addi %mul3A_321, %add3A_322 : i32
      %dma_wait3A_324 = arith.constant 0 : i32
      %dma_wait3A_325 = tpu.memref_slice %arg7[%add3A_323, %dma_wait3A_324] : memref<40x128xi32, #tpu.memory_space<vmem>> -> memref<1x128xi32, #tpu.memory_space<vmem>>
      %dma_wait3A_326 = tpu.memref_squeeze %dma_wait3A_325 : memref<1x128xi32, #tpu.memory_space<vmem>> -> memref<128xi32, #tpu.memory_space<vmem>>
      %dma_wait3A_327 = arith.constant 0 : i32
      %dma_wait3A_328 = arith.constant 0 : i32
      %dma_wait3A_329 = tpu.memref_slice %arg2[%dma_wait3A_327, %dma_wait3A_328] : memref<10000x128xf32, #tpu.memory_space<hbm>> -> memref<10000x128xf32, #tpu.memory_space<hbm>>
      tpu.wait_indirect_dma semaphore(%arg13 : memref<!tpu.dma_semaphore, #tpu.memory_space<semaphore_mem>>) src(%dma_wait3A_329 : memref<10000x128xf32, #tpu.memory_space<hbm>>) dst(%arg10 : memref<128x128xf32, #tpu.memory_space<vmem>>)
      %dma_start3A_330 = arith.constant 0 : i32
      %dma_start3A_331 = tpu.memref_slice %arg8[%add3A_323, %dma_start3A_330] : memref<40x128xi32, #tpu.memory_space<vmem>> -> memref<1x128xi32, #tpu.memory_space<vmem>>
      %dma_start3A_332 = tpu.memref_squeeze %dma_start3A_331 : memref<1x128xi32, #tpu.memory_space<vmem>> -> memref<128xi32, #tpu.memory_space<vmem>>
      %dma_start3A_333 = arith.constant 0 : i32
      %dma_start3A_334 = arith.constant 0 : i32
      %dma_start3A_335 = tpu.memref_slice %arg11[%dma_start3A_333, %dma_start3A_334] : memref<10240x128xf32, #tpu.memory_space<vmem_shared>> -> memref<10240x128xf32, #tpu.memory_space<vmem_shared>>
      tpu.enqueue_indirect_dma source(%arg10 : memref<128x128xf32, #tpu.memory_space<vmem>>) target(%dma_start3A_335 : memref<10240x128xf32, #tpu.memory_space<vmem_shared>>) offsets(%dma_start3A_332 : memref<128xi32, #tpu.memory_space<vmem>>) semaphore(%arg15 : memref<!tpu.dma_semaphore, #tpu.memory_space<semaphore_mem>>) {add = true}
      %dma_wait3A_336 = arith.constant 0 : i32
      %dma_wait3A_337 = tpu.memref_slice %arg8[%add3A_323, %dma_wait3A_336] : memref<40x128xi32, #tpu.memory_space<vmem>> -> memref<1x128xi32, #tpu.memory_space<vmem>>
      %dma_wait3A_338 = tpu.memref_squeeze %dma_wait3A_337 : memref<1x128xi32, #tpu.memory_space<vmem>> -> memref<128xi32, #tpu.memory_space<vmem>>
      %dma_wait3A_339 = arith.constant 0 : i32
      %dma_wait3A_340 = arith.constant 0 : i32
      %dma_wait3A_341 = tpu.memref_slice %arg11[%dma_wait3A_339, %dma_wait3A_340] : memref<10240x128xf32, #tpu.memory_space<vmem_shared>> -> memref<10240x128xf32, #tpu.memory_space<vmem_shared>>
      tpu.wait_indirect_dma semaphore(%arg15 : memref<!tpu.dma_semaphore, #tpu.memory_space<semaphore_mem>>) src(%arg10 : memref<128x128xf32, #tpu.memory_space<vmem>>) dst(%dma_wait3A_341 : memref<10240x128xf32, #tpu.memory_space<vmem_shared>>)
      %add3A_342 = arith.constant 2 : i32
      %add3A_343 = arith.addi %add3A_323, %add3A_342 : i32
      %dma_start3A_344 = arith.constant 0 : i32
      %dma_start3A_345 = tpu.memref_slice %arg7[%add3A_343, %dma_start3A_344] : memref<40x128xi32, #tpu.memory_space<vmem>> -> memref<1x128xi32, #tpu.memory_space<vmem>>
      %dma_start3A_346 = tpu.memref_squeeze %dma_start3A_345 : memref<1x128xi32, #tpu.memory_space<vmem>> -> memref<128xi32, #tpu.memory_space<vmem>>
      %dma_start3A_347 = arith.constant 0 : i32
      %dma_start3A_348 = arith.constant 0 : i32
      %dma_start3A_349 = tpu.memref_slice %arg2[%dma_start3A_347, %dma_start3A_348] : memref<10000x128xf32, #tpu.memory_space<hbm>> -> memref<10000x128xf32, #tpu.memory_space<hbm>>
      tpu.enqueue_indirect_dma source(%dma_start3A_349 : memref<10000x128xf32, #tpu.memory_space<hbm>>) target(%arg10 : memref<128x128xf32, #tpu.memory_space<vmem>>) offsets(%dma_start3A_346 : memref<128xi32, #tpu.memory_space<vmem>>) semaphore(%arg13 : memref<!tpu.dma_semaphore, #tpu.memory_space<semaphore_mem>>)
    }
    %scan3A_115 = arith.constant 19 : i32
    %dma_wait3A_116 = arith.constant 38 : i32
    %dma_wait3A_117 = arith.constant 0 : i32
    %dma_wait3A_118 = tpu.memref_slice %arg7[%dma_wait3A_116, %dma_wait3A_117] : memref<40x128xi32, #tpu.memory_space<vmem>> -> memref<1x128xi32, #tpu.memory_space<vmem>>
    %dma_wait3A_119 = tpu.memref_squeeze %dma_wait3A_118 : memref<1x128xi32, #tpu.memory_space<vmem>> -> memref<128xi32, #tpu.memory_space<vmem>>
    %dma_wait3A_120 = arith.constant 0 : i32
    %dma_wait3A_121 = arith.constant 0 : i32
    %dma_wait3A_122 = tpu.memref_slice %arg2[%dma_wait3A_120, %dma_wait3A_121] : memref<10000x128xf32, #tpu.memory_space<hbm>> -> memref<10000x128xf32, #tpu.memory_space<hbm>>
    tpu.wait_indirect_dma semaphore(%arg12 : memref<!tpu.dma_semaphore, #tpu.memory_space<semaphore_mem>>) src(%dma_wait3A_122 : memref<10000x128xf32, #tpu.memory_space<hbm>>) dst(%arg9 : memref<128x128xf32, #tpu.memory_space<vmem>>)
    %dma_start3A_123 = arith.constant 38 : i32
    %dma_start3A_124 = arith.constant 0 : i32
    %dma_start3A_125 = tpu.memref_slice %arg8[%dma_start3A_123, %dma_start3A_124] : memref<40x128xi32, #tpu.memory_space<vmem>> -> memref<1x128xi32, #tpu.memory_space<vmem>>
    %dma_start3A_126 = tpu.memref_squeeze %dma_start3A_125 : memref<1x128xi32, #tpu.memory_space<vmem>> -> memref<128xi32, #tpu.memory_space<vmem>>
    %dma_start3A_127 = arith.constant 0 : i32
    %dma_start3A_128 = arith.constant 0 : i32
    %dma_start3A_129 = tpu.memref_slice %arg11[%dma_start3A_127, %dma_start3A_128] : memref<10240x128xf32, #tpu.memory_space<vmem_shared>> -> memref<10240x128xf32, #tpu.memory_space<vmem_shared>>
    tpu.enqueue_indirect_dma source(%arg9 : memref<128x128xf32, #tpu.memory_space<vmem>>) target(%dma_start3A_129 : memref<10240x128xf32, #tpu.memory_space<vmem_shared>>) offsets(%dma_start3A_126 : memref<128xi32, #tpu.memory_space<vmem>>) semaphore(%arg14 : memref<!tpu.dma_semaphore, #tpu.memory_space<semaphore_mem>>) {add = true}
    %dma_wait3A_130 = arith.constant 38 : i32
    %dma_wait3A_131 = arith.constant 0 : i32
    %dma_wait3A_132 = tpu.memref_slice %arg8[%dma_wait3A_130, %dma_wait3A_131] : memref<40x128xi32, #tpu.memory_space<vmem>> -> memref<1x128xi32, #tpu.memory_space<vmem>>
    %dma_wait3A_133 = tpu.memref_squeeze %dma_wait3A_132 : memref<1x128xi32, #tpu.memory_space<vmem>> -> memref<128xi32, #tpu.memory_space<vmem>>
    %dma_wait3A_134 = arith.constant 0 : i32
    %dma_wait3A_135 = arith.constant 0 : i32
    %dma_wait3A_136 = tpu.memref_slice %arg11[%dma_wait3A_134, %dma_wait3A_135] : memref<10240x128xf32, #tpu.memory_space<vmem_shared>> -> memref<10240x128xf32, #tpu.memory_space<vmem_shared>>
    tpu.wait_indirect_dma semaphore(%arg14 : memref<!tpu.dma_semaphore, #tpu.memory_space<semaphore_mem>>) src(%arg9 : memref<128x128xf32, #tpu.memory_space<vmem>>) dst(%dma_wait3A_136 : memref<10240x128xf32, #tpu.memory_space<vmem_shared>>)
    %dma_wait3A_137 = arith.constant 39 : i32
    %dma_wait3A_138 = arith.constant 0 : i32
    %dma_wait3A_139 = tpu.memref_slice %arg7[%dma_wait3A_137, %dma_wait3A_138] : memref<40x128xi32, #tpu.memory_space<vmem>> -> memref<1x128xi32, #tpu.memory_space<vmem>>
    %dma_wait3A_140 = tpu.memref_squeeze %dma_wait3A_139 : memref<1x128xi32, #tpu.memory_space<vmem>> -> memref<128xi32, #tpu.memory_space<vmem>>
    %dma_wait3A_141 = arith.constant 0 : i32
    %dma_wait3A_142 = arith.constant 0 : i32
    %dma_wait3A_143 = tpu.memref_slice %arg2[%dma_wait3A_141, %dma_wait3A_142] : memref<10000x128xf32, #tpu.memory_space<hbm>> -> memref<10000x128xf32, #tpu.memory_space<hbm>>
    tpu.wait_indirect_dma semaphore(%arg13 : memref<!tpu.dma_semaphore, #tpu.memory_space<semaphore_mem>>) src(%dma_wait3A_143 : memref<10000x128xf32, #tpu.memory_space<hbm>>) dst(%arg10 : memref<128x128xf32, #tpu.memory_space<vmem>>)
    %dma_start3A_144 = arith.constant 39 : i32
    %dma_start3A_145 = arith.constant 0 : i32
    %dma_start3A_146 = tpu.memref_slice %arg8[%dma_start3A_144, %dma_start3A_145] : memref<40x128xi32, #tpu.memory_space<vmem>> -> memref<1x128xi32, #tpu.memory_space<vmem>>
    %dma_start3A_147 = tpu.memref_squeeze %dma_start3A_146 : memref<1x128xi32, #tpu.memory_space<vmem>> -> memref<128xi32, #tpu.memory_space<vmem>>
    %dma_start3A_148 = arith.constant 0 : i32
    %dma_start3A_149 = arith.constant 0 : i32
    %dma_start3A_150 = tpu.memref_slice %arg11[%dma_start3A_148, %dma_start3A_149] : memref<10240x128xf32, #tpu.memory_space<vmem_shared>> -> memref<10240x128xf32, #tpu.memory_space<vmem_shared>>
    tpu.enqueue_indirect_dma source(%arg10 : memref<128x128xf32, #tpu.memory_space<vmem>>) target(%dma_start3A_150 : memref<10240x128xf32, #tpu.memory_space<vmem_shared>>) offsets(%dma_start3A_147 : memref<128xi32, #tpu.memory_space<vmem>>) semaphore(%arg15 : memref<!tpu.dma_semaphore, #tpu.memory_space<semaphore_mem>>) {add = true}
    %dma_wait3A_151 = arith.constant 39 : i32
    %dma_wait3A_152 = arith.constant 0 : i32
    %dma_wait3A_153 = tpu.memref_slice %arg8[%dma_wait3A_151, %dma_wait3A_152] : memref<40x128xi32, #tpu.memory_space<vmem>> -> memref<1x128xi32, #tpu.memory_space<vmem>>
    %dma_wait3A_154 = tpu.memref_squeeze %dma_wait3A_153 : memref<1x128xi32, #tpu.memory_space<vmem>> -> memref<128xi32, #tpu.memory_space<vmem>>
    %dma_wait3A_155 = arith.constant 0 : i32
    %dma_wait3A_156 = arith.constant 0 : i32
    %dma_wait3A_157 = tpu.memref_slice %arg11[%dma_wait3A_155, %dma_wait3A_156] : memref<10240x128xf32, #tpu.memory_space<vmem_shared>> -> memref<10240x128xf32, #tpu.memory_space<vmem_shared>>
    tpu.wait_indirect_dma semaphore(%arg15 : memref<!tpu.dma_semaphore, #tpu.memory_space<semaphore_mem>>) src(%arg10 : memref<128x128xf32, #tpu.memory_space<vmem>>) dst(%dma_wait3A_157 : memref<10240x128xf32, #tpu.memory_space<vmem_shared>>)
    %barrier3A_158 = arith.constant 0 : index
    tpu.barrier barrier_id(%barrier3A_158)
    %mul3A_159 = arith.constant 640 : i32
    %mul3A_160 = arith.muli %arg1, %mul3A_159 : i32
    %add3A_161 = arith.constant 0 : i32
    %add3A_162 = arith.addi %mul3A_160, %add3A_161 : i32
    %mul3A_163 = arith.constant 10240 : i32
    %mul3A_164 = arith.muli %arg0, %mul3A_163 : i32
    %mul3A_165 = arith.constant 640 : i32
    %mul3A_166 = arith.muli %arg1, %mul3A_165 : i32
    %add3A_167 = arith.addi %mul3A_164, %mul3A_166 : i32
    %add3A_168 = arith.constant 0 : i32
    %add3A_169 = arith.addi %add3A_167, %add3A_168 : i32
    "tpu.region"() ({
      %run_scoped3A = tpu.sem_alloc : memref<!tpu.dma_semaphore, #tpu.memory_space<semaphore_mem>>
      %dma_start3A_289 = arith.constant 0 : i32
      %dma_start3A_290 = tpu.memref_slice %arg11[%add3A_162, %dma_start3A_289] : memref<10240x128xf32, #tpu.memory_space<vmem_shared>> -> memref<128x128xf32, #tpu.memory_space<vmem_shared>>
      %dma_start3A_291 = arith.constant 0 : i32
      %dma_start3A_292 = tpu.memref_slice %arg11[%add3A_162, %dma_start3A_291] : memref<10240x128xf32, #tpu.memory_space<vmem_shared>> -> memref<128x128xf32, #tpu.memory_space<vmem_shared>>
      tpu.enqueue_dma source(%dma_start3A_292 : memref<128x128xf32, #tpu.memory_space<vmem_shared>>) target(%arg9 : memref<128x128xf32, #tpu.memory_space<vmem>>) target_semaphore(%run_scoped3A : memref<!tpu.dma_semaphore, #tpu.memory_space<semaphore_mem>>)
      %dma_wait3A_293 = arith.constant 0 : i32
      %dma_wait3A_294 = tpu.memref_slice %arg11[%add3A_162, %dma_wait3A_293] : memref<10240x128xf32, #tpu.memory_space<vmem_shared>> -> memref<128x128xf32, #tpu.memory_space<vmem_shared>>
      %dma_wait3A_295 = arith.constant 0 : i32
      %dma_wait3A_296 = tpu.memref_slice %arg11[%add3A_162, %dma_wait3A_295] : memref<10240x128xf32, #tpu.memory_space<vmem_shared>> -> memref<128x128xf32, #tpu.memory_space<vmem_shared>>
      tpu.wait_dma2 semaphore(%run_scoped3A : memref<!tpu.dma_semaphore, #tpu.memory_space<semaphore_mem>>) src(%dma_wait3A_296 : memref<128x128xf32, #tpu.memory_space<vmem_shared>>) dst(%arg9 : memref<128x128xf32, #tpu.memory_space<vmem>>)
      tpu.yield
    }) : () -> ()
    %dma_start3A_170 = arith.constant 0 : i32
    %dma_start3A_171 = tpu.memref_slice %arg6[%add3A_169, %dma_start3A_170] : memref<20480x128xf32, #tpu.memory_space<hbm>> -> memref<128x128xf32, #tpu.memory_space<hbm>>
    %dma_start3A_172 = arith.constant 0 : i32
    %dma_start3A_173 = tpu.memref_slice %arg6[%add3A_169, %dma_start3A_172] : memref<20480x128xf32, #tpu.memory_space<hbm>> -> memref<128x128xf32, #tpu.memory_space<hbm>>
    tpu.enqueue_dma source(%arg9 : memref<128x128xf32, #tpu.memory_space<vmem>>) target(%dma_start3A_173 : memref<128x128xf32, #tpu.memory_space<hbm>>) target_semaphore(%arg12 : memref<!tpu.dma_semaphore, #tpu.memory_space<semaphore_mem>>)
    %mul3A_174 = arith.constant 640 : i32
    %mul3A_175 = arith.muli %arg1, %mul3A_174 : i32
    %add3A_176 = arith.constant 128 : i32
    %add3A_177 = arith.addi %mul3A_175, %add3A_176 : i32
    %mul3A_178 = arith.constant 10240 : i32
    %mul3A_179 = arith.muli %arg0, %mul3A_178 : i32
    %mul3A_180 = arith.constant 640 : i32
    %mul3A_181 = arith.muli %arg1, %mul3A_180 : i32
    %add3A_182 = arith.addi %mul3A_179, %mul3A_181 : i32
    %add3A_183 = arith.constant 128 : i32
    %add3A_184 = arith.addi %add3A_182, %add3A_183 : i32
    "tpu.region"() ({
      %run_scoped3A = tpu.sem_alloc : memref<!tpu.dma_semaphore, #tpu.memory_space<semaphore_mem>>
      %dma_start3A_289 = arith.constant 0 : i32
      %dma_start3A_290 = tpu.memref_slice %arg11[%add3A_177, %dma_start3A_289] : memref<10240x128xf32, #tpu.memory_space<vmem_shared>> -> memref<128x128xf32, #tpu.memory_space<vmem_shared>>
      %dma_start3A_291 = arith.constant 0 : i32
      %dma_start3A_292 = tpu.memref_slice %arg11[%add3A_177, %dma_start3A_291] : memref<10240x128xf32, #tpu.memory_space<vmem_shared>> -> memref<128x128xf32, #tpu.memory_space<vmem_shared>>
      tpu.enqueue_dma source(%dma_start3A_292 : memref<128x128xf32, #tpu.memory_space<vmem_shared>>) target(%arg10 : memref<128x128xf32, #tpu.memory_space<vmem>>) target_semaphore(%run_scoped3A : memref<!tpu.dma_semaphore, #tpu.memory_space<semaphore_mem>>)
      %dma_wait3A_293 = arith.constant 0 : i32
      %dma_wait3A_294 = tpu.memref_slice %arg11[%add3A_177, %dma_wait3A_293] : memref<10240x128xf32, #tpu.memory_space<vmem_shared>> -> memref<128x128xf32, #tpu.memory_space<vmem_shared>>
      %dma_wait3A_295 = arith.constant 0 : i32
      %dma_wait3A_296 = tpu.memref_slice %arg11[%add3A_177, %dma_wait3A_295] : memref<10240x128xf32, #tpu.memory_space<vmem_shared>> -> memref<128x128xf32, #tpu.memory_space<vmem_shared>>
      tpu.wait_dma2 semaphore(%run_scoped3A : memref<!tpu.dma_semaphore, #tpu.memory_space<semaphore_mem>>) src(%dma_wait3A_296 : memref<128x128xf32, #tpu.memory_space<vmem_shared>>) dst(%arg10 : memref<128x128xf32, #tpu.memory_space<vmem>>)
      tpu.yield
    }) : () -> ()
    %dma_start3A_185 = arith.constant 0 : i32
    %dma_start3A_186 = tpu.memref_slice %arg6[%add3A_184, %dma_start3A_185] : memref<20480x128xf32, #tpu.memory_space<hbm>> -> memref<128x128xf32, #tpu.memory_space<hbm>>
    %dma_start3A_187 = arith.constant 0 : i32
    %dma_start3A_188 = tpu.memref_slice %arg6[%add3A_184, %dma_start3A_187] : memref<20480x128xf32, #tpu.memory_space<hbm>> -> memref<128x128xf32, #tpu.memory_space<hbm>>
    tpu.enqueue_dma source(%arg10 : memref<128x128xf32, #tpu.memory_space<vmem>>) target(%dma_start3A_188 : memref<128x128xf32, #tpu.memory_space<hbm>>) target_semaphore(%arg13 : memref<!tpu.dma_semaphore, #tpu.memory_space<semaphore_mem>>)
    %mul3A_189 = arith.constant 640 : i32
    %mul3A_190 = arith.muli %arg1, %mul3A_189 : i32
    %add3A_191 = arith.constant 256 : i32
    %add3A_192 = arith.addi %mul3A_190, %add3A_191 : i32
    %mul3A_193 = arith.constant 10240 : i32
    %mul3A_194 = arith.muli %arg0, %mul3A_193 : i32
    %mul3A_195 = arith.constant 640 : i32
    %mul3A_196 = arith.muli %arg1, %mul3A_195 : i32
    %add3A_197 = arith.addi %mul3A_194, %mul3A_196 : i32
    %add3A_198 = arith.constant 256 : i32
    %add3A_199 = arith.addi %add3A_197, %add3A_198 : i32
    %mul3A_200 = arith.constant 10240 : i32
    %mul3A_201 = arith.muli %arg0, %mul3A_200 : i32
    %mul3A_202 = arith.constant 640 : i32
    %mul3A_203 = arith.muli %arg1, %mul3A_202 : i32
    %add3A_204 = arith.addi %mul3A_201, %mul3A_203 : i32
    %add3A_205 = arith.constant 0 : i32
    %add3A_206 = arith.addi %add3A_204, %add3A_205 : i32
    %dma_wait3A_207 = arith.constant 0 : i32
    %dma_wait3A_208 = tpu.memref_slice %arg6[%add3A_206, %dma_wait3A_207] : memref<20480x128xf32, #tpu.memory_space<hbm>> -> memref<128x128xf32, #tpu.memory_space<hbm>>
    %dma_wait3A_209 = arith.constant 0 : i32
    %dma_wait3A_210 = tpu.memref_slice %arg6[%add3A_206, %dma_wait3A_209] : memref<20480x128xf32, #tpu.memory_space<hbm>> -> memref<128x128xf32, #tpu.memory_space<hbm>>
    tpu.wait_dma2 semaphore(%arg12 : memref<!tpu.dma_semaphore, #tpu.memory_space<semaphore_mem>>) src(%arg9 : memref<128x128xf32, #tpu.memory_space<vmem>>) dst(%dma_wait3A_210 : memref<128x128xf32, #tpu.memory_space<hbm>>)
    "tpu.region"() ({
      %run_scoped3A = tpu.sem_alloc : memref<!tpu.dma_semaphore, #tpu.memory_space<semaphore_mem>>
      %dma_start3A_289 = arith.constant 0 : i32
      %dma_start3A_290 = tpu.memref_slice %arg11[%add3A_192, %dma_start3A_289] : memref<10240x128xf32, #tpu.memory_space<vmem_shared>> -> memref<128x128xf32, #tpu.memory_space<vmem_shared>>
      %dma_start3A_291 = arith.constant 0 : i32
      %dma_start3A_292 = tpu.memref_slice %arg11[%add3A_192, %dma_start3A_291] : memref<10240x128xf32, #tpu.memory_space<vmem_shared>> -> memref<128x128xf32, #tpu.memory_space<vmem_shared>>
      tpu.enqueue_dma source(%dma_start3A_292 : memref<128x128xf32, #tpu.memory_space<vmem_shared>>) target(%arg9 : memref<128x128xf32, #tpu.memory_space<vmem>>) target_semaphore(%run_scoped3A : memref<!tpu.dma_semaphore, #tpu.memory_space<semaphore_mem>>)
      %dma_wait3A_293 = arith.constant 0 : i32
      %dma_wait3A_294 = tpu.memref_slice %arg11[%add3A_192, %dma_wait3A_293] : memref<10240x128xf32, #tpu.memory_space<vmem_shared>> -> memref<128x128xf32, #tpu.memory_space<vmem_shared>>
      %dma_wait3A_295 = arith.constant 0 : i32
      %dma_wait3A_296 = tpu.memref_slice %arg11[%add3A_192, %dma_wait3A_295] : memref<10240x128xf32, #tpu.memory_space<vmem_shared>> -> memref<128x128xf32, #tpu.memory_space<vmem_shared>>
      tpu.wait_dma2 semaphore(%run_scoped3A : memref<!tpu.dma_semaphore, #tpu.memory_space<semaphore_mem>>) src(%dma_wait3A_296 : memref<128x128xf32, #tpu.memory_space<vmem_shared>>) dst(%arg9 : memref<128x128xf32, #tpu.memory_space<vmem>>)
      tpu.yield
    }) : () -> ()
    %dma_start3A_211 = arith.constant 0 : i32
    %dma_start3A_212 = tpu.memref_slice %arg6[%add3A_199, %dma_start3A_211] : memref<20480x128xf32, #tpu.memory_space<hbm>> -> memref<128x128xf32, #tpu.memory_space<hbm>>
    %dma_start3A_213 = arith.constant 0 : i32
    %dma_start3A_214 = tpu.memref_slice %arg6[%add3A_199, %dma_start3A_213] : memref<20480x128xf32, #tpu.memory_space<hbm>> -> memref<128x128xf32, #tpu.memory_space<hbm>>
    tpu.enqueue_dma source(%arg9 : memref<128x128xf32, #tpu.memory_space<vmem>>) target(%dma_start3A_214 : memref<128x128xf32, #tpu.memory_space<hbm>>) target_semaphore(%arg12 : memref<!tpu.dma_semaphore, #tpu.memory_space<semaphore_mem>>)
    %mul3A_215 = arith.constant 640 : i32
    %mul3A_216 = arith.muli %arg1, %mul3A_215 : i32
    %add3A_217 = arith.constant 384 : i32
    %add3A_218 = arith.addi %mul3A_216, %add3A_217 : i32
    %mul3A_219 = arith.constant 10240 : i32
    %mul3A_220 = arith.muli %arg0, %mul3A_219 : i32
    %mul3A_221 = arith.constant 640 : i32
    %mul3A_222 = arith.muli %arg1, %mul3A_221 : i32
    %add3A_223 = arith.addi %mul3A_220, %mul3A_222 : i32
    %add3A_224 = arith.constant 384 : i32
    %add3A_225 = arith.addi %add3A_223, %add3A_224 : i32
    %mul3A_226 = arith.constant 10240 : i32
    %mul3A_227 = arith.muli %arg0, %mul3A_226 : i32
    %mul3A_228 = arith.constant 640 : i32
    %mul3A_229 = arith.muli %arg1, %mul3A_228 : i32
    %add3A_230 = arith.addi %mul3A_227, %mul3A_229 : i32
    %add3A_231 = arith.constant 128 : i32
    %add3A_232 = arith.addi %add3A_230, %add3A_231 : i32
    %dma_wait3A_233 = arith.constant 0 : i32
    %dma_wait3A_234 = tpu.memref_slice %arg6[%add3A_232, %dma_wait3A_233] : memref<20480x128xf32, #tpu.memory_space<hbm>> -> memref<128x128xf32, #tpu.memory_space<hbm>>
    %dma_wait3A_235 = arith.constant 0 : i32
    %dma_wait3A_236 = tpu.memref_slice %arg6[%add3A_232, %dma_wait3A_235] : memref<20480x128xf32, #tpu.memory_space<hbm>> -> memref<128x128xf32, #tpu.memory_space<hbm>>
    tpu.wait_dma2 semaphore(%arg13 : memref<!tpu.dma_semaphore, #tpu.memory_space<semaphore_mem>>) src(%arg10 : memref<128x128xf32, #tpu.memory_space<vmem>>) dst(%dma_wait3A_236 : memref<128x128xf32, #tpu.memory_space<hbm>>)
    "tpu.region"() ({
      %run_scoped3A = tpu.sem_alloc : memref<!tpu.dma_semaphore, #tpu.memory_space<semaphore_mem>>
      %dma_start3A_289 = arith.constant 0 : i32
      %dma_start3A_290 = tpu.memref_slice %arg11[%add3A_218, %dma_start3A_289] : memref<10240x128xf32, #tpu.memory_space<vmem_shared>> -> memref<128x128xf32, #tpu.memory_space<vmem_shared>>
      %dma_start3A_291 = arith.constant 0 : i32
      %dma_start3A_292 = tpu.memref_slice %arg11[%add3A_218, %dma_start3A_291] : memref<10240x128xf32, #tpu.memory_space<vmem_shared>> -> memref<128x128xf32, #tpu.memory_space<vmem_shared>>
      tpu.enqueue_dma source(%dma_start3A_292 : memref<128x128xf32, #tpu.memory_space<vmem_shared>>) target(%arg10 : memref<128x128xf32, #tpu.memory_space<vmem>>) target_semaphore(%run_scoped3A : memref<!tpu.dma_semaphore, #tpu.memory_space<semaphore_mem>>)
      %dma_wait3A_293 = arith.constant 0 : i32
      %dma_wait3A_294 = tpu.memref_slice %arg11[%add3A_218, %dma_wait3A_293] : memref<10240x128xf32, #tpu.memory_space<vmem_shared>> -> memref<128x128xf32, #tpu.memory_space<vmem_shared>>
      %dma_wait3A_295 = arith.constant 0 : i32
      %dma_wait3A_296 = tpu.memref_slice %arg11[%add3A_218, %dma_wait3A_295] : memref<10240x128xf32, #tpu.memory_space<vmem_shared>> -> memref<128x128xf32, #tpu.memory_space<vmem_shared>>
      tpu.wait_dma2 semaphore(%run_scoped3A : memref<!tpu.dma_semaphore, #tpu.memory_space<semaphore_mem>>) src(%dma_wait3A_296 : memref<128x128xf32, #tpu.memory_space<vmem_shared>>) dst(%arg10 : memref<128x128xf32, #tpu.memory_space<vmem>>)
      tpu.yield
    }) : () -> ()
    %dma_start3A_237 = arith.constant 0 : i32
    %dma_start3A_238 = tpu.memref_slice %arg6[%add3A_225, %dma_start3A_237] : memref<20480x128xf32, #tpu.memory_space<hbm>> -> memref<128x128xf32, #tpu.memory_space<hbm>>
    %dma_start3A_239 = arith.constant 0 : i32
    %dma_start3A_240 = tpu.memref_slice %arg6[%add3A_225, %dma_start3A_239] : memref<20480x128xf32, #tpu.memory_space<hbm>> -> memref<128x128xf32, #tpu.memory_space<hbm>>
    tpu.enqueue_dma source(%arg10 : memref<128x128xf32, #tpu.memory_space<vmem>>) target(%dma_start3A_240 : memref<128x128xf32, #tpu.memory_space<hbm>>) target_semaphore(%arg13 : memref<!tpu.dma_semaphore, #tpu.memory_space<semaphore_mem>>)
    %mul3A_241 = arith.constant 640 : i32
    %mul3A_242 = arith.muli %arg1, %mul3A_241 : i32
    %add3A_243 = arith.constant 512 : i32
    %add3A_244 = arith.addi %mul3A_242, %add3A_243 : i32
    %mul3A_245 = arith.constant 10240 : i32
    %mul3A_246 = arith.muli %arg0, %mul3A_245 : i32
    %mul3A_247 = arith.constant 640 : i32
    %mul3A_248 = arith.muli %arg1, %mul3A_247 : i32
    %add3A_249 = arith.addi %mul3A_246, %mul3A_248 : i32
    %add3A_250 = arith.constant 512 : i32
    %add3A_251 = arith.addi %add3A_249, %add3A_250 : i32
    %mul3A_252 = arith.constant 10240 : i32
    %mul3A_253 = arith.muli %arg0, %mul3A_252 : i32
    %mul3A_254 = arith.constant 640 : i32
    %mul3A_255 = arith.muli %arg1, %mul3A_254 : i32
    %add3A_256 = arith.addi %mul3A_253, %mul3A_255 : i32
    %add3A_257 = arith.constant 256 : i32
    %add3A_258 = arith.addi %add3A_256, %add3A_257 : i32
    %dma_wait3A_259 = arith.constant 0 : i32
    %dma_wait3A_260 = tpu.memref_slice %arg6[%add3A_258, %dma_wait3A_259] : memref<20480x128xf32, #tpu.memory_space<hbm>> -> memref<128x128xf32, #tpu.memory_space<hbm>>
    %dma_wait3A_261 = arith.constant 0 : i32
    %dma_wait3A_262 = tpu.memref_slice %arg6[%add3A_258, %dma_wait3A_261] : memref<20480x128xf32, #tpu.memory_space<hbm>> -> memref<128x128xf32, #tpu.memory_space<hbm>>
    tpu.wait_dma2 semaphore(%arg12 : memref<!tpu.dma_semaphore, #tpu.memory_space<semaphore_mem>>) src(%arg9 : memref<128x128xf32, #tpu.memory_space<vmem>>) dst(%dma_wait3A_262 : memref<128x128xf32, #tpu.memory_space<hbm>>)
    "tpu.region"() ({
      %run_scoped3A = tpu.sem_alloc : memref<!tpu.dma_semaphore, #tpu.memory_space<semaphore_mem>>
      %dma_start3A_289 = arith.constant 0 : i32
      %dma_start3A_290 = tpu.memref_slice %arg11[%add3A_244, %dma_start3A_289] : memref<10240x128xf32, #tpu.memory_space<vmem_shared>> -> memref<128x128xf32, #tpu.memory_space<vmem_shared>>
      %dma_start3A_291 = arith.constant 0 : i32
      %dma_start3A_292 = tpu.memref_slice %arg11[%add3A_244, %dma_start3A_291] : memref<10240x128xf32, #tpu.memory_space<vmem_shared>> -> memref<128x128xf32, #tpu.memory_space<vmem_shared>>
      tpu.enqueue_dma source(%dma_start3A_292 : memref<128x128xf32, #tpu.memory_space<vmem_shared>>) target(%arg9 : memref<128x128xf32, #tpu.memory_space<vmem>>) target_semaphore(%run_scoped3A : memref<!tpu.dma_semaphore, #tpu.memory_space<semaphore_mem>>)
      %dma_wait3A_293 = arith.constant 0 : i32
      %dma_wait3A_294 = tpu.memref_slice %arg11[%add3A_244, %dma_wait3A_293] : memref<10240x128xf32, #tpu.memory_space<vmem_shared>> -> memref<128x128xf32, #tpu.memory_space<vmem_shared>>
      %dma_wait3A_295 = arith.constant 0 : i32
      %dma_wait3A_296 = tpu.memref_slice %arg11[%add3A_244, %dma_wait3A_295] : memref<10240x128xf32, #tpu.memory_space<vmem_shared>> -> memref<128x128xf32, #tpu.memory_space<vmem_shared>>
      tpu.wait_dma2 semaphore(%run_scoped3A : memref<!tpu.dma_semaphore, #tpu.memory_space<semaphore_mem>>) src(%dma_wait3A_296 : memref<128x128xf32, #tpu.memory_space<vmem_shared>>) dst(%arg9 : memref<128x128xf32, #tpu.memory_space<vmem>>)
      tpu.yield
    }) : () -> ()
    %dma_start3A_263 = arith.constant 0 : i32
    %dma_start3A_264 = tpu.memref_slice %arg6[%add3A_251, %dma_start3A_263] : memref<20480x128xf32, #tpu.memory_space<hbm>> -> memref<128x128xf32, #tpu.memory_space<hbm>>
    %dma_start3A_265 = arith.constant 0 : i32
    %dma_start3A_266 = tpu.memref_slice %arg6[%add3A_251, %dma_start3A_265] : memref<20480x128xf32, #tpu.memory_space<hbm>> -> memref<128x128xf32, #tpu.memory_space<hbm>>
    tpu.enqueue_dma source(%arg9 : memref<128x128xf32, #tpu.memory_space<vmem>>) target(%dma_start3A_266 : memref<128x128xf32, #tpu.memory_space<hbm>>) target_semaphore(%arg12 : memref<!tpu.dma_semaphore, #tpu.memory_space<semaphore_mem>>)
    %mul3A_267 = arith.constant 10240 : i32
    %mul3A_268 = arith.muli %arg0, %mul3A_267 : i32
    %mul3A_269 = arith.constant 640 : i32
    %mul3A_270 = arith.muli %arg1, %mul3A_269 : i32
    %add3A_271 = arith.addi %mul3A_268, %mul3A_270 : i32
    %add3A_272 = arith.constant 384 : i32
    %add3A_273 = arith.addi %add3A_271, %add3A_272 : i32
    %dma_wait3A_274 = arith.constant 0 : i32
    %dma_wait3A_275 = tpu.memref_slice %arg6[%add3A_273, %dma_wait3A_274] : memref<20480x128xf32, #tpu.memory_space<hbm>> -> memref<128x128xf32, #tpu.memory_space<hbm>>
    %dma_wait3A_276 = arith.constant 0 : i32
    %dma_wait3A_277 = tpu.memref_slice %arg6[%add3A_273, %dma_wait3A_276] : memref<20480x128xf32, #tpu.memory_space<hbm>> -> memref<128x128xf32, #tpu.memory_space<hbm>>
    tpu.wait_dma2 semaphore(%arg13 : memref<!tpu.dma_semaphore, #tpu.memory_space<semaphore_mem>>) src(%arg10 : memref<128x128xf32, #tpu.memory_space<vmem>>) dst(%dma_wait3A_277 : memref<128x128xf32, #tpu.memory_space<hbm>>)
    %mul3A_278 = arith.constant 10240 : i32
    %mul3A_279 = arith.muli %arg0, %mul3A_278 : i32
    %mul3A_280 = arith.constant 640 : i32
    %mul3A_281 = arith.muli %arg1, %mul3A_280 : i32
    %add3A_282 = arith.addi %mul3A_279, %mul3A_281 : i32
    %add3A_283 = arith.constant 512 : i32
    %add3A_284 = arith.addi %add3A_282, %add3A_283 : i32
    %dma_wait3A_285 = arith.constant 0 : i32
    %dma_wait3A_286 = tpu.memref_slice %arg6[%add3A_284, %dma_wait3A_285] : memref<20480x128xf32, #tpu.memory_space<hbm>> -> memref<128x128xf32, #tpu.memory_space<hbm>>
    %dma_wait3A_287 = arith.constant 0 : i32
    %dma_wait3A_288 = tpu.memref_slice %arg6[%add3A_284, %dma_wait3A_287] : memref<20480x128xf32, #tpu.memory_space<hbm>> -> memref<128x128xf32, #tpu.memory_space<hbm>>
    tpu.wait_dma2 semaphore(%arg12 : memref<!tpu.dma_semaphore, #tpu.memory_space<semaphore_mem>>) src(%arg9 : memref<128x128xf32, #tpu.memory_space<vmem>>) dst(%dma_wait3A_288 : memref<128x128xf32, #tpu.memory_space<hbm>>)
    return
  }
}

module attributes {stable_mosaic.version = 14 : i64} {
  func.func @_tc_layer1(%arg0: memref<20480x128xf32, #tpu.memory_space<vmem>>, %arg1: memref<20480x128xf32, #tpu.memory_space<vmem>>, %arg2: memref<10000x128xf32, #tpu.memory_space<vmem>>, %arg3: memref<128x128xf32, #tpu.memory_space<vmem>>, %arg4: memref<128xf32, #tpu.memory_space<vmem>>, %arg5: memref<128x128xf32, #tpu.memory_space<vmem>>, %arg6: memref<10000x128xf32, #tpu.memory_space<vmem>>, %arg7: memref<10000x1xf32, #tpu.memory_space<vmem>>) attributes {dimension_semantics = [], scalar_prefetch = 0 : i64, scratch_operands = 0 : i64, tpu.core_type = #tpu.core_type<tc>} {
    %get3A = arith.constant 0 : index
    %get3A_0 = arith.constant 0 : index
    %get3A_1 = vector.load %arg1[%get3A, %get3A_0] : memref<20480x128xf32, #tpu.memory_space<vmem>>, vector<10000x1xf32>
    %get3A_2 = arith.constant 10240 : index
    %get3A_3 = arith.constant 0 : index
    %get3A_4 = vector.load %arg1[%get3A_2, %get3A_3] : memref<20480x128xf32, #tpu.memory_space<vmem>>, vector<10000x1xf32>
    %add3A = arith.addf %get3A_1, %get3A_4 : vector<10000x1xf32>
    %max3A = arith.constant 1.000000e+00 : f32
    %max3A_5 = vector.broadcast %max3A : f32 to vector<10000x1xf32>
    %max3A_6 = arith.maximumf %add3A, %max3A_5 : vector<10000x1xf32>
    %div3A = arith.constant 1.000000e+00 : f32
    %div3A_7 = vector.broadcast %div3A : f32 to vector<10000x1xf32>
    %div3A_8 = arith.divf %div3A_7, %max3A_6 : vector<10000x1xf32>
    %swap3A = arith.constant 0 : index
    %swap3A_9 = arith.constant 0 : index
    %swap3A_10 = vector.load %arg7[%swap3A, %swap3A_9] : memref<10000x1xf32, #tpu.memory_space<vmem>>, vector<10000x1xf32>
    tpu.vector_store %arg7[%swap3A, %swap3A_9], %div3A_8 {strides = array<i32>} : memref<10000x1xf32, #tpu.memory_space<vmem>>, vector<10000x1xf32>,
    %get3A_11 = arith.constant 0 : index
    %get3A_12 = arith.constant 0 : index
    %get3A_13 = vector.load %arg0[%get3A_11, %get3A_12] : memref<20480x128xf32, #tpu.memory_space<vmem>>, vector<10000x128xf32>
    %get3A_14 = arith.constant 10240 : index
    %get3A_15 = arith.constant 0 : index
    %get3A_16 = vector.load %arg0[%get3A_14, %get3A_15] : memref<20480x128xf32, #tpu.memory_space<vmem>>, vector<10000x128xf32>
    %add3A_17 = arith.addf %get3A_13, %get3A_16 : vector<10000x128xf32>
    %get3A_18 = arith.constant 0 : index
    %get3A_19 = arith.constant 0 : index
    %get3A_20 = vector.load %arg3[%get3A_18, %get3A_19] : memref<128x128xf32, #tpu.memory_space<vmem>>, vector<128x128xf32>
    %dot_general3A = arith.constant dense<0.000000e+00> : vector<10000x128xf32>
    %dot_general3A_21 = tpu.matmul %add3A_17, %get3A_20, %dot_general3A {dimension_numbers = #tpu.dot_dimension_numbers<[1], [0], [0], [1], [0, 0, 1, 1], [], []>, transpose_lhs_hint = false} : vector<10000x128xf32>, vector<128x128xf32>, vector<10000x128xf32> -> vector<10000x128xf32>
    %mul3A = vector.broadcast %div3A_8 : vector<10000x1xf32> to vector<10000x128xf32>
    %mul3A_22 = arith.mulf %dot_general3A_21, %mul3A : vector<10000x128xf32>
    %get3A_23 = arith.constant 0 : index
    %get3A_24 = vector.load %arg4[%get3A_23] : memref<128xf32, #tpu.memory_space<vmem>>, vector<128xf32>
    %broadcast_in_dim3A = vector.shape_cast %get3A_24 : vector<128xf32> to vector<1x128xf32>
    %add3A_25 = vector.broadcast %broadcast_in_dim3A : vector<1x128xf32> to vector<10000x128xf32>
    %add3A_26 = arith.addf %mul3A_22, %add3A_25 : vector<10000x128xf32>
    %get3A_27 = arith.constant 0 : index
    %get3A_28 = arith.constant 0 : index
    %get3A_29 = vector.load %arg2[%get3A_27, %get3A_28] : memref<10000x128xf32, #tpu.memory_space<vmem>>, vector<10000x128xf32>
    %get3A_30 = arith.constant 0 : index
    %get3A_31 = arith.constant 0 : index
    %get3A_32 = vector.load %arg5[%get3A_30, %get3A_31] : memref<128x128xf32, #tpu.memory_space<vmem>>, vector<128x128xf32>
    %dot_general3A_33 = arith.constant dense<0.000000e+00> : vector<10000x128xf32>
    %dot_general3A_34 = tpu.matmul %get3A_29, %get3A_32, %dot_general3A_33 {dimension_numbers = #tpu.dot_dimension_numbers<[1], [0], [0], [1], [0, 0, 1, 1], [], []>, transpose_lhs_hint = false} : vector<10000x128xf32>, vector<128x128xf32>, vector<10000x128xf32> -> vector<10000x128xf32>
    %add3A_35 = arith.addf %add3A_26, %dot_general3A_34 : vector<10000x128xf32>
    %max3A_36 = arith.constant 0.000000e+00 : f32
    %max3A_37 = vector.broadcast %max3A_36 : f32 to vector<10000x128xf32>
    %max3A_38 = arith.maximumf %add3A_35, %max3A_37 : vector<10000x128xf32>
    %swap3A_39 = arith.constant 0 : index
    %swap3A_40 = arith.constant 0 : index
    %swap3A_41 = vector.load %arg6[%swap3A_39, %swap3A_40] : memref<10000x128xf32, #tpu.memory_space<vmem>>, vector<10000x128xf32>
    tpu.vector_store %arg6[%swap3A_39, %swap3A_40], %max3A_38 {strides = array<i32>} : memref<10000x128xf32, #tpu.memory_space<vmem>>, vector<10000x128xf32>,
    return
  }
}

module attributes {stable_mosaic.version = 14 : i64} {
  func.func @_tc_layer2(%arg0: memref<20480x128xf32, #tpu.memory_space<vmem>>, %arg1: memref<10000x1xf32, #tpu.memory_space<vmem>>, %arg2: memref<10000x128xf32, #tpu.memory_space<vmem>>, %arg3: memref<128x128xf32, #tpu.memory_space<vmem>>, %arg4: memref<128xf32, #tpu.memory_space<vmem>>, %arg5: memref<128x128xf32, #tpu.memory_space<vmem>>, %arg6: memref<128x64xf32, #tpu.memory_space<vmem>>, %arg7: memref<64xf32, #tpu.memory_space<vmem>>, %arg8: memref<10000x128xf32, #tpu.memory_space<vmem>>, %arg9: memref<10000x64xf32, #tpu.memory_space<vmem>>) attributes {dimension_semantics = [], scalar_prefetch = 0 : i64, scratch_operands = 0 : i64, tpu.core_type = #tpu.core_type<tc>} {
    %get3A = arith.constant 0 : index
    %get3A_0 = arith.constant 0 : index
    %get3A_1 = vector.load %arg1[%get3A, %get3A_0] : memref<10000x1xf32, #tpu.memory_space<vmem>>, vector<10000x1xf32>
    %get3A_2 = arith.constant 0 : index
    %get3A_3 = arith.constant 0 : index
    %get3A_4 = vector.load %arg0[%get3A_2, %get3A_3] : memref<20480x128xf32, #tpu.memory_space<vmem>>, vector<10000x128xf32>
    %get3A_5 = arith.constant 10240 : index
    %get3A_6 = arith.constant 0 : index
    %get3A_7 = vector.load %arg0[%get3A_5, %get3A_6] : memref<20480x128xf32, #tpu.memory_space<vmem>>, vector<10000x128xf32>
    %add3A = arith.addf %get3A_4, %get3A_7 : vector<10000x128xf32>
    %get3A_8 = arith.constant 0 : index
    %get3A_9 = arith.constant 0 : index
    %get3A_10 = vector.load %arg3[%get3A_8, %get3A_9] : memref<128x128xf32, #tpu.memory_space<vmem>>, vector<128x128xf32>
    %dot_general3A = arith.constant dense<0.000000e+00> : vector<10000x128xf32>
    %dot_general3A_11 = tpu.matmul %add3A, %get3A_10, %dot_general3A {dimension_numbers = #tpu.dot_dimension_numbers<[1], [0], [0], [1], [0, 0, 1, 1], [], []>, transpose_lhs_hint = false} : vector<10000x128xf32>, vector<128x128xf32>, vector<10000x128xf32> -> vector<10000x128xf32>
    %mul3A = vector.broadcast %get3A_1 : vector<10000x1xf32> to vector<10000x128xf32>
    %mul3A_12 = arith.mulf %dot_general3A_11, %mul3A : vector<10000x128xf32>
    %get3A_13 = arith.constant 0 : index
    %get3A_14 = vector.load %arg4[%get3A_13] : memref<128xf32, #tpu.memory_space<vmem>>, vector<128xf32>
    %broadcast_in_dim3A = vector.shape_cast %get3A_14 : vector<128xf32> to vector<1x128xf32>
    %add3A_15 = vector.broadcast %broadcast_in_dim3A : vector<1x128xf32> to vector<10000x128xf32>
    %add3A_16 = arith.addf %mul3A_12, %add3A_15 : vector<10000x128xf32>
    %get3A_17 = arith.constant 0 : index
    %get3A_18 = arith.constant 0 : index
    %get3A_19 = vector.load %arg2[%get3A_17, %get3A_18] : memref<10000x128xf32, #tpu.memory_space<vmem>>, vector<10000x128xf32>
    %get3A_20 = arith.constant 0 : index
    %get3A_21 = arith.constant 0 : index
    %get3A_22 = vector.load %arg5[%get3A_20, %get3A_21] : memref<128x128xf32, #tpu.memory_space<vmem>>, vector<128x128xf32>
    %dot_general3A_23 = arith.constant dense<0.000000e+00> : vector<10000x128xf32>
    %dot_general3A_24 = tpu.matmul %get3A_19, %get3A_22, %dot_general3A_23 {dimension_numbers = #tpu.dot_dimension_numbers<[1], [0], [0], [1], [0, 0, 1, 1], [], []>, transpose_lhs_hint = false} : vector<10000x128xf32>, vector<128x128xf32>, vector<10000x128xf32> -> vector<10000x128xf32>
    %add3A_25 = arith.addf %add3A_16, %dot_general3A_24 : vector<10000x128xf32>
    %max3A = arith.constant 0.000000e+00 : f32
    %max3A_26 = vector.broadcast %max3A : f32 to vector<10000x128xf32>
    %max3A_27 = arith.maximumf %add3A_25, %max3A_26 : vector<10000x128xf32>
    %swap3A = arith.constant 0 : index
    %swap3A_28 = arith.constant 0 : index
    %swap3A_29 = vector.load %arg8[%swap3A, %swap3A_28] : memref<10000x128xf32, #tpu.memory_space<vmem>>, vector<10000x128xf32>
    tpu.vector_store %arg8[%swap3A, %swap3A_28], %max3A_27 {strides = array<i32>} : memref<10000x128xf32, #tpu.memory_space<vmem>>, vector<10000x128xf32>,
    %get3A_30 = arith.constant 0 : index
    %get3A_31 = arith.constant 0 : index
    %get3A_32 = vector.load %arg6[%get3A_30, %get3A_31] : memref<128x64xf32, #tpu.memory_space<vmem>>, vector<128x64xf32>
    %dot_general3A_33 = arith.constant dense<0.000000e+00> : vector<10000x64xf32>
    %dot_general3A_34 = tpu.matmul %max3A_27, %get3A_32, %dot_general3A_33 {dimension_numbers = #tpu.dot_dimension_numbers<[1], [0], [0], [1], [0, 0, 1, 1], [], []>, transpose_lhs_hint = false} : vector<10000x128xf32>, vector<128x64xf32>, vector<10000x64xf32> -> vector<10000x64xf32>
    %get3A_35 = arith.constant 0 : index
    %get3A_36 = vector.load %arg7[%get3A_35] : memref<64xf32, #tpu.memory_space<vmem>>, vector<64xf32>
    %broadcast_in_dim3A_37 = vector.shape_cast %get3A_36 : vector<64xf32> to vector<1x64xf32>
    %add3A_38 = vector.broadcast %broadcast_in_dim3A_37 : vector<1x64xf32> to vector<10000x64xf32>
    %add3A_39 = arith.addf %dot_general3A_34, %add3A_38 : vector<10000x64xf32>
    %swap3A_40 = arith.constant 0 : index
    %swap3A_41 = arith.constant 0 : index
    %swap3A_42 = vector.load %arg9[%swap3A_40, %swap3A_41] : memref<10000x64xf32, #tpu.memory_space<vmem>>, vector<10000x64xf32>
    tpu.vector_store %arg9[%swap3A_40, %swap3A_41], %add3A_39 {strides = array<i32>} : memref<10000x64xf32, #tpu.memory_space<vmem>>, vector<10000x64xf32>,
    return
  }
}

</mosaic_0001>

<sc_bundles>
// kernel: kernel.10.cloned.1.call-start
scs
__scs_entry_jumppad:
0x0: {  	(pc) =	sbr.rel $0x88, $3  }
0x1: {  	(tag) =	ssettag $0x0;
	lr =	simm.s32 $0x1  }
0x2: {  	[smem:$0x3F97] =	sst lr;
	_ =	strace $0xD0000000  }
0x3: {  	_ = 	snop  }
0x4: {  	_ = 	snop  }
0x5: {  	_ = 	snop  }
0x6: {  	_ = 	snop  }
0x7: {  	_ = 	snop  }
__scs_overlays_trampoline_lowered:
0x8: {  	[smem:$0x3FA6] =	sst s0  }
0x9: {  	[smem:$0x3FA7] =	sst s1  }
0xa: {  	[smem:$0x3FA8] =	sst s2  }
0xb: {  	[smem:$0x3FA9] =	sst s3  }
0xc: {  	[smem:$0x3FAA] =	sst s4  }
0xd: {  	[smem:$0x3FAB] =	sst s5  }
0xe: {  	[smem:$0x3FAC] =	sst s6  }
0xf: {  	[smem:$0x3FAD] =	sst s7  }
0x10: {  	[smem:$0x3FAE] =	sst s8  }
0x11: {  	[smem:$0x3FAF] =	sst s9;
	s0 =	simm.s32 @!p0 $0x0  }
0x12: {  	s1 =	sld [smem:$0x3F95];
	s0 =	simm.s32 @p0 $0x1  }
0x13: {  	[smem:$0x3FB0] =	sst s0;
	s0 =	simm.s32 @!p1 $0x0  }
0x14: {  	s2 =	sld [smem:$0x3F94];
	s0 =	simm.s32 @p1 $0x1  }
0x15: {  	[smem:$0x3FB1] =	sst s0;
	s0 =	simm.s32 @!p2 $0x0  }
0x16: {  	s3 =	sld [smem:$0x3FDB];
	s0 =	simm.s32 @p2 $0x1  }
0x17: {  	s4 =	simm.s32 $0x1BF5;
	[smem:$0x3FB3] =	sst s0  }
0x18: {  	s0 =	sld [smem:$0x3F96];
	_ =	swait.ge [sflag:s4], $0x0  }
0x19: {  	s7 =	sld [smem:$0x3F97]  }
0x1a: {  	s8 =	sadd.s32 $0xFFFFE003, lr  }
0x1b: {  	s9 =	sadd.s32 $0xFFFFFEF7, lr;
	s5 =	simm.s32 $0xFFFFFFFF;
	p2 =	slt.u32 s8, $0xFFFFF086  }
0x1c: {  	p1 =	slt.u32 s9, $0xF7A;
	s5 =	simm.s32 @!p2 $0x0  }
0x1d: {  	s5 =	simm.s32 @p1 $0x1;
	p0 =	seq.s32 s7, s2  }
0x1e: {  	s7 =	smul.u32 @!p0 $0xF7A, s2;
	p2 =	seq.s32 @!p0 s5, $0x0  }
0x1f: {  	s9 =	smul.u32 $0xF7A, s1;
	s8 =	simm.s32 @!p0 $0x1BF5;
	p2 =	por !p2, p0  }
0x20: {  	[sflag:s8] =	ssyncset.s32 @!p0 $0xFFFFF086;
	s6 =	sadd.s32 @!p0 s3, s7;
	s7 =	simm.s32 @!p0 $0x108  }
0x21: {  	s3 =	sadd.s32 s3, s9;
	s6 =	sadd.s32 @!p0 $0x88, s6;
	s7 =	simm.s32 @p2 $0x1082  }
0x22: {  	[simem:s7], [sflag:s8] =	dma.local @!p0 [hbm:s6], $0xF7A  }
0x23: {  	s9 =	sor.u32 $0xD0000000, s2;
	s6 =	simm.s32 $0x108;
	_ =	swait.ge @!p0 [sflag:s8], $0x0  }
0x24: {  	s3 =	sadd.s32 $0x88, s3;
	s6 =	simm.s32 @!p1 $0x1082;
	[sflag:s4] =	ssyncset.s32 $0xFFFFF086  }
0x25: {  	[simem:s6], [sflag:s4] =	dma.local [hbm:s3], $0xF7A  }
0x26: {  	[smem:$0x3F97] =	sst s1;
	(tag) =	ssettag s2;
	_ =	strace s9  }
0x27: {  	s1 =	sld [smem:$0x3FA7]  }
0x28: {  	s2 =	sld [smem:$0x3FA8]  }
0x29: {  	s4 =	sld [smem:$0x3FAA]  }
0x2a: {  	p0 =	seq.s32 s5, $0x0;
	s5 =	sld [smem:$0x3FAB]  }
0x2b: {  	s6 =	sld [smem:$0x3FAC]  }
0x2c: {  	s7 =	sld [smem:$0x3FAD]  }
0x2d: {  	s3 =	simm.s32 $0x108;
	s8 =	sld [smem:$0x3FAE]  }
0x2e: {  	s3 =	simm.s32 @!p0 $0x1082;
	s9 =	sld [smem:$0x3FAF]  }
0x2f: {  	lr =	sadd.s32 s0, s3;
	s0 =	sld [smem:$0x3FA6]  }
0x30: {  	s3 =	sld [smem:$0x3FA9]  }
0x31: {  	[smem:$0x3FB2] =	sst s10  }
0x32: {  	s10 =	sld [smem:$0x3FB0];
	_ =	sdelay $0x3  }
0x33: {  	p0 =	seq.s32 s10, $0x1;
	s10 =	sld [smem:$0x3FB2];
	_ =	sdelay $0x3  }
0x34: {  	[smem:$0x3FB2] =	sst s10  }
0x35: {  	s10 =	sld [smem:$0x3FB1];
	_ =	sdelay $0x3  }
0x36: {  	p1 =	seq.s32 s10, $0x1;
	s10 =	sld [smem:$0x3FB2];
	_ =	sdelay $0x3  }
0x37: {  	[smem:$0x3FB2] =	sst s10  }
0x38: {  	s10 =	sld [smem:$0x3FB3]  }
0x39: {  	_ = 	snop;
	(pc) =	sbr.ind lr, $3  }
0x3a: {  	_ = 	snop  }
0x3b: {  	_ = 	snop  }
0x3c: {  	p2 =	seq.s32 s10, $0x1;
	s10 =	sld [smem:$0x3FB2]  }
0x3d: {  	_ =	shalt  }
0x3e: {  	_ =	shalt  }
0x3f: {  	_ =	shalt  }
0x40: {  	_ =	shalt  }
0x41: {  	_ =	shalt  }
0x42: {  	_ =	shalt  }
0x43: {  	_ =	shalt  }
0x44: {  	_ =	shalt  }
0x45: {  	_ =	shalt  }
0x46: {  	_ =	shalt  }
0x47: {  	_ =	shalt  }
0x48: {  	_ =	shalt  }
0x49: {  	_ =	shalt  }
0x4a: {  	_ =	shalt  }
0x4b: {  	_ =	shalt  }
0x4c: {  	_ =	shalt  }
0x4d: {  	_ =	shalt  }
0x4e: {  	_ =	shalt  }
0x4f: {  	_ =	shalt  }
0x50: {  	_ =	shalt  }
0x51: {  	_ =	shalt  }
0x52: {  	_ =	shalt  }
0x53: {  	_ =	shalt  }
0x54: {  	_ =	shalt  }
0x55: {  	_ =	shalt  }
0x56: {  	_ =	shalt  }
0x57: {  	_ =	shalt  }
0x58: {  	_ =	shalt  }
0x59: {  	_ =	shalt  }
0x5a: {  	_ =	shalt  }
0x5b: {  	_ =	shalt  }
0x5c: {  	_ =	shalt  }
0x5d: {  	_ =	shalt  }
0x5e: {  	_ =	shalt  }
0x5f: {  	_ =	shalt  }
0x60: {  	_ =	shalt  }
0x61: {  	_ =	shalt  }
0x62: {  	_ =	shalt  }
0x63: {  	_ =	shalt  }
0x64: {  	_ =	shalt  }
0x65: {  	_ =	shalt  }
0x66: {  	_ =	shalt  }
0x67: {  	_ =	shalt  }
0x68: {  	_ =	shalt  }
0x69: {  	_ =	shalt  }
0x6a: {  	_ =	shalt  }
0x6b: {  	_ =	shalt  }
0x6c: {  	_ =	shalt  }
0x6d: {  	_ =	shalt  }
0x6e: {  	_ =	shalt  }
0x6f: {  	_ =	shalt  }
0x70: {  	_ =	shalt  }
0x71: {  	_ =	shalt  }
0x72: {  	_ =	shalt  }
0x73: {  	_ =	shalt  }
0x74: {  	_ =	shalt  }
0x75: {  	_ =	shalt  }
0x76: {  	_ =	shalt  }
0x77: {  	_ =	shalt  }
0x78: {  	_ =	shalt  }
0x79: {  	_ =	shalt  }
0x7a: {  	_ =	shalt  }
0x7b: {  	_ =	shalt  }
0x7c: {  	_ =	shalt  }
0x7d: {  	_ =	shalt  }
0x7e: {  	_ =	shalt  }
0x7f: {  	_ =	shalt  }
0x80: {  	_ =	shalt  }
0x81: {  	_ =	shalt  }
0x82: {  	_ =	shalt  }
0x83: {  	_ =	shalt  }
0x84: {  	_ =	shalt  }
0x85: {  	_ =	shalt  }
0x86: {  	_ =	shalt  }
0x87: {  	_ =	shalt  }
.Lfunc_end0:
.L_simem_size_0:
called_computation.1_lowered:
.L_overlay_start_0:
0x88: {  	s2 =	sld [smem:$0x3FD9]  }
0x89: {  	s3 =	sld [smem:$0x3FFE];
	_ =	sdelay $0x1  }
0x8a: {  	s1 =	srdreg.scid  }
0x8b: {  	s0 =	sand.u32 $0x1, s1  }
0x8c: {  	s14 =	sshll.u32 s0, $0xA;
	s2 =	sadd.s32 s3, s2  }
0x8d: {  	s2 =	sadd.s32 s2, s14  }
0x8e: {  	[smem:$0x3FBE] =	sst s2  }
0x8f: {  	_ = 	snop  }
0x90: {  	s2 =	sld [smem:$0x3FD0];
	_ =	sdelay $0x2  }
0x91: {  	s4 =	simm.s32 $0xB;
	s5 =	simm.s32 $0x10;
	s15 =	sld [smem:$0x3FC9]  }
0x92: {  	[smem:s5], [sflag:s4] =	dma.local [hbm:s2], $0x1  }
0x93: {  	_ =	swait.eq [sflag:s4], $0x1  }
0x94: {  	[sflag:s4] =	ssyncset.done $0x0  }
0x95: {  	[sflag:s4] =	ssyncadd.s32 $0xFFFFFFFF  }
0x96: {  	s16 =	sld [smem:$0x10];
	(tm) =	ssettm $0x1  }
0x97: {  	s17 =	sld [smem:$0x3FFB];
	_ =	sdelay $0x3  }
0x98: {  	_ =	strace s17  }
0x99: {  	s4 =	sld [smem:$0x3FFC];
	_ =	sdelay $0x3  }
0x9a: {  	_ =	strace s4  }
0x9b: {  	s4 =	sld [smem:$0x3FFD];
	_ =	sdelay $0x3  }
0x9c: {  	_ =	strace s4  }
0x9d: {  	_ =	strace $0x8FFFFFFF  }
0x9e: {  	s18 =	sld [smem:$0x3FDB];
	_ =	sdelay $0x1  }
0x9f: {  	s19 =	simm.s32 $_scs_section_size  }
0xa0: {  	s6 =	simm.s32 $_size__tile_overlayer_lowered;
	s7 =	simm.s32 $_tile_overlayer_lowered  }
0xa1: {  	s22 =	simm.s32 $0x1BFF;
	s21 =	sshll.u32 s7, $0x1;
	s4 =	sadd.s32 s19, s18  }
0xa2: {  	s8 =	simm.s32 $0x0;
	s20 =	sshll.u32 s6, $0x1;
	s6 =	sadd.s32 s21, s4  }
0xa3: {  	[timem:s8], [sflag:s22] =	dma.local [hbm:s6], s20  }
0xa4: {  	_ =	swait.ge [sflag:s22], s20  }
0xa5: {  	s5 =	ssub.s32 $0x0, s20;
	[sflag:s22] =	ssyncset.done $0x0  }
0xa6: {  	[sflag:s22] =	ssyncadd.s32 s5;
	_ =	sdelay $0x1  }
0xa7: {  	s23 =	simm.s32 $0x1B8B  }
0xa8: {  	_ =	swait.ge [sflag:s23], $0x1  }
0xa9: {  	[sflag:s23] =	ssyncset.done $0x0  }
0xaa: {  	s25 =	simm.s32 $0x1B8E;
	s24 =	sld [smem:$0x3FFE];
	[sflag:s23] =	ssyncadd.s32 $0xFFFFFFFF  }
0xab: {  	s26 =	simm.s32 $execute0_lowered;
	[smem:$0x3FD2] =	sst s25  }
0xac: {  	s6 =	sshll.u32 s26, $0x1;
	_ =	strace $0x80000046;
	[dreg:$0x1] =	wrdreg $0xFFFFFFFF  }
0xad: {  	s28 =	simm.s32 $_size_execute0_lowered;
	s4 =	sadd.s32 s4, s6;
	[dreg:$0x0] =	wrdreg $0x0  }
0xae: {  	s6 =	sshll.u32 s28, $0x1;
	[dreg:$0x2] =	wrdreg s4  }
0xaf: {  	[dreg:$0x3] =	wrdreg s6  }
0xb0: {  	[dreg:$0x4] =	wrdreg $0xC0  }
0xb1: {  	_ =	task [dreg:s8], $0x5FFFF  }
0xb2: {  	[dreg:$0x1] =	wrdreg $0xFFFFFFFF  }
0xb3: {  	[dreg:$0x0] =	wrdreg $0x60  }
0xb4: {  	[dreg:$0x2] =	wrdreg s15  }
0xb5: {  	[dreg:$0x3] =	wrdreg s16  }
0xb6: {  	[dreg:$0x4] =	wrdreg s24  }
0xb7: {  	[dreg:$0x5] =	wrdreg $0xA8000  }
0xb8: {  	[dreg:$0x6] =	wrdreg $0xA  }
0xb9: {  	_ =	task.clear_ibuf [dreg:s8], $0x7FFFF;
	_ =	strace $0x90000046  }
0xba: {  	s29 =	simm.s32 $0xA;
	_ =	strace $0x80000048  }
0xbb: {  	_ =	swait.ge [sflag:s29], $0x1  }
0xbc: {  	[sflag:s29] =	ssyncadd.s32 $0xFFFFFFFF  }
0xbd: {  	_ =	strace $0x90000048  }
0xbe: {  	_ =	sfence  }
0xbf: {  	s30 =	sld [smem:$0x0];
	_ =	sdelay $0x2  }
0xc0: {  	s31 =	sshll.u32 s1, $0xD;
	s1 =	sshrl.u32 s1, $0x2  }
0xc1: {  	s3 =	sand.u32 $0x4000, s31;
	s1 =	sadd.s32 s1, s30  }
0xc2: {  	s0 =	sor.u32 s3, s0;
	s1 =	sshll.u32 s1, $0x11  }
0xc3: {  	s0 =	sor.u32 s1, s0  }
0xc4: {  	s0 =	sadd.s32 $0x8F2B, s0  }
0xc5: {  	[sflag:s0] =	ssyncadd.remote.s32 $0x1  }
0xc6: {  	_ =	sfence.sel $0xFFFF  }
0xc7: {  	[dreg:$0x0] =	wrdreg $0xFFFFFFFF;
	(pc) =	sbr.abs _section_cstart, $3  }
0xc8: {  	[dreg:$0x1] =	wrdreg $0xFFFFFFFF  }
0xc9: {  	_ =	task.clear_ibuf [dreg:s8], $0x2FFFF;
	_ =	strace $0x9FFFFFFF  }
0xca: {  	(tm) =	ssettm $0x7FFFFFFF  }
0xcb: {  	_ =	shalt  }
tec
execute0_lowered:
.L_overlay_start_1:
0x0: {  	(tag) =	ssettag $0x1  }
0x1: {  	s1 =	rddreg [dreg:$0x0]  }
0x2: {  	s0 =	rddreg [dreg:$0x1]  }
0x3: {  	s2 =	rddreg [dreg:$0x2];
	s4 =	srdreg.scid  }
0x4: {  	s8 =	stileid.u32;
	s3 =	rddreg [dreg:$0x3];
	s21 =	simm.s32 $0x2800  }
0x5: {  	s28 =	simm.s32 $0x3;
	s29 =	simm.s32 $0x2;
	s30 =	simm.s32 $0x4  }
0x6: {  	s31 =	simm.s32 $0x2700;
	s5 =	sand.u32 $0x1, s4;
	s6 =	smul.u32 $0x280, s8  }
0x7: {  	s4 =	simm.s32 $0x0;
	s11 =	sadd.s32 $0x2C00, s2;
	s22 =	smul.u32 $0x50000, s8  }
0x8: {  	s9 =	sadd.s32 $0xCC00, s2;
	s23 =	sshll.u32 s8, $0x1;
	s7 =	smul.u32 $0x2800, s5  }
0x9: {  	[smem:$0x7FF] =	sst s4;
	s24 =	ssub.s32 $0x2, s5;
	s5 =	sor.u32 s5, s23  }
0xa: {  	s23 =	simm.s32 $0x1400;
	_ =	strace $0x80000047;
	[dreg:$0x5] =	wrdreg s9  }
0xb: {  	s25 =	sshrl.u32 s22, $0x2;
	s26 =	sshrl.u32 s24, $0x1;
	s10 =	smul.u32 $0x2800, s5  }
0xc: {  	s5 =	smul.u32 $0x500, s5;
	s22 =	simm.s32 $0x5;
	s6 =	sadd.s32 s6, s7  }
0xd: {  	s20 =	ssub.s32 s24, s26;
	s24 =	simm.s32 $0x80;
	s26 =	simm.s32 $0x1  }
0xe: {  	s6 =	sshll.u32 s6, $0x4;
	s12 =	sshrl.u32 s10, $0x3;
	s13 =	sadd.s32 s0, s5  }
0xf: {  	s5 =	sadd.s32 s11, s5;
	s20 =	smax.u32 s20, $0x1;
	s2 =	sadd.s32 s6, s2  }
0x10: {  	s6 =	sadd.s32 s25, s3;
	[dreg:$0x6] =	wrdreg s13;
	s14 =	sadd.s32 $0x280, s12  }
0x11: {  	[dreg:$0x7] =	wrdreg s5;
	s25 =	simm.s32 $0x6800;
	s7 =	sadd.s32 $0x4000, s6  }
0x12: {  	s8 =	sadd.s32 $0x8000, s6;
	s9 =	sadd.s32 $0xC000, s6;
	s10 =	sadd.s32 $0x10000, s6  }
0x13: {  	s13 =	sadd.s32 s0, s14;
	s14 =	sadd.s32 s11, s14;
	s15 =	sadd.s32 $0xD400, s2  }
0x14: {  	s16 =	sadd.s32 $0xDC00, s2;
	s17 =	sadd.s32 $0xE400, s2;
	s18 =	sadd.s32 $0xEC00, s2  }
0x15: {  	s19 =	sadd.s32 $0xF400, s2;
	s2 =	simm.s32 $0x2780;
	s0 =	simm.s32 $0x0  }
.LBB2_1:
0x16: {  	s5 =	rddreg [dreg:$0x5]  }
0x17: {  	[tilespmem:s21], [sflag:$0x5] =	stream.linear.gather [hbm4b:s5+s4], $0x4000, $0x38;
	[tilespmem:$0x1E800] =	vst v63  }
0x18: {  	_ =	swait.ge [sflag:s22], $0x4000  }
0x19: {  	[sflag:s22] =	ssyncset.done $0x0  }
0x1a: {  	[sflag:s22] =	ssyncadd.s32 $0xFFFFC000  }
0x1b: {  	[spmem:s6] =	stream.linear.scatter [tilespmem:s21], [sflag:$0x5], $0x4000, $0x38;
	[tilespmem:$0x1E800] =	vst v63  }
0x1c: {  	_ =	swait.ge [sflag:s22], $0x4000  }
0x1d: {  	[sflag:s22] =	ssyncset.done $0x0  }
0x1e: {  	[sflag:s22] =	ssyncadd.s32 $0xFFFFC000  }
0x1f: {  	[spmem:s7] =	stream.linear.scatter [tilespmem:s21], [sflag:$0x5], $0x4000, $0x38;
	[tilespmem:$0x1E800] =	vst v63  }
0x20: {  	_ =	swait.ge [sflag:s22], $0x4000  }
0x21: {  	[sflag:s22] =	ssyncset.done $0x0  }
0x22: {  	[sflag:s22] =	ssyncadd.s32 $0xFFFFC000  }
0x23: {  	[spmem:s8] =	stream.linear.scatter [tilespmem:s21], [sflag:$0x5], $0x4000, $0x38;
	[tilespmem:$0x1E800] =	vst v63  }
0x24: {  	_ =	swait.ge [sflag:s22], $0x4000  }
0x25: {  	[sflag:s22] =	ssyncset.done $0x0  }
0x26: {  	[sflag:s22] =	ssyncadd.s32 $0xFFFFC000  }
0x27: {  	[spmem:s9] =	stream.linear.scatter [tilespmem:s21], [sflag:$0x5], $0x4000, $0x38;
	[tilespmem:$0x1E800] =	vst v63  }
0x28: {  	_ =	swait.ge [sflag:s22], $0x4000  }
0x29: {  	[sflag:s22] =	ssyncset.done $0x0  }
0x2a: {  	[sflag:s22] =	ssyncadd.s32 $0xFFFFC000  }
0x2b: {  	[spmem:s10] =	stream.linear.scatter [tilespmem:s21], [sflag:$0x5], $0x4000, $0x38;
	[tilespmem:$0x1E800] =	vst v63  }
0x2c: {  	_ =	swait.ge [sflag:s22], $0x4000  }
0x2d: {  	[sflag:s22] =	ssyncset.done $0x0  }
0x2e: {  	[sflag:s22] =	ssyncadd.s32 $0xFFFFC000  }
0x2f: {  	[bflag:$0x0] =	sbarrier.arrive $0xFFFF  }
0x30: {  	s12 =	rddreg [dreg:$0x6]  }
0x31: {  	[tilespmem:s4], [sflag:$0x5] =	stream.linear.gather [hbm4b:s12+s4], $0x1400, $0x38;
	[tilespmem:$0x1E800] =	vst v63  }
0x32: {  	_ =	swait.ge [sflag:s22], $0x1400  }
0x33: {  	[sflag:s22] =	ssyncset.done $0x0  }
0x34: {  	s11 =	rddreg [dreg:$0x7];
	[sflag:s22] =	ssyncadd.s32 $0xFFFFEC00  }
0x35: {  	[tilespmem:s23], [sflag:$0x5] =	stream.linear.gather [hbm4b:s11+s4], $0x1400, $0x38;
	[tilespmem:$0x1E800] =	vst v63  }
0x36: {  	_ =	swait.ge [sflag:s22], $0x1400  }
0x37: {  	[sflag:s22] =	ssyncset.done $0x0  }
0x38: {  	[sflag:s22] =	ssyncadd.s32 $0xFFFFEC00  }
0x39: {  	[tilespmem:s21], [sflag:$0x1] =	stream.indirect.gather [hbm4b:s1+s24], $0x80, s4, s24, $0xb8;
	[tilespmem:$0x1E800] =	vst v63  }
0x3a: {  	_ = 	snop  }
0x3b: {  	[tilespmem:s25], [sflag:$0x2] =	stream.indirect.gather [hbm4b:s1+s24], $0x80, s24, s24, $0xb8;
	[tilespmem:$0x1E800] =	vst v63  }
0x3c: {  	_ =	swait.ge [sflag:s26], $0x4000  }
0x3d: {  	[sflag:s26] =	ssyncset.done $0x0  }
0x3e: {  	s12 =	simm.s32 $0x1400;
	[sflag:s26] =	ssyncadd.s32 $0xFFFFC000  }
0x3f: {  	[spmem:s3] =	stream.indirect.scatter.add.f32 [tilespmem:s21], [sflag:$0x3], $0x80, s12, s24, $0xb8;
	[tilespmem:$0x1E800] =	vst v63  }
0x40: {  	_ =	swait.ge [sflag:s28], $0x4000  }
0x41: {  	[sflag:s28] =	ssyncset.done $0x0  }
0x42: {  	s11 =	simm.s32 $0x100;
	[sflag:s28] =	ssyncadd.s32 $0xFFFFC000  }
0x43: {  	[tilespmem:s21], [sflag:$0x1] =	stream.indirect.gather [hbm4b:s1+s24], $0x80, s11, s24, $0xb8;
	[tilespmem:$0x1E800] =	vst v63  }
0x44: {  	_ =	swait.ge [sflag:s29], $0x4000  }
0x45: {  	[sflag:s29] =	ssyncset.done $0x0  }
0x46: {  	s12 =	simm.s32 $0x1480;
	[sflag:s29] =	ssyncadd.s32 $0xFFFFC000  }
0x47: {  	[spmem:s3] =	stream.indirect.scatter.add.f32 [tilespmem:s25], [sflag:$0x4], $0x80, s12, s24, $0xb8;
	[tilespmem:$0x1E800] =	vst v63  }
0x48: {  	_ =	swait.ge [sflag:s30], $0x4000  }
0x49: {  	[sflag:s30] =	ssyncset.done $0x0  }
0x4a: {  	s5 =	simm.s32 $0x400;
	s11 =	simm.s32 $0x180;
	[sflag:s30] =	ssyncadd.s32 $0xFFFFC000  }
.LBB2_2:
0x4b: {  	[tilespmem:s25], [sflag:$0x2] =	stream.indirect.gather [hbm4b:s1+s24], $0x80, s11, s24, $0xb8;
	[tilespmem:$0x1E800] =	vst v63  }
0x4c: {  	s11 =	smov.u32 s5  }
0x4d: {  	p0 =	sne.s32 s5, $0x4800;
	s5 =	sadd.s32 $0x400, s5;
	_ =	swait.ge [sflag:s26], $0x4000  }
0x4e: {  	s11 =	sshra.s32 s11, $0x2;
	[sflag:s26] =	ssyncset.done $0x0  }
0x4f: {  	s12 =	sadd.s32 $0x1400, s11;
	[sflag:s26] =	ssyncadd.s32 $0xFFFFC000  }
0x50: {  	[spmem:s3] =	stream.indirect.scatter.add.f32 [tilespmem:s21], [sflag:$0x3], $0x80, s12, s24, $0xb8;
	[tilespmem:$0x1E800] =	vst v63  }
0x51: {  	_ =	swait.ge [sflag:s28], $0x4000  }
0x52: {  	[sflag:s28] =	ssyncset.done $0x0  }
0x53: {  	s12 =	sadd.s32 $0x100, s11;
	[sflag:s28] =	ssyncadd.s32 $0xFFFFC000  }
0x54: {  	[tilespmem:s21], [sflag:$0x1] =	stream.indirect.gather [hbm4b:s1+s24], $0x80, s12, s24, $0xb8;
	[tilespmem:$0x1E800] =	vst v63  }
0x55: {  	_ =	swait.ge [sflag:s29], $0x4000  }
0x56: {  	[sflag:s29] =	ssyncset.done $0x0  }
.Ltmp0:
0x57: {  	s12 =	sadd.s32 $0x1480, s11;
	[sflag:s29] =	ssyncadd.s32 $0xFFFFC000;
	(pc) =	sbr.rel @p0 .LBB2_2-.Ltmp0, $4  }
0x58: {  	[spmem:s3] =	stream.indirect.scatter.add.f32 [tilespmem:s25], [sflag:$0x4], $0x80, s12, s24, $0xb8;
	[tilespmem:$0x1E800] =	vst v63  }
0x59: {  	_ =	swait.ge [sflag:s30], $0x4000  }
0x5a: {  	[sflag:s30] =	ssyncset.done $0x0  }
0x5b: {  	s11 =	sadd.s32 $0x180, s11;
	[sflag:s30] =	ssyncadd.s32 $0xFFFFC000  }
0x5c: {  	[tilespmem:s25], [sflag:$0x2] =	stream.indirect.gather [hbm4b:s1+s24], $0x80, s11, s24, $0xb8;
	[tilespmem:$0x1E800] =	vst v63  }
0x5d: {  	_ =	swait.ge [sflag:s26], $0x4000  }
0x5e: {  	[sflag:s26] =	ssyncset.done $0x0  }
0x5f: {  	[sflag:s26] =	ssyncadd.s32 $0xFFFFC000  }
0x60: {  	[spmem:s3] =	stream.indirect.scatter.add.f32 [tilespmem:s21], [sflag:$0x3], $0x80, s31, s24, $0xb8;
	[tilespmem:$0x1E800] =	vst v63  }
0x61: {  	_ =	swait.ge [sflag:s28], $0x4000  }
0x62: {  	[sflag:s28] =	ssyncset.done $0x0  }
0x63: {  	[sflag:s28] =	ssyncadd.s32 $0xFFFFC000  }
0x64: {  	_ =	swait.ge [sflag:s29], $0x4000  }
0x65: {  	[sflag:s29] =	ssyncset.done $0x0  }
0x66: {  	[sflag:s29] =	ssyncadd.s32 $0xFFFFC000  }
0x67: {  	[spmem:s3] =	stream.indirect.scatter.add.f32 [tilespmem:s25], [sflag:$0x4], $0x80, s2, s24, $0xb8;
	[tilespmem:$0x1E800] =	vst v63  }
0x68: {  	_ =	swait.ge [sflag:s30], $0x4000  }
0x69: {  	[sflag:s30] =	ssyncset.done $0x0  }
0x6a: {  	s5 =	simm.s32 $0x0;
	[sflag:s30] =	ssyncadd.s32 $0xFFFFC000  }
0x6b: {  	[tilespmem:s5], [sflag:$0x5] =	stream.linear.gather [hbm4b:s13+s5], $0x1400, $0x38;
	[tilespmem:$0x1E800] =	vst v63  }
0x6c: {  	_ =	swait.ge [sflag:s22], $0x1400  }
0x6d: {  	[sflag:s22] =	ssyncset.done $0x0  }
0x6e: {  	[sflag:s22] =	ssyncadd.s32 $0xFFFFEC00  }
0x6f: {  	[tilespmem:s23], [sflag:$0x5] =	stream.linear.gather [hbm4b:s14+s5], $0x1400, $0x38;
	[tilespmem:$0x1E800] =	vst v63  }
0x70: {  	_ =	swait.ge [sflag:s22], $0x1400  }
0x71: {  	[sflag:s22] =	ssyncset.done $0x0  }
0x72: {  	[sflag:s22] =	ssyncadd.s32 $0xFFFFEC00  }
0x73: {  	[tilespmem:s21], [sflag:$0x1] =	stream.indirect.gather [hbm4b:s1+s24], $0x80, s5, s24, $0xb8;
	[tilespmem:$0x1E800] =	vst v63  }
0x74: {  	_ = 	snop  }
0x75: {  	[tilespmem:s25], [sflag:$0x2] =	stream.indirect.gather [hbm4b:s1+s24], $0x80, s24, s24, $0xb8;
	[tilespmem:$0x1E800] =	vst v63  }
0x76: {  	_ =	swait.ge [sflag:s26], $0x4000  }
0x77: {  	[sflag:s26] =	ssyncset.done $0x0  }
0x78: {  	s12 =	simm.s32 $0x1400;
	[sflag:s26] =	ssyncadd.s32 $0xFFFFC000  }
0x79: {  	[spmem:s3] =	stream.indirect.scatter.add.f32 [tilespmem:s21], [sflag:$0x3], $0x80, s12, s24, $0xb8;
	[tilespmem:$0x1E800] =	vst v63  }
0x7a: {  	_ =	swait.ge [sflag:s28], $0x4000  }
0x7b: {  	[sflag:s28] =	ssyncset.done $0x0  }
0x7c: {  	s11 =	simm.s32 $0x100;
	[sflag:s28] =	ssyncadd.s32 $0xFFFFC000  }
0x7d: {  	[tilespmem:s21], [sflag:$0x1] =	stream.indirect.gather [hbm4b:s1+s24], $0x80, s11, s24, $0xb8;
	[tilespmem:$0x1E800] =	vst v63  }
0x7e: {  	_ =	swait.ge [sflag:s29], $0x4000  }
0x7f: {  	[sflag:s29] =	ssyncset.done $0x0  }
0x80: {  	s12 =	simm.s32 $0x1480;
	[sflag:s29] =	ssyncadd.s32 $0xFFFFC000  }
0x81: {  	[spmem:s3] =	stream.indirect.scatter.add.f32 [tilespmem:s25], [sflag:$0x4], $0x80, s12, s24, $0xb8;
	[tilespmem:$0x1E800] =	vst v63  }
0x82: {  	_ =	swait.ge [sflag:s30], $0x4000  }
0x83: {  	[sflag:s30] =	ssyncset.done $0x0  }
0x84: {  	s5 =	simm.s32 $0x400;
	s11 =	simm.s32 $0x180;
	[sflag:s30] =	ssyncadd.s32 $0xFFFFC000  }
.LBB2_4:
0x85: {  	[tilespmem:s25], [sflag:$0x2] =	stream.indirect.gather [hbm4b:s1+s24], $0x80, s11, s24, $0xb8;
	[tilespmem:$0x1E800] =	vst v63  }
0x86: {  	s11 =	smov.u32 s5  }
0x87: {  	p0 =	sne.s32 s5, $0x4800;
	s5 =	sadd.s32 $0x400, s5;
	_ =	swait.ge [sflag:s26], $0x4000  }
0x88: {  	s11 =	sshra.s32 s11, $0x2;
	[sflag:s26] =	ssyncset.done $0x0  }
0x89: {  	s12 =	sadd.s32 $0x1400, s11;
	[sflag:s26] =	ssyncadd.s32 $0xFFFFC000  }
0x8a: {  	[spmem:s3] =	stream.indirect.scatter.add.f32 [tilespmem:s21], [sflag:$0x3], $0x80, s12, s24, $0xb8;
	[tilespmem:$0x1E800] =	vst v63  }
0x8b: {  	_ =	swait.ge [sflag:s28], $0x4000  }
0x8c: {  	[sflag:s28] =	ssyncset.done $0x0  }
0x8d: {  	s12 =	sadd.s32 $0x100, s11;
	[sflag:s28] =	ssyncadd.s32 $0xFFFFC000  }
0x8e: {  	[tilespmem:s21], [sflag:$0x1] =	stream.indirect.gather [hbm4b:s1+s24], $0x80, s12, s24, $0xb8;
	[tilespmem:$0x1E800] =	vst v63  }
0x8f: {  	_ =	swait.ge [sflag:s29], $0x4000  }
0x90: {  	[sflag:s29] =	ssyncset.done $0x0  }
.Ltmp1:
0x91: {  	s12 =	sadd.s32 $0x1480, s11;
	[sflag:s29] =	ssyncadd.s32 $0xFFFFC000;
	(pc) =	sbr.rel @p0 .LBB2_4-.Ltmp1, $4  }
0x92: {  	[spmem:s3] =	stream.indirect.scatter.add.f32 [tilespmem:s25], [sflag:$0x4], $0x80, s12, s24, $0xb8;
	[tilespmem:$0x1E800] =	vst v63  }
0x93: {  	_ =	swait.ge [sflag:s30], $0x4000  }
0x94: {  	[sflag:s30] =	ssyncset.done $0x0  }
0x95: {  	s11 =	sadd.s32 $0x180, s11;
	[sflag:s30] =	ssyncadd.s32 $0xFFFFC000  }
0x96: {  	[tilespmem:s25], [sflag:$0x2] =	stream.indirect.gather [hbm4b:s1+s24], $0x80, s11, s24, $0xb8;
	[tilespmem:$0x1E800] =	vst v63  }
0x97: {  	_ =	swait.ge [sflag:s26], $0x4000  }
0x98: {  	[sflag:s26] =	ssyncset.done $0x0  }
0x99: {  	[sflag:s26] =	ssyncadd.s32 $0xFFFFC000  }
0x9a: {  	[spmem:s3] =	stream.indirect.scatter.add.f32 [tilespmem:s21], [sflag:$0x3], $0x80, s31, s24, $0xb8;
	[tilespmem:$0x1E800] =	vst v63  }
0x9b: {  	_ =	swait.ge [sflag:s28], $0x4000  }
0x9c: {  	[sflag:s28] =	ssyncset.done $0x0  }
0x9d: {  	[sflag:s28] =	ssyncadd.s32 $0xFFFFC000  }
0x9e: {  	_ =	swait.ge [sflag:s29], $0x4000  }
0x9f: {  	[sflag:s29] =	ssyncset.done $0x0  }
0xa0: {  	[sflag:s29] =	ssyncadd.s32 $0xFFFFC000  }
0xa1: {  	[spmem:s3] =	stream.indirect.scatter.add.f32 [tilespmem:s25], [sflag:$0x4], $0x80, s2, s24, $0xb8;
	[tilespmem:$0x1E800] =	vst v63  }
0xa2: {  	_ =	swait.ge [sflag:s30], $0x4000  }
0xa3: {  	[sflag:s30] =	ssyncset.done $0x0  }
0xa4: {  	[sflag:s30] =	ssyncadd.s32 $0xFFFFC000  }
0xa5: {  	[bflag:$0x0] =	sbarrier.arrive $0xFFFF  }
0xa6: {  	[tilespmem:s21], [sflag:$0x5] =	stream.linear.gather [spmem:s6], $0x4000, $0x38;
	[tilespmem:$0x1E800] =	vst v63  }
0xa7: {  	_ =	swait.ge [sflag:s22], $0x4000  }
0xa8: {  	[sflag:s22] =	ssyncset.done $0x0  }
0xa9: {  	[sflag:s22] =	ssyncadd.s32 $0xFFFFC000  }
0xaa: {  	[hbm4b:s15+s4] =	stream.linear.scatter [tilespmem:s21], [sflag:$0x1], $0x4000, $0x38;
	[tilespmem:$0x1E800] =	vst v63  }
0xab: {  	_ = 	snop  }
0xac: {  	[tilespmem:s25], [sflag:$0x5] =	stream.linear.gather [spmem:s7], $0x4000, $0x38;
	[tilespmem:$0x1E800] =	vst v63  }
0xad: {  	_ =	swait.ge [sflag:s22], $0x4000  }
0xae: {  	[sflag:s22] =	ssyncset.done $0x0  }
0xaf: {  	[sflag:s22] =	ssyncadd.s32 $0xFFFFC000  }
0xb0: {  	[hbm4b:s16+s4] =	stream.linear.scatter [tilespmem:s25], [sflag:$0x2], $0x4000, $0x38;
	[tilespmem:$0x1E800] =	vst v63  }
0xb1: {  	_ =	swait.ge [sflag:s26], $0x4000  }
0xb2: {  	[sflag:s26] =	ssyncset.done $0x0  }
0xb3: {  	[sflag:s26] =	ssyncadd.s32 $0xFFFFC000  }
0xb4: {  	[tilespmem:s21], [sflag:$0x5] =	stream.linear.gather [spmem:s8], $0x4000, $0x38;
	[tilespmem:$0x1E800] =	vst v63  }
0xb5: {  	_ =	swait.ge [sflag:s22], $0x4000  }
0xb6: {  	[sflag:s22] =	ssyncset.done $0x0  }
0xb7: {  	[sflag:s22] =	ssyncadd.s32 $0xFFFFC000  }
0xb8: {  	[hbm4b:s17+s4] =	stream.linear.scatter [tilespmem:s21], [sflag:$0x1], $0x4000, $0x38;
	[tilespmem:$0x1E800] =	vst v63  }
0xb9: {  	_ =	swait.ge [sflag:s29], $0x4000  }
0xba: {  	[sflag:s29] =	ssyncset.done $0x0  }
0xbb: {  	[sflag:s29] =	ssyncadd.s32 $0xFFFFC000  }
0xbc: {  	[tilespmem:s25], [sflag:$0x5] =	stream.linear.gather [spmem:s9], $0x4000, $0x38;
	[tilespmem:$0x1E800] =	vst v63  }
0xbd: {  	_ =	swait.ge [sflag:s22], $0x4000  }
0xbe: {  	[sflag:s22] =	ssyncset.done $0x0  }
0xbf: {  	[sflag:s22] =	ssyncadd.s32 $0xFFFFC000  }
0xc0: {  	[hbm4b:s18+s4] =	stream.linear.scatter [tilespmem:s25], [sflag:$0x2], $0x4000, $0x38;
	[tilespmem:$0x1E800] =	vst v63  }
0xc1: {  	_ =	swait.ge [sflag:s26], $0x4000  }
0xc2: {  	[sflag:s26] =	ssyncset.done $0x0  }
0xc3: {  	[sflag:s26] =	ssyncadd.s32 $0xFFFFC000  }
0xc4: {  	[tilespmem:s21], [sflag:$0x5] =	stream.linear.gather [spmem:s10], $0x4000, $0x38;
	[tilespmem:$0x1E800] =	vst v63  }
0xc5: {  	_ =	swait.ge [sflag:s22], $0x4000  }
0xc6: {  	[sflag:s22] =	ssyncset.done $0x0  }
0xc7: {  	s0 =	sadd.s32 $0x1, s0;
	[sflag:s22] =	ssyncadd.s32 $0xFFFFC000  }
0xc8: {  	[hbm4b:s19+s4] =	stream.linear.scatter [tilespmem:s21], [sflag:$0x1], $0x4000, $0x38;
	[tilespmem:$0x1E800] =	vst v63  }
0xc9: {  	p0 =	sne.s32 s0, s20;
	_ =	swait.ge [sflag:s29], $0x4000  }
.Ltmp2:
0xca: {  	[sflag:s29] =	ssyncset.done $0x0;
	(pc) =	sbr.rel @p0 .LBB2_1-.Ltmp2, $4  }
0xcb: {  	[sflag:s29] =	ssyncadd.s32 $0xFFFFC000  }
0xcc: {  	_ =	swait.ge [sflag:s26], $0x4000  }
0xcd: {  	[sflag:s26] =	ssyncset.done $0x0  }
0xce: {  	[sflag:s26] =	ssyncadd.s32 $0xFFFFC000  }
0xcf: {  	_ =	sfence.sel $0x180000  }
0xd0: {  	[bflag:$0x0] =	sbarrier.arrive $0xFFFF  }
0xd1: {  	_ =	strace $0x90000047  }
0xd2: {  	s0 =	stileid.u32;
	[bflag:$0x2] =	sbarrier.arrive $0xFFFF  }
0xd3: {  	p0 =	sne.s32 s0, $0x0;
	s0 =	rddreg [dreg:$0x4]  }
0xd4: {  	s0 =	sadd.s32 @!p0 $0x100000, s0  }
0xd5: {  	[sflag:s0] =	ssyncadd.tile.s32 @!p0 $0x1;
	_ =	shalt  }
.Lfunc_end2:
_tile_overlayer_lowered:
.L_overlay_start_2:
0xd6: {  	(tag) =	ssettag $0x2  }
0xd7: {  	s0 =	rddreg [dreg:$0x0];
	s2 =	stileid.u32  }
0xd8: {  	s1 =	rddreg [dreg:$0x1];
	p0 =	sne.s32 s2, $0x0  }
0xd9: {  	s3 =	rddreg [dreg:$0x2];
	[bflag:$0x3] =	sbarrier.arrive $0xFFFF;
	s2 =	simm.s32 @!p0 $0x1C05  }
0xda: {  	[timem:s3], [sflag:s2] =	dma.local @!p0 [hbm:s0], s1  }
0xdb: {  	s0 =	simm.s32 @!p0 $0x5  }
0xdc: {  	_ =	swait.ge @!p0 [sflag:s0], s1  }
0xdd: {  	s1 =	ssub.s32 @!p0 $0x0, s1;
	[sflag:s0] =	ssyncset.done @!p0 $0x0  }
0xde: {  	[sflag:s0] =	ssyncadd.s32 @!p0 s1  }
0xdf: {  	[bflag:$0x3] =	sbarrier.arrive $0xFFFF  }
0xe0: {  	_ =	shalt  }

// kernel: kernel.13.cloned.1.call-start
scs
__scs_entry_jumppad:
0x0: {  	(pc) =	sbr.rel $0x88, $3  }
0x1: {  	(tag) =	ssettag $0x0;
	lr =	simm.s32 $0x1  }
0x2: {  	[smem:$0x3F97] =	sst lr;
	_ =	strace $0xD0000000  }
0x3: {  	_ = 	snop  }
0x4: {  	_ = 	snop  }
0x5: {  	_ = 	snop  }
0x6: {  	_ = 	snop  }
0x7: {  	_ = 	snop  }
__scs_overlays_trampoline_lowered:
0x8: {  	[smem:$0x3FA6] =	sst s0  }
0x9: {  	[smem:$0x3FA7] =	sst s1  }
0xa: {  	[smem:$0x3FA8] =	sst s2  }
0xb: {  	[smem:$0x3FA9] =	sst s3  }
0xc: {  	[smem:$0x3FAA] =	sst s4  }
0xd: {  	[smem:$0x3FAB] =	sst s5  }
0xe: {  	[smem:$0x3FAC] =	sst s6  }
0xf: {  	[smem:$0x3FAD] =	sst s7  }
0x10: {  	[smem:$0x3FAE] =	sst s8  }
0x11: {  	[smem:$0x3FAF] =	sst s9;
	s0 =	simm.s32 @!p0 $0x0  }
0x12: {  	s1 =	sld [smem:$0x3F95];
	s0 =	simm.s32 @p0 $0x1  }
0x13: {  	[smem:$0x3FB0] =	sst s0;
	s0 =	simm.s32 @!p1 $0x0  }
0x14: {  	s2 =	sld [smem:$0x3F94];
	s0 =	simm.s32 @p1 $0x1  }
0x15: {  	[smem:$0x3FB1] =	sst s0;
	s0 =	simm.s32 @!p2 $0x0  }
0x16: {  	s3 =	sld [smem:$0x3FDB];
	s0 =	simm.s32 @p2 $0x1  }
0x17: {  	s4 =	simm.s32 $0x1BF5;
	[smem:$0x3FB3] =	sst s0  }
0x18: {  	s0 =	sld [smem:$0x3F96];
	_ =	swait.ge [sflag:s4], $0x0  }
0x19: {  	s7 =	sld [smem:$0x3F97]  }
0x1a: {  	s8 =	sadd.s32 $0xFFFFE003, lr  }
0x1b: {  	s9 =	sadd.s32 $0xFFFFFEF7, lr;
	s5 =	simm.s32 $0xFFFFFFFF;
	p2 =	slt.u32 s8, $0xFFFFF086  }
0x1c: {  	p1 =	slt.u32 s9, $0xF7A;
	s5 =	simm.s32 @!p2 $0x0  }
0x1d: {  	s5 =	simm.s32 @p1 $0x1;
	p0 =	seq.s32 s7, s2  }
0x1e: {  	s7 =	smul.u32 @!p0 $0xF7A, s2;
	p2 =	seq.s32 @!p0 s5, $0x0  }
0x1f: {  	s9 =	smul.u32 $0xF7A, s1;
	s8 =	simm.s32 @!p0 $0x1BF5;
	p2 =	por !p2, p0  }
0x20: {  	[sflag:s8] =	ssyncset.s32 @!p0 $0xFFFFF086;
	s6 =	sadd.s32 @!p0 s3, s7;
	s7 =	simm.s32 @!p0 $0x108  }
0x21: {  	s3 =	sadd.s32 s3, s9;
	s6 =	sadd.s32 @!p0 $0x88, s6;
	s7 =	simm.s32 @p2 $0x1082  }
0x22: {  	[simem:s7], [sflag:s8] =	dma.local @!p0 [hbm:s6], $0xF7A  }
0x23: {  	s9 =	sor.u32 $0xD0000000, s2;
	s6 =	simm.s32 $0x108;
	_ =	swait.ge @!p0 [sflag:s8], $0x0  }
0x24: {  	s3 =	sadd.s32 $0x88, s3;
	s6 =	simm.s32 @!p1 $0x1082;
	[sflag:s4] =	ssyncset.s32 $0xFFFFF086  }
0x25: {  	[simem:s6], [sflag:s4] =	dma.local [hbm:s3], $0xF7A  }
0x26: {  	[smem:$0x3F97] =	sst s1;
	(tag) =	ssettag s2;
	_ =	strace s9  }
0x27: {  	s1 =	sld [smem:$0x3FA7]  }
0x28: {  	s2 =	sld [smem:$0x3FA8]  }
0x29: {  	s4 =	sld [smem:$0x3FAA]  }
0x2a: {  	p0 =	seq.s32 s5, $0x0;
	s5 =	sld [smem:$0x3FAB]  }
0x2b: {  	s6 =	sld [smem:$0x3FAC]  }
0x2c: {  	s7 =	sld [smem:$0x3FAD]  }
0x2d: {  	s3 =	simm.s32 $0x108;
	s8 =	sld [smem:$0x3FAE]  }
0x2e: {  	s3 =	simm.s32 @!p0 $0x1082;
	s9 =	sld [smem:$0x3FAF]  }
0x2f: {  	lr =	sadd.s32 s0, s3;
	s0 =	sld [smem:$0x3FA6]  }
0x30: {  	s3 =	sld [smem:$0x3FA9]  }
0x31: {  	[smem:$0x3FB2] =	sst s10  }
0x32: {  	s10 =	sld [smem:$0x3FB0];
	_ =	sdelay $0x3  }
0x33: {  	p0 =	seq.s32 s10, $0x1;
	s10 =	sld [smem:$0x3FB2];
	_ =	sdelay $0x3  }
0x34: {  	[smem:$0x3FB2] =	sst s10  }
0x35: {  	s10 =	sld [smem:$0x3FB1];
	_ =	sdelay $0x3  }
0x36: {  	p1 =	seq.s32 s10, $0x1;
	s10 =	sld [smem:$0x3FB2];
	_ =	sdelay $0x3  }
0x37: {  	[smem:$0x3FB2] =	sst s10  }
0x38: {  	s10 =	sld [smem:$0x3FB3]  }
0x39: {  	_ = 	snop;
	(pc) =	sbr.ind lr, $3  }
0x3a: {  	_ = 	snop  }
0x3b: {  	_ = 	snop  }
0x3c: {  	p2 =	seq.s32 s10, $0x1;
	s10 =	sld [smem:$0x3FB2]  }
0x3d: {  	_ =	shalt  }
0x3e: {  	_ =	shalt  }
0x3f: {  	_ =	shalt  }
0x40: {  	_ =	shalt  }
0x41: {  	_ =	shalt  }
0x42: {  	_ =	shalt  }
0x43: {  	_ =	shalt  }
0x44: {  	_ =	shalt  }
0x45: {  	_ =	shalt  }
0x46: {  	_ =	shalt  }
0x47: {  	_ =	shalt  }
0x48: {  	_ =	shalt  }
0x49: {  	_ =	shalt  }
0x4a: {  	_ =	shalt  }
0x4b: {  	_ =	shalt  }
0x4c: {  	_ =	shalt  }
0x4d: {  	_ =	shalt  }
0x4e: {  	_ =	shalt  }
0x4f: {  	_ =	shalt  }
0x50: {  	_ =	shalt  }
0x51: {  	_ =	shalt  }
0x52: {  	_ =	shalt  }
0x53: {  	_ =	shalt  }
0x54: {  	_ =	shalt  }
0x55: {  	_ =	shalt  }
0x56: {  	_ =	shalt  }
0x57: {  	_ =	shalt  }
0x58: {  	_ =	shalt  }
0x59: {  	_ =	shalt  }
0x5a: {  	_ =	shalt  }
0x5b: {  	_ =	shalt  }
0x5c: {  	_ =	shalt  }
0x5d: {  	_ =	shalt  }
0x5e: {  	_ =	shalt  }
0x5f: {  	_ =	shalt  }
0x60: {  	_ =	shalt  }
0x61: {  	_ =	shalt  }
0x62: {  	_ =	shalt  }
0x63: {  	_ =	shalt  }
0x64: {  	_ =	shalt  }
0x65: {  	_ =	shalt  }
0x66: {  	_ =	shalt  }
0x67: {  	_ =	shalt  }
0x68: {  	_ =	shalt  }
0x69: {  	_ =	shalt  }
0x6a: {  	_ =	shalt  }
0x6b: {  	_ =	shalt  }
0x6c: {  	_ =	shalt  }
0x6d: {  	_ =	shalt  }
0x6e: {  	_ =	shalt  }
0x6f: {  	_ =	shalt  }
0x70: {  	_ =	shalt  }
0x71: {  	_ =	shalt  }
0x72: {  	_ =	shalt  }
0x73: {  	_ =	shalt  }
0x74: {  	_ =	shalt  }
0x75: {  	_ =	shalt  }
0x76: {  	_ =	shalt  }
0x77: {  	_ =	shalt  }
0x78: {  	_ =	shalt  }
0x79: {  	_ =	shalt  }
0x7a: {  	_ =	shalt  }
0x7b: {  	_ =	shalt  }
0x7c: {  	_ =	shalt  }
0x7d: {  	_ =	shalt  }
0x7e: {  	_ =	shalt  }
0x7f: {  	_ =	shalt  }
0x80: {  	_ =	shalt  }
0x81: {  	_ =	shalt  }
0x82: {  	_ =	shalt  }
0x83: {  	_ =	shalt  }
0x84: {  	_ =	shalt  }
0x85: {  	_ =	shalt  }
0x86: {  	_ =	shalt  }
0x87: {  	_ =	shalt  }
.Lfunc_end0:
.L_simem_size_0:
called_computation.2_lowered:
.L_overlay_start_0:
0x88: {  	s2 =	sld [smem:$0x3FD9]  }
0x89: {  	s3 =	sld [smem:$0x3FFE];
	_ =	sdelay $0x1  }
0x8a: {  	s1 =	srdreg.scid  }
0x8b: {  	s0 =	sand.u32 $0x1, s1  }
0x8c: {  	s14 =	sshll.u32 s0, $0xA;
	s2 =	sadd.s32 s3, s2  }
0x8d: {  	s2 =	sadd.s32 s2, s14  }
0x8e: {  	[smem:$0x3FBE] =	sst s2  }
0x8f: {  	_ = 	snop  }
0x90: {  	s2 =	sld [smem:$0x3FD0];
	_ =	sdelay $0x2  }
0x91: {  	s15 =	simm.s32 $0xB;
	s4 =	simm.s32 $0x10  }
0x92: {  	[smem:s4], [sflag:s15] =	dma.local [hbm:s2], $0x1  }
0x93: {  	_ =	swait.eq [sflag:s15], $0x1  }
0x94: {  	[sflag:s15] =	ssyncset.done $0x0  }
0x95: {  	s16 =	sld [smem:$0x10];
	[sflag:s15] =	ssyncadd.s32 $0xFFFFFFFF  }
0x96: {  	s17 =	sld [smem:$0x11];
	(tm) =	ssettm $0x1  }
0x97: {  	s18 =	sld [smem:$0x3FFB];
	_ =	sdelay $0x3  }
0x98: {  	_ =	strace s18  }
0x99: {  	s4 =	sld [smem:$0x3FFC];
	_ =	sdelay $0x3  }
0x9a: {  	_ =	strace s4  }
0x9b: {  	s4 =	sld [smem:$0x3FFD];
	_ =	sdelay $0x3  }
0x9c: {  	_ =	strace s4  }
0x9d: {  	_ =	strace $0x8FFFFFFF  }
0x9e: {  	s19 =	sld [smem:$0x3FDB];
	_ =	sdelay $0x1  }
0x9f: {  	s5 =	simm.s32 $_scs_section_size  }
0xa0: {  	s6 =	simm.s32 $_size__tile_overlayer_lowered;
	s7 =	simm.s32 $_tile_overlayer_lowered  }
0xa1: {  	s22 =	simm.s32 $0x1BFF;
	s21 =	sshll.u32 s7, $0x1;
	s4 =	sadd.s32 s5, s19  }
0xa2: {  	s8 =	simm.s32 $0x0;
	s20 =	sshll.u32 s6, $0x1;
	s6 =	sadd.s32 s21, s4  }
0xa3: {  	[timem:s8], [sflag:s22] =	dma.local [hbm:s6], s20  }
0xa4: {  	_ =	swait.ge [sflag:s22], s20  }
0xa5: {  	s5 =	ssub.s32 $0x0, s20;
	[sflag:s22] =	ssyncset.done $0x0  }
0xa6: {  	[sflag:s22] =	ssyncadd.s32 s5;
	_ =	sdelay $0x1  }
0xa7: {  	s23 =	simm.s32 $0x1B8B  }
0xa8: {  	_ =	swait.ge [sflag:s23], $0x1  }
0xa9: {  	[sflag:s23] =	ssyncset.done $0x0  }
0xaa: {  	s25 =	simm.s32 $0x1B8E;
	s24 =	sld [smem:$0x3FFE];
	[sflag:s23] =	ssyncadd.s32 $0xFFFFFFFF  }
0xab: {  	s26 =	simm.s32 $execute0_lowered;
	[smem:$0x3FD2] =	sst s25  }
0xac: {  	s6 =	sshll.u32 s26, $0x1;
	_ =	strace $0x8000004C;
	[dreg:$0x1] =	wrdreg $0xFFFFFFFF  }
0xad: {  	s28 =	simm.s32 $_size_execute0_lowered;
	s4 =	sadd.s32 s4, s6;
	[dreg:$0x0] =	wrdreg $0x0  }
0xae: {  	s6 =	sshll.u32 s28, $0x1;
	[dreg:$0x2] =	wrdreg s4  }
0xaf: {  	[dreg:$0x3] =	wrdreg s6  }
0xb0: {  	[dreg:$0x4] =	wrdreg $0xC0  }
0xb1: {  	_ =	task [dreg:s8], $0x5FFFF  }
0xb2: {  	[dreg:$0x1] =	wrdreg $0xFFFFFFFF  }
0xb3: {  	[dreg:$0x0] =	wrdreg $0x60  }
0xb4: {  	[dreg:$0x2] =	wrdreg s17  }
0xb5: {  	[dreg:$0x3] =	wrdreg s16  }
0xb6: {  	[dreg:$0x4] =	wrdreg s24  }
0xb7: {  	[dreg:$0x5] =	wrdreg $0xA8000  }
0xb8: {  	[dreg:$0x6] =	wrdreg $0x9  }
0xb9: {  	_ =	task.clear_ibuf [dreg:s8], $0x7FFFF;
	_ =	strace $0x9000004C  }
0xba: {  	s29 =	simm.s32 $0x9;
	_ =	strace $0x8000004E  }
0xbb: {  	_ =	swait.ge [sflag:s29], $0x1  }
0xbc: {  	[sflag:s29] =	ssyncadd.s32 $0xFFFFFFFF  }
0xbd: {  	_ =	strace $0x9000004E  }
0xbe: {  	_ =	sfence  }
0xbf: {  	s30 =	sld [smem:$0x0];
	_ =	sdelay $0x2  }
0xc0: {  	s31 =	sshll.u32 s1, $0xD;
	s1 =	sshrl.u32 s1, $0x2  }
0xc1: {  	s3 =	sand.u32 $0x4000, s31;
	s1 =	sadd.s32 s1, s30  }
0xc2: {  	s0 =	sor.u32 s3, s0;
	s1 =	sshll.u32 s1, $0x11  }
0xc3: {  	s0 =	sor.u32 s1, s0  }
0xc4: {  	s0 =	sadd.s32 $0x8F2B, s0  }
0xc5: {  	[sflag:s0] =	ssyncadd.remote.s32 $0x1  }
0xc6: {  	_ =	sfence.sel $0xFFFF  }
0xc7: {  	[dreg:$0x0] =	wrdreg $0xFFFFFFFF;
	(pc) =	sbr.abs _section_cstart, $3  }
0xc8: {  	[dreg:$0x1] =	wrdreg $0xFFFFFFFF  }
0xc9: {  	_ =	task.clear_ibuf [dreg:s8], $0x2FFFF;
	_ =	strace $0x9FFFFFFF  }
0xca: {  	(tm) =	ssettm $0x7FFFFFFF  }
0xcb: {  	_ =	shalt  }
tec
execute0_lowered:
.L_overlay_start_1:
0x0: {  	(tag) =	ssettag $0x1  }
0x1: {  	s1 =	rddreg [dreg:$0x0]  }
0x2: {  	s0 =	rddreg [dreg:$0x1]  }
0x3: {  	s2 =	rddreg [dreg:$0x2];
	s4 =	srdreg.scid  }
0x4: {  	s8 =	stileid.u32;
	s3 =	rddreg [dreg:$0x3];
	s21 =	simm.s32 $0x2800  }
0x5: {  	s28 =	simm.s32 $0x3;
	s29 =	simm.s32 $0x2;
	s30 =	simm.s32 $0x4  }
0x6: {  	s31 =	simm.s32 $0x2700;
	s5 =	sand.u32 $0x1, s4;
	s6 =	smul.u32 $0x280, s8  }
0x7: {  	s4 =	simm.s32 $0x0;
	s11 =	sadd.s32 $0x2C00, s2;
	s22 =	smul.u32 $0x50000, s8  }
0x8: {  	s9 =	sadd.s32 $0xCC00, s2;
	s23 =	sshll.u32 s8, $0x1;
	s7 =	smul.u32 $0x2800, s5  }
0x9: {  	[smem:$0x7FF] =	sst s4;
	s24 =	ssub.s32 $0x2, s5;
	s5 =	sor.u32 s5, s23  }
0xa: {  	s23 =	simm.s32 $0x1400;
	_ =	strace $0x8000004D;
	[dreg:$0x5] =	wrdreg s9  }
0xb: {  	s25 =	sshrl.u32 s22, $0x2;
	s26 =	sshrl.u32 s24, $0x1;
	s10 =	smul.u32 $0x2800, s5  }
0xc: {  	s5 =	smul.u32 $0x500, s5;
	s22 =	simm.s32 $0x5;
	s6 =	sadd.s32 s6, s7  }
0xd: {  	s20 =	ssub.s32 s24, s26;
	s24 =	simm.s32 $0x80;
	s26 =	simm.s32 $0x1  }
0xe: {  	s6 =	sshll.u32 s6, $0x4;
	s12 =	sshrl.u32 s10, $0x3;
	s13 =	sadd.s32 s0, s5  }
0xf: {  	s5 =	sadd.s32 s11, s5;
	s20 =	smax.u32 s20, $0x1;
	s2 =	sadd.s32 s6, s2  }
0x10: {  	s6 =	sadd.s32 s25, s3;
	[dreg:$0x6] =	wrdreg s13;
	s14 =	sadd.s32 $0x280, s12  }
0x11: {  	[dreg:$0x7] =	wrdreg s5;
	s25 =	simm.s32 $0x6800;
	s7 =	sadd.s32 $0x4000, s6  }
0x12: {  	s8 =	sadd.s32 $0x8000, s6;
	s9 =	sadd.s32 $0xC000, s6;
	s10 =	sadd.s32 $0x10000, s6  }
0x13: {  	s13 =	sadd.s32 s0, s14;
	s14 =	sadd.s32 s11, s14;
	s15 =	sadd.s32 $0xD400, s2  }
0x14: {  	s16 =	sadd.s32 $0xDC00, s2;
	s17 =	sadd.s32 $0xE400, s2;
	s18 =	sadd.s32 $0xEC00, s2  }
0x15: {  	s19 =	sadd.s32 $0xF400, s2;
	s2 =	simm.s32 $0x2780;
	s0 =	simm.s32 $0x0  }
.LBB2_1:
0x16: {  	s5 =	rddreg [dreg:$0x5]  }
0x17: {  	[tilespmem:s21], [sflag:$0x5] =	stream.linear.gather [hbm4b:s5+s4], $0x4000, $0x38;
	[tilespmem:$0x1E800] =	vst v63  }
0x18: {  	_ =	swait.ge [sflag:s22], $0x4000  }
0x19: {  	[sflag:s22] =	ssyncset.done $0x0  }
0x1a: {  	[sflag:s22] =	ssyncadd.s32 $0xFFFFC000  }
0x1b: {  	[spmem:s6] =	stream.linear.scatter [tilespmem:s21], [sflag:$0x5], $0x4000, $0x38;
	[tilespmem:$0x1E800] =	vst v63  }
0x1c: {  	_ =	swait.ge [sflag:s22], $0x4000  }
0x1d: {  	[sflag:s22] =	ssyncset.done $0x0  }
0x1e: {  	[sflag:s22] =	ssyncadd.s32 $0xFFFFC000  }
0x1f: {  	[spmem:s7] =	stream.linear.scatter [tilespmem:s21], [sflag:$0x5], $0x4000, $0x38;
	[tilespmem:$0x1E800] =	vst v63  }
0x20: {  	_ =	swait.ge [sflag:s22], $0x4000  }
0x21: {  	[sflag:s22] =	ssyncset.done $0x0  }
0x22: {  	[sflag:s22] =	ssyncadd.s32 $0xFFFFC000  }
0x23: {  	[spmem:s8] =	stream.linear.scatter [tilespmem:s21], [sflag:$0x5], $0x4000, $0x38;
	[tilespmem:$0x1E800] =	vst v63  }
0x24: {  	_ =	swait.ge [sflag:s22], $0x4000  }
0x25: {  	[sflag:s22] =	ssyncset.done $0x0  }
0x26: {  	[sflag:s22] =	ssyncadd.s32 $0xFFFFC000  }
0x27: {  	[spmem:s9] =	stream.linear.scatter [tilespmem:s21], [sflag:$0x5], $0x4000, $0x38;
	[tilespmem:$0x1E800] =	vst v63  }
0x28: {  	_ =	swait.ge [sflag:s22], $0x4000  }
0x29: {  	[sflag:s22] =	ssyncset.done $0x0  }
0x2a: {  	[sflag:s22] =	ssyncadd.s32 $0xFFFFC000  }
0x2b: {  	[spmem:s10] =	stream.linear.scatter [tilespmem:s21], [sflag:$0x5], $0x4000, $0x38;
	[tilespmem:$0x1E800] =	vst v63  }
0x2c: {  	_ =	swait.ge [sflag:s22], $0x4000  }
0x2d: {  	[sflag:s22] =	ssyncset.done $0x0  }
0x2e: {  	[sflag:s22] =	ssyncadd.s32 $0xFFFFC000  }
0x2f: {  	[bflag:$0x0] =	sbarrier.arrive $0xFFFF  }
0x30: {  	s12 =	rddreg [dreg:$0x6]  }
0x31: {  	[tilespmem:s4], [sflag:$0x5] =	stream.linear.gather [hbm4b:s12+s4], $0x1400, $0x38;
	[tilespmem:$0x1E800] =	vst v63  }
0x32: {  	_ =	swait.ge [sflag:s22], $0x1400  }
0x33: {  	[sflag:s22] =	ssyncset.done $0x0  }
0x34: {  	s11 =	rddreg [dreg:$0x7];
	[sflag:s22] =	ssyncadd.s32 $0xFFFFEC00  }
0x35: {  	[tilespmem:s23], [sflag:$0x5] =	stream.linear.gather [hbm4b:s11+s4], $0x1400, $0x38;
	[tilespmem:$0x1E800] =	vst v63  }
0x36: {  	_ =	swait.ge [sflag:s22], $0x1400  }
0x37: {  	[sflag:s22] =	ssyncset.done $0x0  }
0x38: {  	[sflag:s22] =	ssyncadd.s32 $0xFFFFEC00  }
0x39: {  	[tilespmem:s21], [sflag:$0x1] =	stream.indirect.gather [hbm4b:s1+s24], $0x80, s4, s24, $0xb8;
	[tilespmem:$0x1E800] =	vst v63  }
0x3a: {  	_ = 	snop  }
0x3b: {  	[tilespmem:s25], [sflag:$0x2] =	stream.indirect.gather [hbm4b:s1+s24], $0x80, s24, s24, $0xb8;
	[tilespmem:$0x1E800] =	vst v63  }
0x3c: {  	_ =	swait.ge [sflag:s26], $0x4000  }
0x3d: {  	[sflag:s26] =	ssyncset.done $0x0  }
0x3e: {  	s12 =	simm.s32 $0x1400;
	[sflag:s26] =	ssyncadd.s32 $0xFFFFC000  }
0x3f: {  	[spmem:s3] =	stream.indirect.scatter.add.f32 [tilespmem:s21], [sflag:$0x3], $0x80, s12, s24, $0xb8;
	[tilespmem:$0x1E800] =	vst v63  }
0x40: {  	_ =	swait.ge [sflag:s28], $0x4000  }
0x41: {  	[sflag:s28] =	ssyncset.done $0x0  }
0x42: {  	s11 =	simm.s32 $0x100;
	[sflag:s28] =	ssyncadd.s32 $0xFFFFC000  }
0x43: {  	[tilespmem:s21], [sflag:$0x1] =	stream.indirect.gather [hbm4b:s1+s24], $0x80, s11, s24, $0xb8;
	[tilespmem:$0x1E800] =	vst v63  }
0x44: {  	_ =	swait.ge [sflag:s29], $0x4000  }
0x45: {  	[sflag:s29] =	ssyncset.done $0x0  }
0x46: {  	s12 =	simm.s32 $0x1480;
	[sflag:s29] =	ssyncadd.s32 $0xFFFFC000  }
0x47: {  	[spmem:s3] =	stream.indirect.scatter.add.f32 [tilespmem:s25], [sflag:$0x4], $0x80, s12, s24, $0xb8;
	[tilespmem:$0x1E800] =	vst v63  }
0x48: {  	_ =	swait.ge [sflag:s30], $0x4000  }
0x49: {  	[sflag:s30] =	ssyncset.done $0x0  }
0x4a: {  	s5 =	simm.s32 $0x400;
	s11 =	simm.s32 $0x180;
	[sflag:s30] =	ssyncadd.s32 $0xFFFFC000  }
.LBB2_2:
0x4b: {  	[tilespmem:s25], [sflag:$0x2] =	stream.indirect.gather [hbm4b:s1+s24], $0x80, s11, s24, $0xb8;
	[tilespmem:$0x1E800] =	vst v63  }
0x4c: {  	s11 =	smov.u32 s5  }
0x4d: {  	p0 =	sne.s32 s5, $0x4800;
	s5 =	sadd.s32 $0x400, s5;
	_ =	swait.ge [sflag:s26], $0x4000  }
0x4e: {  	s11 =	sshra.s32 s11, $0x2;
	[sflag:s26] =	ssyncset.done $0x0  }
0x4f: {  	s12 =	sadd.s32 $0x1400, s11;
	[sflag:s26] =	ssyncadd.s32 $0xFFFFC000  }
0x50: {  	[spmem:s3] =	stream.indirect.scatter.add.f32 [tilespmem:s21], [sflag:$0x3], $0x80, s12, s24, $0xb8;
	[tilespmem:$0x1E800] =	vst v63  }
0x51: {  	_ =	swait.ge [sflag:s28], $0x4000  }
0x52: {  	[sflag:s28] =	ssyncset.done $0x0  }
0x53: {  	s12 =	sadd.s32 $0x100, s11;
	[sflag:s28] =	ssyncadd.s32 $0xFFFFC000  }
0x54: {  	[tilespmem:s21], [sflag:$0x1] =	stream.indirect.gather [hbm4b:s1+s24], $0x80, s12, s24, $0xb8;
	[tilespmem:$0x1E800] =	vst v63  }
0x55: {  	_ =	swait.ge [sflag:s29], $0x4000  }
0x56: {  	[sflag:s29] =	ssyncset.done $0x0  }
.Ltmp0:
0x57: {  	s12 =	sadd.s32 $0x1480, s11;
	[sflag:s29] =	ssyncadd.s32 $0xFFFFC000;
	(pc) =	sbr.rel @p0 .LBB2_2-.Ltmp0, $4  }
0x58: {  	[spmem:s3] =	stream.indirect.scatter.add.f32 [tilespmem:s25], [sflag:$0x4], $0x80, s12, s24, $0xb8;
	[tilespmem:$0x1E800] =	vst v63  }
0x59: {  	_ =	swait.ge [sflag:s30], $0x4000  }
0x5a: {  	[sflag:s30] =	ssyncset.done $0x0  }
0x5b: {  	s11 =	sadd.s32 $0x180, s11;
	[sflag:s30] =	ssyncadd.s32 $0xFFFFC000  }
0x5c: {  	[tilespmem:s25], [sflag:$0x2] =	stream.indirect.gather [hbm4b:s1+s24], $0x80, s11, s24, $0xb8;
	[tilespmem:$0x1E800] =	vst v63  }
0x5d: {  	_ =	swait.ge [sflag:s26], $0x4000  }
0x5e: {  	[sflag:s26] =	ssyncset.done $0x0  }
0x5f: {  	[sflag:s26] =	ssyncadd.s32 $0xFFFFC000  }
0x60: {  	[spmem:s3] =	stream.indirect.scatter.add.f32 [tilespmem:s21], [sflag:$0x3], $0x80, s31, s24, $0xb8;
	[tilespmem:$0x1E800] =	vst v63  }
0x61: {  	_ =	swait.ge [sflag:s28], $0x4000  }
0x62: {  	[sflag:s28] =	ssyncset.done $0x0  }
0x63: {  	[sflag:s28] =	ssyncadd.s32 $0xFFFFC000  }
0x64: {  	_ =	swait.ge [sflag:s29], $0x4000  }
0x65: {  	[sflag:s29] =	ssyncset.done $0x0  }
0x66: {  	[sflag:s29] =	ssyncadd.s32 $0xFFFFC000  }
0x67: {  	[spmem:s3] =	stream.indirect.scatter.add.f32 [tilespmem:s25], [sflag:$0x4], $0x80, s2, s24, $0xb8;
	[tilespmem:$0x1E800] =	vst v63  }
0x68: {  	_ =	swait.ge [sflag:s30], $0x4000  }
0x69: {  	[sflag:s30] =	ssyncset.done $0x0  }
0x6a: {  	s5 =	simm.s32 $0x0;
	[sflag:s30] =	ssyncadd.s32 $0xFFFFC000  }
0x6b: {  	[tilespmem:s5], [sflag:$0x5] =	stream.linear.gather [hbm4b:s13+s5], $0x1400, $0x38;
	[tilespmem:$0x1E800] =	vst v63  }
0x6c: {  	_ =	swait.ge [sflag:s22], $0x1400  }
0x6d: {  	[sflag:s22] =	ssyncset.done $0x0  }
0x6e: {  	[sflag:s22] =	ssyncadd.s32 $0xFFFFEC00  }
0x6f: {  	[tilespmem:s23], [sflag:$0x5] =	stream.linear.gather [hbm4b:s14+s5], $0x1400, $0x38;
	[tilespmem:$0x1E800] =	vst v63  }
0x70: {  	_ =	swait.ge [sflag:s22], $0x1400  }
0x71: {  	[sflag:s22] =	ssyncset.done $0x0  }
0x72: {  	[sflag:s22] =	ssyncadd.s32 $0xFFFFEC00  }
0x73: {  	[tilespmem:s21], [sflag:$0x1] =	stream.indirect.gather [hbm4b:s1+s24], $0x80, s5, s24, $0xb8;
	[tilespmem:$0x1E800] =	vst v63  }
0x74: {  	_ = 	snop  }
0x75: {  	[tilespmem:s25], [sflag:$0x2] =	stream.indirect.gather [hbm4b:s1+s24], $0x80, s24, s24, $0xb8;
	[tilespmem:$0x1E800] =	vst v63  }
0x76: {  	_ =	swait.ge [sflag:s26], $0x4000  }
0x77: {  	[sflag:s26] =	ssyncset.done $0x0  }
0x78: {  	s12 =	simm.s32 $0x1400;
	[sflag:s26] =	ssyncadd.s32 $0xFFFFC000  }
0x79: {  	[spmem:s3] =	stream.indirect.scatter.add.f32 [tilespmem:s21], [sflag:$0x3], $0x80, s12, s24, $0xb8;
	[tilespmem:$0x1E800] =	vst v63  }
0x7a: {  	_ =	swait.ge [sflag:s28], $0x4000  }
0x7b: {  	[sflag:s28] =	ssyncset.done $0x0  }
0x7c: {  	s11 =	simm.s32 $0x100;
	[sflag:s28] =	ssyncadd.s32 $0xFFFFC000  }
0x7d: {  	[tilespmem:s21], [sflag:$0x1] =	stream.indirect.gather [hbm4b:s1+s24], $0x80, s11, s24, $0xb8;
	[tilespmem:$0x1E800] =	vst v63  }
0x7e: {  	_ =	swait.ge [sflag:s29], $0x4000  }
0x7f: {  	[sflag:s29] =	ssyncset.done $0x0  }
0x80: {  	s12 =	simm.s32 $0x1480;
	[sflag:s29] =	ssyncadd.s32 $0xFFFFC000  }
0x81: {  	[spmem:s3] =	stream.indirect.scatter.add.f32 [tilespmem:s25], [sflag:$0x4], $0x80, s12, s24, $0xb8;
	[tilespmem:$0x1E800] =	vst v63  }
0x82: {  	_ =	swait.ge [sflag:s30], $0x4000  }
0x83: {  	[sflag:s30] =	ssyncset.done $0x0  }
0x84: {  	s5 =	simm.s32 $0x400;
	s11 =	simm.s32 $0x180;
	[sflag:s30] =	ssyncadd.s32 $0xFFFFC000  }
.LBB2_4:
0x85: {  	[tilespmem:s25], [sflag:$0x2] =	stream.indirect.gather [hbm4b:s1+s24], $0x80, s11, s24, $0xb8;
	[tilespmem:$0x1E800] =	vst v63  }
0x86: {  	s11 =	smov.u32 s5  }
0x87: {  	p0 =	sne.s32 s5, $0x4800;
	s5 =	sadd.s32 $0x400, s5;
	_ =	swait.ge [sflag:s26], $0x4000  }
0x88: {  	s11 =	sshra.s32 s11, $0x2;
	[sflag:s26] =	ssyncset.done $0x0  }
0x89: {  	s12 =	sadd.s32 $0x1400, s11;
	[sflag:s26] =	ssyncadd.s32 $0xFFFFC000  }
0x8a: {  	[spmem:s3] =	stream.indirect.scatter.add.f32 [tilespmem:s21], [sflag:$0x3], $0x80, s12, s24, $0xb8;
	[tilespmem:$0x1E800] =	vst v63  }
0x8b: {  	_ =	swait.ge [sflag:s28], $0x4000  }
0x8c: {  	[sflag:s28] =	ssyncset.done $0x0  }
0x8d: {  	s12 =	sadd.s32 $0x100, s11;
	[sflag:s28] =	ssyncadd.s32 $0xFFFFC000  }
0x8e: {  	[tilespmem:s21], [sflag:$0x1] =	stream.indirect.gather [hbm4b:s1+s24], $0x80, s12, s24, $0xb8;
	[tilespmem:$0x1E800] =	vst v63  }
0x8f: {  	_ =	swait.ge [sflag:s29], $0x4000  }
0x90: {  	[sflag:s29] =	ssyncset.done $0x0  }
.Ltmp1:
0x91: {  	s12 =	sadd.s32 $0x1480, s11;
	[sflag:s29] =	ssyncadd.s32 $0xFFFFC000;
	(pc) =	sbr.rel @p0 .LBB2_4-.Ltmp1, $4  }
0x92: {  	[spmem:s3] =	stream.indirect.scatter.add.f32 [tilespmem:s25], [sflag:$0x4], $0x80, s12, s24, $0xb8;
	[tilespmem:$0x1E800] =	vst v63  }
0x93: {  	_ =	swait.ge [sflag:s30], $0x4000  }
0x94: {  	[sflag:s30] =	ssyncset.done $0x0  }
0x95: {  	s11 =	sadd.s32 $0x180, s11;
	[sflag:s30] =	ssyncadd.s32 $0xFFFFC000  }
0x96: {  	[tilespmem:s25], [sflag:$0x2] =	stream.indirect.gather [hbm4b:s1+s24], $0x80, s11, s24, $0xb8;
	[tilespmem:$0x1E800] =	vst v63  }
0x97: {  	_ =	swait.ge [sflag:s26], $0x4000  }
0x98: {  	[sflag:s26] =	ssyncset.done $0x0  }
0x99: {  	[sflag:s26] =	ssyncadd.s32 $0xFFFFC000  }
0x9a: {  	[spmem:s3] =	stream.indirect.scatter.add.f32 [tilespmem:s21], [sflag:$0x3], $0x80, s31, s24, $0xb8;
	[tilespmem:$0x1E800] =	vst v63  }
0x9b: {  	_ =	swait.ge [sflag:s28], $0x4000  }
0x9c: {  	[sflag:s28] =	ssyncset.done $0x0  }
0x9d: {  	[sflag:s28] =	ssyncadd.s32 $0xFFFFC000  }
0x9e: {  	_ =	swait.ge [sflag:s29], $0x4000  }
0x9f: {  	[sflag:s29] =	ssyncset.done $0x0  }
0xa0: {  	[sflag:s29] =	ssyncadd.s32 $0xFFFFC000  }
0xa1: {  	[spmem:s3] =	stream.indirect.scatter.add.f32 [tilespmem:s25], [sflag:$0x4], $0x80, s2, s24, $0xb8;
	[tilespmem:$0x1E800] =	vst v63  }
0xa2: {  	_ =	swait.ge [sflag:s30], $0x4000  }
0xa3: {  	[sflag:s30] =	ssyncset.done $0x0  }
0xa4: {  	[sflag:s30] =	ssyncadd.s32 $0xFFFFC000  }
0xa5: {  	[bflag:$0x0] =	sbarrier.arrive $0xFFFF  }
0xa6: {  	[tilespmem:s21], [sflag:$0x5] =	stream.linear.gather [spmem:s6], $0x4000, $0x38;
	[tilespmem:$0x1E800] =	vst v63  }
0xa7: {  	_ =	swait.ge [sflag:s22], $0x4000  }
0xa8: {  	[sflag:s22] =	ssyncset.done $0x0  }
0xa9: {  	[sflag:s22] =	ssyncadd.s32 $0xFFFFC000  }
0xaa: {  	[hbm4b:s15+s4] =	stream.linear.scatter [tilespmem:s21], [sflag:$0x1], $0x4000, $0x38;
	[tilespmem:$0x1E800] =	vst v63  }
0xab: {  	_ = 	snop  }
0xac: {  	[tilespmem:s25], [sflag:$0x5] =	stream.linear.gather [spmem:s7], $0x4000, $0x38;
	[tilespmem:$0x1E800] =	vst v63  }
0xad: {  	_ =	swait.ge [sflag:s22], $0x4000  }
0xae: {  	[sflag:s22] =	ssyncset.done $0x0  }
0xaf: {  	[sflag:s22] =	ssyncadd.s32 $0xFFFFC000  }
0xb0: {  	[hbm4b:s16+s4] =	stream.linear.scatter [tilespmem:s25], [sflag:$0x2], $0x4000, $0x38;
	[tilespmem:$0x1E800] =	vst v63  }
0xb1: {  	_ =	swait.ge [sflag:s26], $0x4000  }
0xb2: {  	[sflag:s26] =	ssyncset.done $0x0  }
0xb3: {  	[sflag:s26] =	ssyncadd.s32 $0xFFFFC000  }
0xb4: {  	[tilespmem:s21], [sflag:$0x5] =	stream.linear.gather [spmem:s8], $0x4000, $0x38;
	[tilespmem:$0x1E800] =	vst v63  }
0xb5: {  	_ =	swait.ge [sflag:s22], $0x4000  }
0xb6: {  	[sflag:s22] =	ssyncset.done $0x0  }
0xb7: {  	[sflag:s22] =	ssyncadd.s32 $0xFFFFC000  }
0xb8: {  	[hbm4b:s17+s4] =	stream.linear.scatter [tilespmem:s21], [sflag:$0x1], $0x4000, $0x38;
	[tilespmem:$0x1E800] =	vst v63  }
0xb9: {  	_ =	swait.ge [sflag:s29], $0x4000  }
0xba: {  	[sflag:s29] =	ssyncset.done $0x0  }
0xbb: {  	[sflag:s29] =	ssyncadd.s32 $0xFFFFC000  }
0xbc: {  	[tilespmem:s25], [sflag:$0x5] =	stream.linear.gather [spmem:s9], $0x4000, $0x38;
	[tilespmem:$0x1E800] =	vst v63  }
0xbd: {  	_ =	swait.ge [sflag:s22], $0x4000  }
0xbe: {  	[sflag:s22] =	ssyncset.done $0x0  }
0xbf: {  	[sflag:s22] =	ssyncadd.s32 $0xFFFFC000  }
0xc0: {  	[hbm4b:s18+s4] =	stream.linear.scatter [tilespmem:s25], [sflag:$0x2], $0x4000, $0x38;
	[tilespmem:$0x1E800] =	vst v63  }
0xc1: {  	_ =	swait.ge [sflag:s26], $0x4000  }
0xc2: {  	[sflag:s26] =	ssyncset.done $0x0  }
0xc3: {  	[sflag:s26] =	ssyncadd.s32 $0xFFFFC000  }
0xc4: {  	[tilespmem:s21], [sflag:$0x5] =	stream.linear.gather [spmem:s10], $0x4000, $0x38;
	[tilespmem:$0x1E800] =	vst v63  }
0xc5: {  	_ =	swait.ge [sflag:s22], $0x4000  }
0xc6: {  	[sflag:s22] =	ssyncset.done $0x0  }
0xc7: {  	s0 =	sadd.s32 $0x1, s0;
	[sflag:s22] =	ssyncadd.s32 $0xFFFFC000  }
0xc8: {  	[hbm4b:s19+s4] =	stream.linear.scatter [tilespmem:s21], [sflag:$0x1], $0x4000, $0x38;
	[tilespmem:$0x1E800] =	vst v63  }
0xc9: {  	p0 =	sne.s32 s0, s20;
	_ =	swait.ge [sflag:s29], $0x4000  }
.Ltmp2:
0xca: {  	[sflag:s29] =	ssyncset.done $0x0;
	(pc) =	sbr.rel @p0 .LBB2_1-.Ltmp2, $4  }
0xcb: {  	[sflag:s29] =	ssyncadd.s32 $0xFFFFC000  }
0xcc: {  	_ =	swait.ge [sflag:s26], $0x4000  }
0xcd: {  	[sflag:s26] =	ssyncset.done $0x0  }
0xce: {  	[sflag:s26] =	ssyncadd.s32 $0xFFFFC000  }
0xcf: {  	_ =	sfence.sel $0x180000  }
0xd0: {  	[bflag:$0x0] =	sbarrier.arrive $0xFFFF  }
0xd1: {  	_ =	strace $0x9000004D  }
0xd2: {  	s0 =	stileid.u32;
	[bflag:$0x2] =	sbarrier.arrive $0xFFFF  }
0xd3: {  	p0 =	sne.s32 s0, $0x0;
	s0 =	rddreg [dreg:$0x4]  }
0xd4: {  	s0 =	sadd.s32 @!p0 $0x100000, s0  }
0xd5: {  	[sflag:s0] =	ssyncadd.tile.s32 @!p0 $0x1;
	_ =	shalt  }
.Lfunc_end2:
_tile_overlayer_lowered:
.L_overlay_start_2:
0xd6: {  	(tag) =	ssettag $0x2  }
0xd7: {  	s0 =	rddreg [dreg:$0x0];
	s2 =	stileid.u32  }
0xd8: {  	s1 =	rddreg [dreg:$0x1];
	p0 =	sne.s32 s2, $0x0  }
0xd9: {  	s3 =	rddreg [dreg:$0x2];
	[bflag:$0x3] =	sbarrier.arrive $0xFFFF;
	s2 =	simm.s32 @!p0 $0x1C05  }
0xda: {  	[timem:s3], [sflag:s2] =	dma.local @!p0 [hbm:s0], s1  }
0xdb: {  	s0 =	simm.s32 @!p0 $0x5  }
0xdc: {  	_ =	swait.ge @!p0 [sflag:s0], s1  }
0xdd: {  	s1 =	ssub.s32 @!p0 $0x0, s1;
	[sflag:s0] =	ssyncset.done @!p0 $0x0  }
0xde: {  	[sflag:s0] =	ssyncadd.s32 @!p0 s1  }
0xdf: {  	[bflag:$0x3] =	sbarrier.arrive $0xFFFF  }
0xe0: {  	_ =	shalt  }

// kernel: kernel.7.cloned.1.call-start
scs
__scs_entry_jumppad:
0x0: {  	(pc) =	sbr.rel $0x88, $3  }
0x1: {  	(tag) =	ssettag $0x0;
	lr =	simm.s32 $0x1  }
0x2: {  	[smem:$0x3F97] =	sst lr;
	_ =	strace $0xD0000000  }
0x3: {  	_ = 	snop  }
0x4: {  	_ = 	snop  }
0x5: {  	_ = 	snop  }
0x6: {  	_ = 	snop  }
0x7: {  	_ = 	snop  }
__scs_overlays_trampoline_lowered:
0x8: {  	[smem:$0x3FA6] =	sst s0  }
0x9: {  	[smem:$0x3FA7] =	sst s1  }
0xa: {  	[smem:$0x3FA8] =	sst s2  }
0xb: {  	[smem:$0x3FA9] =	sst s3  }
0xc: {  	[smem:$0x3FAA] =	sst s4  }
0xd: {  	[smem:$0x3FAB] =	sst s5  }
0xe: {  	[smem:$0x3FAC] =	sst s6  }
0xf: {  	[smem:$0x3FAD] =	sst s7  }
0x10: {  	[smem:$0x3FAE] =	sst s8  }
0x11: {  	[smem:$0x3FAF] =	sst s9;
	s0 =	simm.s32 @!p0 $0x0  }
0x12: {  	s1 =	sld [smem:$0x3F95];
	s0 =	simm.s32 @p0 $0x1  }
0x13: {  	[smem:$0x3FB0] =	sst s0;
	s0 =	simm.s32 @!p1 $0x0  }
0x14: {  	s2 =	sld [smem:$0x3F94];
	s0 =	simm.s32 @p1 $0x1  }
0x15: {  	[smem:$0x3FB1] =	sst s0;
	s0 =	simm.s32 @!p2 $0x0  }
0x16: {  	s3 =	sld [smem:$0x3FDB];
	s0 =	simm.s32 @p2 $0x1  }
0x17: {  	s4 =	simm.s32 $0x1BF5;
	[smem:$0x3FB3] =	sst s0  }
0x18: {  	s0 =	sld [smem:$0x3F96];
	_ =	swait.ge [sflag:s4], $0x0  }
0x19: {  	s7 =	sld [smem:$0x3F97]  }
0x1a: {  	s8 =	sadd.s32 $0xFFFFE003, lr  }
0x1b: {  	s9 =	sadd.s32 $0xFFFFFEF7, lr;
	s5 =	simm.s32 $0xFFFFFFFF;
	p2 =	slt.u32 s8, $0xFFFFF086  }
0x1c: {  	p1 =	slt.u32 s9, $0xF7A;
	s5 =	simm.s32 @!p2 $0x0  }
0x1d: {  	s5 =	simm.s32 @p1 $0x1;
	p0 =	seq.s32 s7, s2  }
0x1e: {  	s7 =	smul.u32 @!p0 $0xF7A, s2;
	p2 =	seq.s32 @!p0 s5, $0x0  }
0x1f: {  	s9 =	smul.u32 $0xF7A, s1;
	s8 =	simm.s32 @!p0 $0x1BF5;
	p2 =	por !p2, p0  }
0x20: {  	[sflag:s8] =	ssyncset.s32 @!p0 $0xFFFFF086;
	s6 =	sadd.s32 @!p0 s3, s7;
	s7 =	simm.s32 @!p0 $0x108  }
0x21: {  	s3 =	sadd.s32 s3, s9;
	s6 =	sadd.s32 @!p0 $0x88, s6;
	s7 =	simm.s32 @p2 $0x1082  }
0x22: {  	[simem:s7], [sflag:s8] =	dma.local @!p0 [hbm:s6], $0xF7A  }
0x23: {  	s9 =	sor.u32 $0xD0000000, s2;
	s6 =	simm.s32 $0x108;
	_ =	swait.ge @!p0 [sflag:s8], $0x0  }
0x24: {  	s3 =	sadd.s32 $0x88, s3;
	s6 =	simm.s32 @!p1 $0x1082;
	[sflag:s4] =	ssyncset.s32 $0xFFFFF086  }
0x25: {  	[simem:s6], [sflag:s4] =	dma.local [hbm:s3], $0xF7A  }
0x26: {  	[smem:$0x3F97] =	sst s1;
	(tag) =	ssettag s2;
	_ =	strace s9  }
0x27: {  	s1 =	sld [smem:$0x3FA7]  }
0x28: {  	s2 =	sld [smem:$0x3FA8]  }
0x29: {  	s4 =	sld [smem:$0x3FAA]  }
0x2a: {  	p0 =	seq.s32 s5, $0x0;
	s5 =	sld [smem:$0x3FAB]  }
0x2b: {  	s6 =	sld [smem:$0x3FAC]  }
0x2c: {  	s7 =	sld [smem:$0x3FAD]  }
0x2d: {  	s3 =	simm.s32 $0x108;
	s8 =	sld [smem:$0x3FAE]  }
0x2e: {  	s3 =	simm.s32 @!p0 $0x1082;
	s9 =	sld [smem:$0x3FAF]  }
0x2f: {  	lr =	sadd.s32 s0, s3;
	s0 =	sld [smem:$0x3FA6]  }
0x30: {  	s3 =	sld [smem:$0x3FA9]  }
0x31: {  	[smem:$0x3FB2] =	sst s10  }
0x32: {  	s10 =	sld [smem:$0x3FB0];
	_ =	sdelay $0x3  }
0x33: {  	p0 =	seq.s32 s10, $0x1;
	s10 =	sld [smem:$0x3FB2];
	_ =	sdelay $0x3  }
0x34: {  	[smem:$0x3FB2] =	sst s10  }
0x35: {  	s10 =	sld [smem:$0x3FB1];
	_ =	sdelay $0x3  }
0x36: {  	p1 =	seq.s32 s10, $0x1;
	s10 =	sld [smem:$0x3FB2];
	_ =	sdelay $0x3  }
0x37: {  	[smem:$0x3FB2] =	sst s10  }
0x38: {  	s10 =	sld [smem:$0x3FB3]  }
0x39: {  	_ = 	snop;
	(pc) =	sbr.ind lr, $3  }
0x3a: {  	_ = 	snop  }
0x3b: {  	_ = 	snop  }
0x3c: {  	p2 =	seq.s32 s10, $0x1;
	s10 =	sld [smem:$0x3FB2]  }
0x3d: {  	_ =	shalt  }
0x3e: {  	_ =	shalt  }
0x3f: {  	_ =	shalt  }
0x40: {  	_ =	shalt  }
0x41: {  	_ =	shalt  }
0x42: {  	_ =	shalt  }
0x43: {  	_ =	shalt  }
0x44: {  	_ =	shalt  }
0x45: {  	_ =	shalt  }
0x46: {  	_ =	shalt  }
0x47: {  	_ =	shalt  }
0x48: {  	_ =	shalt  }
0x49: {  	_ =	shalt  }
0x4a: {  	_ =	shalt  }
0x4b: {  	_ =	shalt  }
0x4c: {  	_ =	shalt  }
0x4d: {  	_ =	shalt  }
0x4e: {  	_ =	shalt  }
0x4f: {  	_ =	shalt  }
0x50: {  	_ =	shalt  }
0x51: {  	_ =	shalt  }
0x52: {  	_ =	shalt  }
0x53: {  	_ =	shalt  }
0x54: {  	_ =	shalt  }
0x55: {  	_ =	shalt  }
0x56: {  	_ =	shalt  }
0x57: {  	_ =	shalt  }
0x58: {  	_ =	shalt  }
0x59: {  	_ =	shalt  }
0x5a: {  	_ =	shalt  }
0x5b: {  	_ =	shalt  }
0x5c: {  	_ =	shalt  }
0x5d: {  	_ =	shalt  }
0x5e: {  	_ =	shalt  }
0x5f: {  	_ =	shalt  }
0x60: {  	_ =	shalt  }
0x61: {  	_ =	shalt  }
0x62: {  	_ =	shalt  }
0x63: {  	_ =	shalt  }
0x64: {  	_ =	shalt  }
0x65: {  	_ =	shalt  }
0x66: {  	_ =	shalt  }
0x67: {  	_ =	shalt  }
0x68: {  	_ =	shalt  }
0x69: {  	_ =	shalt  }
0x6a: {  	_ =	shalt  }
0x6b: {  	_ =	shalt  }
0x6c: {  	_ =	shalt  }
0x6d: {  	_ =	shalt  }
0x6e: {  	_ =	shalt  }
0x6f: {  	_ =	shalt  }
0x70: {  	_ =	shalt  }
0x71: {  	_ =	shalt  }
0x72: {  	_ =	shalt  }
0x73: {  	_ =	shalt  }
0x74: {  	_ =	shalt  }
0x75: {  	_ =	shalt  }
0x76: {  	_ =	shalt  }
0x77: {  	_ =	shalt  }
0x78: {  	_ =	shalt  }
0x79: {  	_ =	shalt  }
0x7a: {  	_ =	shalt  }
0x7b: {  	_ =	shalt  }
0x7c: {  	_ =	shalt  }
0x7d: {  	_ =	shalt  }
0x7e: {  	_ =	shalt  }
0x7f: {  	_ =	shalt  }
0x80: {  	_ =	shalt  }
0x81: {  	_ =	shalt  }
0x82: {  	_ =	shalt  }
0x83: {  	_ =	shalt  }
0x84: {  	_ =	shalt  }
0x85: {  	_ =	shalt  }
0x86: {  	_ =	shalt  }
0x87: {  	_ =	shalt  }
.Lfunc_end0:
.L_simem_size_0:
called_computation_lowered:
.L_overlay_start_0:
0x88: {  	s2 =	sld [smem:$0x3FD9]  }
0x89: {  	s3 =	sld [smem:$0x3FFE];
	_ =	sdelay $0x1  }
0x8a: {  	s1 =	srdreg.scid  }
0x8b: {  	s0 =	sand.u32 $0x1, s1  }
0x8c: {  	s15 =	sshll.u32 s0, $0xA;
	s2 =	sadd.s32 s3, s2  }
0x8d: {  	s2 =	sadd.s32 s2, s15  }
0x8e: {  	[smem:$0x3FBE] =	sst s2  }
0x8f: {  	_ = 	snop  }
0x90: {  	s2 =	sld [smem:$0x3FD0];
	_ =	sdelay $0x2  }
0x91: {  	s16 =	simm.s32 $0xB;
	s4 =	simm.s32 $0x10  }
0x92: {  	[smem:s4], [sflag:s16] =	dma.local [hbm:s2], $0x1  }
0x93: {  	_ =	swait.eq [sflag:s16], $0x1  }
0x94: {  	[sflag:s16] =	ssyncset.done $0x0  }
0x95: {  	[sflag:s16] =	ssyncadd.s32 $0xFFFFFFFF  }
0x96: {  	s17 =	sld [smem:$0x11];
	(tm) =	ssettm $0x1  }
0x97: {  	s18 =	sld [smem:$0x3FFB];
	_ =	sdelay $0x3  }
0x98: {  	_ =	strace s18  }
0x99: {  	s2 =	sld [smem:$0x3FFC];
	_ =	sdelay $0x3  }
0x9a: {  	_ =	strace s2  }
0x9b: {  	s2 =	sld [smem:$0x3FFD];
	_ =	sdelay $0x3  }
0x9c: {  	_ =	strace s2  }
0x9d: {  	_ =	strace $0x8FFFFFFF  }
0x9e: {  	s19 =	sld [smem:$0x3FDB];
	_ =	sdelay $0x1  }
0x9f: {  	s20 =	simm.s32 $_scs_section_size  }
0xa0: {  	s5 =	simm.s32 $_size__tile_overlayer_lowered;
	s6 =	simm.s32 $_tile_overlayer_lowered  }
0xa1: {  	s7 =	simm.s32 $0x1BFF;
	s21 =	sshll.u32 s6, $0x1;
	s4 =	sadd.s32 s20, s19  }
0xa2: {  	s22 =	simm.s32 $0x0;
	s5 =	sshll.u32 s5, $0x1;
	s6 =	sadd.s32 s21, s4  }
0xa3: {  	[timem:s22], [sflag:s7] =	dma.local [hbm:s6], s5  }
0xa4: {  	_ =	swait.ge [sflag:s7], s5  }
0xa5: {  	s5 =	ssub.s32 $0x0, s5;
	[sflag:s7] =	ssyncset.done $0x0  }
0xa6: {  	[sflag:s7] =	ssyncadd.s32 s5;
	_ =	sdelay $0x1  }
0xa7: {  	s23 =	simm.s32 $0x1B8B  }
0xa8: {  	_ =	swait.ge [sflag:s23], $0x1  }
0xa9: {  	[sflag:s23] =	ssyncset.done $0x0  }
0xaa: {  	[sflag:s23] =	ssyncadd.s32 $0xFFFFFFFF  }
0xab: {  	s5 =	sld [smem:$0x0]  }
0xac: {  	s6 =	sand.u32 $0xFFFFFFFE, s1  }
0xad: {  	p0 =	sne.s32 s1, s6  }
0xae: {  	s6 =	sshll.u32 @p0 s6, $0xE  }
0xaf: {  	s6 =	sadd.s32 @p0 $0x11B8D, s6;
	s7 =	sshll.u32 @p0 s5, $0x11  }
0xb0: {  	s6 =	sor.u32 @p0 s7, s6  }
0xb1: {  	[sflag:s6] =	ssyncadd.remote.s32 @p0 $0x1;
	_ =	sdelay $0x1  }
0xb2: {  	s6 =	simm.s32 @p0 $0x1B8D  }
0xb3: {  	_ =	swait.eq @p0 [sflag:s6], $0x1  }
0xb4: {  	[sflag:s6] =	ssyncadd.s32 @p0 $0xFFFFFFFF  }
0xb5: {  	s7 =	sshll.u32 @!p0 s1, $0xE  }
0xb6: {  	s7 =	sor.u32 @!p0 $0x4000, s7;
	s6 =	simm.s32 @!p0 $0x1B8D  }
0xb7: {  	s5 =	sshll.u32 @!p0 s5, $0x11;
	s7 =	sadd.s32 @!p0 $0x11B8D, s7;
	_ =	swait.eq @!p0 [sflag:s6], $0x1  }
0xb8: {  	s5 =	sor.u32 @!p0 s5, s7;
	[sflag:s6] =	ssyncadd.s32 @!p0 $0xFFFFFFFF  }
0xb9: {  	s25 =	simm.s32 $0x1B8E;
	s24 =	sld [smem:$0x3FFE];
	[sflag:s5] =	ssyncadd.remote.s32 @!p0 $0x1  }
0xba: {  	s26 =	simm.s32 $execute0_lowered;
	[smem:$0x3FD2] =	sst s25  }
0xbb: {  	s6 =	sshll.u32 s26, $0x1;
	_ =	strace $0x80000049;
	[dreg:$0x1] =	wrdreg $0xFFFFFFFF  }
0xbc: {  	s28 =	simm.s32 $_size_execute0_lowered;
	s4 =	sadd.s32 s4, s6;
	[dreg:$0x0] =	wrdreg $0x0  }
0xbd: {  	s6 =	sshll.u32 s28, $0x1;
	[dreg:$0x2] =	wrdreg s4  }
0xbe: {  	[dreg:$0x3] =	wrdreg s6  }
0xbf: {  	[dreg:$0x4] =	wrdreg $0xC0  }
0xc0: {  	_ =	task [dreg:s22], $0x5FFFF  }
0xc1: {  	[dreg:$0x1] =	wrdreg $0xFFFFFFFF  }
0xc2: {  	[dreg:$0x0] =	wrdreg $0x60  }
0xc3: {  	[dreg:$0x2] =	wrdreg s24  }
0xc4: {  	[dreg:$0x3] =	wrdreg s17  }
0xc5: {  	[dreg:$0x4] =	wrdreg $0x94000  }
0xc6: {  	[dreg:$0x5] =	wrdreg $0x9  }
0xc7: {  	_ =	task.clear_ibuf [dreg:s22], $0x6FFFF;
	_ =	strace $0x90000049  }
0xc8: {  	s29 =	simm.s32 $0x9;
	_ =	strace $0x8000004B  }
0xc9: {  	_ =	swait.ge [sflag:s29], $0x1  }
0xca: {  	[sflag:s29] =	ssyncadd.s32 $0xFFFFFFFF  }
0xcb: {  	_ =	strace $0x9000004B  }
0xcc: {  	_ =	sfence  }
0xcd: {  	s30 =	sld [smem:$0x0];
	_ =	sdelay $0x2  }
0xce: {  	s31 =	sshll.u32 s1, $0xD;
	s1 =	sshrl.u32 s1, $0x2  }
0xcf: {  	s4 =	sand.u32 $0x4000, s31;
	s1 =	sadd.s32 s1, s30  }
0xd0: {  	s0 =	sor.u32 s4, s0;
	s1 =	sshll.u32 s1, $0x11  }
0xd1: {  	s0 =	sor.u32 s1, s0  }
0xd2: {  	s0 =	sadd.s32 $0x8F2B, s0  }
0xd3: {  	[sflag:s0] =	ssyncadd.remote.s32 $0x1  }
0xd4: {  	_ =	sfence.sel $0xFFFF  }
0xd5: {  	[dreg:$0x0] =	wrdreg $0xFFFFFFFF;
	(pc) =	sbr.abs _section_cstart, $3  }
0xd6: {  	[dreg:$0x1] =	wrdreg $0xFFFFFFFF  }
0xd7: {  	_ =	task.clear_ibuf [dreg:s22], $0x2FFFF;
	_ =	strace $0x9FFFFFFF  }
0xd8: {  	(tm) =	ssettm $0x7FFFFFFF  }
0xd9: {  	_ =	shalt  }
tec
execute0_lowered:
.L_overlay_start_1:
0x0: {  	(tag) =	ssettag $0x1  }
0x1: {  	s6 =	rddreg [dreg:$0x0]  }
0x2: {  	s2 =	rddreg [dreg:$0x1]  }
0x3: {  	s1 =	srdreg.scid;
	s0 =	stileid.u32  }
0x4: {  	s3 =	rddreg [dreg:$0x2];
	s4 =	simm.s32 $0x0;
	s19 =	simm.s32 $0x1400  }
0x5: {  	s20 =	simm.s32 $0x4;
	s21 =	simm.s32 $0x80;
	s22 =	simm.s32 $0x1  }
0x6: {  	s23 =	simm.s32 $0x5400;
	s24 =	simm.s32 $0x2;
	s25 =	simm.s32 $0x3  }
0x7: {  	s7 =	sand.u32 $0x1, s1;
	s5 =	smul.u32 $0x280, s0;
	s1 =	rddreg [dreg:$0x3]  }
0x8: {  	s26 =	simm.s32 $0x0;
	[smem:$0x7FF] =	sst s4;
	s9 =	smul.u32 $0x50000, s0  }
0x9: {  	s12 =	sadd.s32 $0x2C00, s6;
	s28 =	sshll.u32 s0, $0x1;
	s8 =	smul.u32 $0x2800, s7  }
0xa: {  	_ =	strace $0x8000004A;
	s29 =	ssub.s32 $0x2, s7;
	s10 =	sor.u32 s7, s28  }
0xb: {  	s30 =	sshrl.u32 s9, $0x2;
	s31 =	sshrl.u32 s29, $0x1;
	s11 =	smul.u32 $0x2800, s10  }
0xc: {  	s13 =	smul.u32 $0x500, s10;
	s5 =	sadd.s32 s5, s8;
	s18 =	ssub.s32 s29, s31  }
0xd: {  	s8 =	sshll.u32 s5, $0x4;
	s5 =	sadd.s32 $0xCC00, s6;
	s14 =	sshrl.u32 s11, $0x3  }
0xe: {  	s11 =	sadd.s32 s12, s13;
	s17 =	sadd.s32 s8, s6;
	s6 =	sadd.s32 s30, s3  }
0xf: {  	s18 =	smax.u32 s18, $0x1;
	s12 =	sadd.s32 s12, s14;
	s7 =	sadd.s32 $0x4000, s6  }
0x10: {  	s8 =	sadd.s32 $0x8000, s6;
	s9 =	sadd.s32 $0xC000, s6;
	s10 =	sadd.s32 $0x10000, s6  }
0x11: {  	s12 =	sadd.s32 $0x280, s12;
	s13 =	sadd.s32 $0x5D400, s17;
	s14 =	sadd.s32 $0x5DC00, s17  }
0x12: {  	s15 =	sadd.s32 $0x5E400, s17;
	s16 =	sadd.s32 $0x5EC00, s17;
	s17 =	sadd.s32 $0x5F400, s17  }
.LBB2_1:
0x13: {  	[tilespmem:s19], [sflag:$0x4] =	stream.linear.gather [hbm4b:s5+s4], $0x4000, $0x38;
	[tilespmem:$0x1D400] =	vst v63  }
0x14: {  	_ =	swait.ge [sflag:s20], $0x4000  }
0x15: {  	[sflag:s20] =	ssyncset.done $0x0  }
0x16: {  	[sflag:s20] =	ssyncadd.s32 $0xFFFFC000  }
0x17: {  	[spmem:s6] =	stream.linear.scatter [tilespmem:s19], [sflag:$0x4], $0x4000, $0x38;
	[tilespmem:$0x1D400] =	vst v63  }
0x18: {  	_ =	swait.ge [sflag:s20], $0x4000  }
0x19: {  	[sflag:s20] =	ssyncset.done $0x0  }
0x1a: {  	[sflag:s20] =	ssyncadd.s32 $0xFFFFC000  }
0x1b: {  	[spmem:s7] =	stream.linear.scatter [tilespmem:s19], [sflag:$0x4], $0x4000, $0x38;
	[tilespmem:$0x1D400] =	vst v63  }
0x1c: {  	_ =	swait.ge [sflag:s20], $0x4000  }
0x1d: {  	[sflag:s20] =	ssyncset.done $0x0  }
0x1e: {  	[sflag:s20] =	ssyncadd.s32 $0xFFFFC000  }
0x1f: {  	[spmem:s8] =	stream.linear.scatter [tilespmem:s19], [sflag:$0x4], $0x4000, $0x38;
	[tilespmem:$0x1D400] =	vst v63  }
0x20: {  	_ =	swait.ge [sflag:s20], $0x4000  }
0x21: {  	[sflag:s20] =	ssyncset.done $0x0  }
0x22: {  	[sflag:s20] =	ssyncadd.s32 $0xFFFFC000  }
0x23: {  	[spmem:s9] =	stream.linear.scatter [tilespmem:s19], [sflag:$0x4], $0x4000, $0x38;
	[tilespmem:$0x1D400] =	vst v63  }
0x24: {  	_ =	swait.ge [sflag:s20], $0x4000  }
0x25: {  	[sflag:s20] =	ssyncset.done $0x0  }
0x26: {  	[sflag:s20] =	ssyncadd.s32 $0xFFFFC000  }
0x27: {  	[spmem:s10] =	stream.linear.scatter [tilespmem:s19], [sflag:$0x4], $0x4000, $0x38;
	[tilespmem:$0x1D400] =	vst v63  }
0x28: {  	_ =	swait.ge [sflag:s20], $0x4000  }
0x29: {  	[sflag:s20] =	ssyncset.done $0x0  }
0x2a: {  	[sflag:s20] =	ssyncadd.s32 $0xFFFFC000  }
0x2b: {  	[tilespmem:s19], [sflag:$0x4] =	stream.linear.gather [hbm4b:s2+s4], $0x4000, $0x38;
	[tilespmem:$0x1D400] =	vst v63  }
0x2c: {  	_ =	swait.ge [sflag:s20], $0x4000  }
0x2d: {  	[sflag:s20] =	ssyncset.done $0x0  }
0x2e: {  	[sflag:s20] =	ssyncadd.s32 $0xFFFFC000  }
0x2f: {  	[bflag:$0x0] =	sbarrier.arrive $0xFFFF  }
0x30: {  	[tilespmem:s4], [sflag:$0x4] =	stream.linear.gather [hbm4b:s11+s4], $0x1400, $0x38;
	[tilespmem:$0x1D400] =	vst v63  }
0x31: {  	_ =	swait.ge [sflag:s20], $0x1400  }
0x32: {  	p0 =	por $0x1, $0x1;
	[sflag:s20] =	ssyncset.done $0x0  }
0x33: {  	s30 =	simm.s32 @!p0 $0x1;
	[sflag:s20] =	ssyncadd.s32 $0xFFFFEC00  }
0x34: {  	[spmem:s3] =	stream.indirect.scatter.add.f32 [tilespmem:s19], [sflag:$0x1], $0x80, s4, s21, $0xb8;
	[tilespmem:$0x1D400] =	vst v63  }
0x35: {  	_ =	swait.ge @!p0 [sflag:s30], $0x4000  }
0x36: {  	s28 =	simm.s32 $0x1;
	s29 =	simm.s32 $0x0;
	[sflag:s30] =	ssyncset.done @!p0 $0x0  }
.LBB2_2:
0x37: {  	[sflag:s30] =	ssyncadd.s32 @!p0 $0xFFFFC000  }
0x38: {  	s29 =	sadd.s32 $0x80, s29;
	s30 =	smov.u32 s28;
	s28 =	sadd.s32 $0x1, s28  }
0x39: {  	p1 =	sne.s32 s28, $0x28  }
0x3a: {  	[spmem:s3] =	stream.indirect.scatter.add.f32 [tilespmem:s19], [sflag:$0x1], $0x80, s29, s21, $0xb8;
	[tilespmem:$0x1D400] =	vst v63  }
.Ltmp0:
0x3b: {  	_ = 	snop;
	(pc) =	sbr.rel @p1 .LBB2_2-.Ltmp0, $4  }
0x3c: {  	p0 =	slt.u32 s30, $0x8  }
0x3d: {  	s30 =	simm.s32 @!p0 $0x1  }
0x3e: {  	_ =	swait.ge @!p0 [sflag:s30], $0x4000  }
0x3f: {  	[sflag:s30] =	ssyncset.done @!p0 $0x0  }
0x40: {  	[sflag:s30] =	ssyncadd.s32 @!p0 $0xFFFFC000  }
0x41: {  	_ =	swait.ge [sflag:s22], $0x4000  }
0x42: {  	[sflag:s22] =	ssyncset.done $0x0  }
0x43: {  	[sflag:s22] =	ssyncadd.s32 $0xFFFFC000  }
0x44: {  	_ =	swait.ge [sflag:s22], $0x4000  }
0x45: {  	[sflag:s22] =	ssyncset.done $0x0  }
0x46: {  	[sflag:s22] =	ssyncadd.s32 $0xFFFFC000  }
0x47: {  	_ =	swait.ge [sflag:s22], $0x4000  }
0x48: {  	[sflag:s22] =	ssyncset.done $0x0  }
0x49: {  	[sflag:s22] =	ssyncadd.s32 $0xFFFFC000  }
0x4a: {  	_ =	swait.ge [sflag:s22], $0x4000  }
0x4b: {  	[sflag:s22] =	ssyncset.done $0x0  }
0x4c: {  	[sflag:s22] =	ssyncadd.s32 $0xFFFFC000  }
0x4d: {  	_ =	swait.ge [sflag:s22], $0x4000  }
0x4e: {  	[sflag:s22] =	ssyncset.done $0x0  }
0x4f: {  	[sflag:s22] =	ssyncadd.s32 $0xFFFFC000  }
0x50: {  	_ =	swait.ge [sflag:s22], $0x4000  }
0x51: {  	[sflag:s22] =	ssyncset.done $0x0  }
0x52: {  	[sflag:s22] =	ssyncadd.s32 $0xFFFFC000  }
0x53: {  	_ =	swait.ge [sflag:s22], $0x4000  }
0x54: {  	[sflag:s22] =	ssyncset.done $0x0  }
0x55: {  	[sflag:s22] =	ssyncadd.s32 $0xFFFFC000  }
0x56: {  	_ =	swait.ge [sflag:s22], $0x4000  }
0x57: {  	[sflag:s22] =	ssyncset.done $0x0  }
0x58: {  	s28 =	simm.s32 $0x0;
	[sflag:s22] =	ssyncadd.s32 $0xFFFFC000  }
0x59: {  	[tilespmem:s28], [sflag:$0x4] =	stream.linear.gather [hbm4b:s12+s28], $0x1400, $0x38;
	[tilespmem:$0x1D400] =	vst v63  }
0x5a: {  	_ =	swait.ge [sflag:s20], $0x1400  }
0x5b: {  	p0 =	por $0x1, $0x1;
	[sflag:s20] =	ssyncset.done $0x0  }
0x5c: {  	s30 =	simm.s32 @!p0 $0x1;
	[sflag:s20] =	ssyncadd.s32 $0xFFFFEC00  }
0x5d: {  	[spmem:s3] =	stream.indirect.scatter.add.f32 [tilespmem:s19], [sflag:$0x1], $0x80, s28, s21, $0xb8;
	[tilespmem:$0x1D400] =	vst v63  }
0x5e: {  	_ =	swait.ge @!p0 [sflag:s30], $0x4000  }
0x5f: {  	s29 =	simm.s32 $0x1;
	[sflag:s30] =	ssyncset.done @!p0 $0x0  }
.LBB2_4:
0x60: {  	[sflag:s30] =	ssyncadd.s32 @!p0 $0xFFFFC000  }
0x61: {  	s28 =	sadd.s32 $0x80, s28;
	s30 =	smov.u32 s29;
	s29 =	sadd.s32 $0x1, s29  }
0x62: {  	p1 =	sne.s32 s29, $0x28  }
0x63: {  	[spmem:s3] =	stream.indirect.scatter.add.f32 [tilespmem:s19], [sflag:$0x1], $0x80, s28, s21, $0xb8;
	[tilespmem:$0x1D400] =	vst v63  }
.Ltmp1:
0x64: {  	_ = 	snop;
	(pc) =	sbr.rel @p1 .LBB2_4-.Ltmp1, $4  }
0x65: {  	p0 =	slt.u32 s30, $0x8  }
0x66: {  	s30 =	simm.s32 @!p0 $0x1  }
0x67: {  	_ =	swait.ge @!p0 [sflag:s30], $0x4000  }
0x68: {  	[sflag:s30] =	ssyncset.done @!p0 $0x0  }
0x69: {  	[sflag:s30] =	ssyncadd.s32 @!p0 $0xFFFFC000  }
0x6a: {  	_ =	swait.ge [sflag:s22], $0x4000  }
0x6b: {  	[sflag:s22] =	ssyncset.done $0x0  }
0x6c: {  	[sflag:s22] =	ssyncadd.s32 $0xFFFFC000  }
0x6d: {  	_ =	swait.ge [sflag:s22], $0x4000  }
0x6e: {  	[sflag:s22] =	ssyncset.done $0x0  }
0x6f: {  	[sflag:s22] =	ssyncadd.s32 $0xFFFFC000  }
0x70: {  	_ =	swait.ge [sflag:s22], $0x4000  }
0x71: {  	[sflag:s22] =	ssyncset.done $0x0  }
0x72: {  	[sflag:s22] =	ssyncadd.s32 $0xFFFFC000  }
0x73: {  	_ =	swait.ge [sflag:s22], $0x4000  }
0x74: {  	[sflag:s22] =	ssyncset.done $0x0  }
0x75: {  	[sflag:s22] =	ssyncadd.s32 $0xFFFFC000  }
0x76: {  	_ =	swait.ge [sflag:s22], $0x4000  }
0x77: {  	[sflag:s22] =	ssyncset.done $0x0  }
0x78: {  	[sflag:s22] =	ssyncadd.s32 $0xFFFFC000  }
0x79: {  	_ =	swait.ge [sflag:s22], $0x4000  }
0x7a: {  	[sflag:s22] =	ssyncset.done $0x0  }
0x7b: {  	[sflag:s22] =	ssyncadd.s32 $0xFFFFC000  }
0x7c: {  	_ =	swait.ge [sflag:s22], $0x4000  }
0x7d: {  	[sflag:s22] =	ssyncset.done $0x0  }
0x7e: {  	[sflag:s22] =	ssyncadd.s32 $0xFFFFC000  }
0x7f: {  	_ =	swait.ge [sflag:s22], $0x4000  }
0x80: {  	[sflag:s22] =	ssyncset.done $0x0  }
0x81: {  	[sflag:s22] =	ssyncadd.s32 $0xFFFFC000  }
0x82: {  	[bflag:$0x0] =	sbarrier.arrive $0xFFFF  }
0x83: {  	[tilespmem:s19], [sflag:$0x4] =	stream.linear.gather [spmem:s6], $0x4000, $0x38;
	[tilespmem:$0x1D400] =	vst v63  }
0x84: {  	_ =	swait.ge [sflag:s20], $0x4000  }
0x85: {  	[sflag:s20] =	ssyncset.done $0x0  }
0x86: {  	[sflag:s20] =	ssyncadd.s32 $0xFFFFC000  }
0x87: {  	[hbm4b:s13+s4] =	stream.linear.scatter [tilespmem:s19], [sflag:$0x2], $0x4000, $0x38;
	[tilespmem:$0x1D400] =	vst v63  }
0x88: {  	_ = 	snop  }
0x89: {  	[tilespmem:s23], [sflag:$0x4] =	stream.linear.gather [spmem:s7], $0x4000, $0x38;
	[tilespmem:$0x1D400] =	vst v63  }
0x8a: {  	_ =	swait.ge [sflag:s20], $0x4000  }
0x8b: {  	[sflag:s20] =	ssyncset.done $0x0  }
0x8c: {  	[sflag:s20] =	ssyncadd.s32 $0xFFFFC000  }
0x8d: {  	[hbm4b:s14+s4] =	stream.linear.scatter [tilespmem:s23], [sflag:$0x3], $0x4000, $0x38;
	[tilespmem:$0x1D400] =	vst v63  }
0x8e: {  	_ =	swait.ge [sflag:s24], $0x4000  }
0x8f: {  	[sflag:s24] =	ssyncset.done $0x0  }
0x90: {  	[sflag:s24] =	ssyncadd.s32 $0xFFFFC000  }
0x91: {  	[tilespmem:s19], [sflag:$0x4] =	stream.linear.gather [spmem:s8], $0x4000, $0x38;
	[tilespmem:$0x1D400] =	vst v63  }
0x92: {  	_ =	swait.ge [sflag:s20], $0x4000  }
0x93: {  	[sflag:s20] =	ssyncset.done $0x0  }
0x94: {  	[sflag:s20] =	ssyncadd.s32 $0xFFFFC000  }
0x95: {  	[hbm4b:s15+s4] =	stream.linear.scatter [tilespmem:s19], [sflag:$0x2], $0x4000, $0x38;
	[tilespmem:$0x1D400] =	vst v63  }
0x96: {  	_ =	swait.ge [sflag:s25], $0x4000  }
0x97: {  	[sflag:s25] =	ssyncset.done $0x0  }
0x98: {  	[sflag:s25] =	ssyncadd.s32 $0xFFFFC000  }
0x99: {  	[tilespmem:s23], [sflag:$0x4] =	stream.linear.gather [spmem:s9], $0x4000, $0x38;
	[tilespmem:$0x1D400] =	vst v63  }
0x9a: {  	_ =	swait.ge [sflag:s20], $0x4000  }
0x9b: {  	[sflag:s20] =	ssyncset.done $0x0  }
0x9c: {  	[sflag:s20] =	ssyncadd.s32 $0xFFFFC000  }
0x9d: {  	[hbm4b:s16+s4] =	stream.linear.scatter [tilespmem:s23], [sflag:$0x3], $0x4000, $0x38;
	[tilespmem:$0x1D400] =	vst v63  }
0x9e: {  	_ =	swait.ge [sflag:s24], $0x4000  }
0x9f: {  	[sflag:s24] =	ssyncset.done $0x0  }
0xa0: {  	[sflag:s24] =	ssyncadd.s32 $0xFFFFC000  }
0xa1: {  	[tilespmem:s19], [sflag:$0x4] =	stream.linear.gather [spmem:s10], $0x4000, $0x38;
	[tilespmem:$0x1D400] =	vst v63  }
0xa2: {  	_ =	swait.ge [sflag:s20], $0x4000  }
0xa3: {  	[sflag:s20] =	ssyncset.done $0x0  }
0xa4: {  	s26 =	sadd.s32 $0x1, s26;
	[sflag:s20] =	ssyncadd.s32 $0xFFFFC000  }
0xa5: {  	[hbm4b:s17+s4] =	stream.linear.scatter [tilespmem:s19], [sflag:$0x2], $0x4000, $0x38;
	[tilespmem:$0x1D400] =	vst v63  }
0xa6: {  	p0 =	sne.s32 s26, s18;
	_ =	swait.ge [sflag:s25], $0x4000  }
.Ltmp2:
0xa7: {  	[sflag:s25] =	ssyncset.done $0x0;
	(pc) =	sbr.rel @p0 .LBB2_1-.Ltmp2, $4  }
0xa8: {  	[sflag:s25] =	ssyncadd.s32 $0xFFFFC000  }
0xa9: {  	_ =	swait.ge [sflag:s24], $0x4000  }
0xaa: {  	[sflag:s24] =	ssyncset.done $0x0  }
0xab: {  	[sflag:s24] =	ssyncadd.s32 $0xFFFFC000  }
0xac: {  	_ =	sfence.sel $0x180000  }
0xad: {  	[bflag:$0x0] =	sbarrier.arrive $0xFFFF  }
0xae: {  	p0 =	sne.s32 s0, $0x0;
	_ =	strace $0x9000004A  }
0xaf: {  	s0 =	sadd.s32 @!p0 $0x100000, s1;
	[bflag:$0x2] =	sbarrier.arrive $0xFFFF  }
0xb0: {  	[sflag:s0] =	ssyncadd.tile.s32 @!p0 $0x1;
	_ =	shalt  }
.Lfunc_end2:
_tile_overlayer_lowered:
.L_overlay_start_2:
0xb1: {  	(tag) =	ssettag $0x2  }
0xb2: {  	s0 =	rddreg [dreg:$0x0];
	s2 =	stileid.u32  }
0xb3: {  	s1 =	rddreg [dreg:$0x1];
	p0 =	sne.s32 s2, $0x0  }
0xb4: {  	s3 =	rddreg [dreg:$0x2];
	[bflag:$0x3] =	sbarrier.arrive $0xFFFF;
	s2 =	simm.s32 @!p0 $0x1C04  }
0xb5: {  	[timem:s3], [sflag:s2] =	dma.local @!p0 [hbm:s0], s1  }
0xb6: {  	s0 =	simm.s32 @!p0 $0x4  }
0xb7: {  	_ =	swait.ge @!p0 [sflag:s0], s1  }
0xb8: {  	s1 =	ssub.s32 @!p0 $0x0, s1;
	[sflag:s0] =	ssyncset.done @!p0 $0x0  }
0xb9: {  	[sflag:s0] =	ssyncadd.s32 @!p0 s1  }
0xba: {  	[bflag:$0x3] =	sbarrier.arrive $0xFFFF  }
0xbb: {  	_ =	shalt  }

</sc_bundles>
